<compile_context>
chip_gen: v7x
topology: tpu7x:2x2x1
jax: 0.10.2.dev20260603
libtpu: 0.0.44.dev20260713+nightly
codegen_flags: <defaults>
</compile_context>

<pallas_src>
import jax
import jax.numpy as jnp
from jax import lax
from jax.experimental import pallas as pl
from jax.experimental.pallas import tpu as pltpu
from jax.experimental.pallas import tpu_sc as plsc

N = 10000
E = 160000
D = 256
DH = 128
NC = 2
NS = 16
NPAD = 10112
ROWS_PER_TILE = NPAD // NS
EDGES_PER_TILE = E // NS
CHUNK = 80
K = EDGES_PER_TILE // CHUNK
G = 5
KG = K // G
NBUF = 3
ZROWS = 32


def _sc_agg_body(xlo, xhi, e4, alo, ahi,
                 src_all, dst_all, rows_a, rows_b, rows_c, zbuf, acc,
                 sem_a, sem_b, sem_c):
    c = lax.axis_index("c")
    s = lax.axis_index("s")

    rows = (rows_a, rows_b, rows_c)
    sems = (sem_a, sem_b, sem_c)

    def start_gather(j, buf, sm):
        @pl.when(c == 0)
        def _g0():
            pltpu.async_copy(xlo.at[src_all.at[j]], buf, sm)

        @pl.when(c == 1)
        def _g1():
            pltpu.async_copy(xhi.at[src_all.at[j]], buf, sm)

    def wait_gather(buf, sm):
        pltpu.make_async_copy(xlo.at[src_all.at[0]], buf, sm).wait()

    pltpu.sync_copy(e4.at[0, s, 0], src_all)
    pltpu.sync_copy(e4.at[1, s, 0], dst_all)
    for b in range(NBUF):
        start_gather(b, rows[b], sems[b])

    zv = jnp.zeros((16,), jnp.float32)

    def zrow(i, carry):
        for j in range(DH // 16):
            zbuf[i, pl.ds(j * 16, 16)] = zv
        return carry

    lax.fori_loop(0, ZROWS, zrow, 0)
    for k2 in range(ROWS_PER_TILE // ZROWS):
        pltpu.sync_copy(zbuf, acc.at[pl.ds(s * ROWS_PER_TILE + k2 * ZROWS, ZROWS)])
    _tail = ROWS_PER_TILE % ZROWS
    if _tail:
        pltpu.sync_copy(
            zbuf.at[pl.ds(0, _tail)],
            acc.at[pl.ds(s * ROWS_PER_TILE + (ROWS_PER_TILE // ZROWS) * ZROWS,
                         _tail)])

    plsc.subcore_barrier()

    def consume(j, b):
        wait_gather(rows[b], sems[b])
        pltpu.sync_copy(rows[b], acc.at[dst_all.at[j]], add=True)

        @pl.when(j + NBUF < KG)
        def _nxt():
            start_gather(j + NBUF, rows[b], sems[b])

    for h in range(G):
        if h > 0:
            pltpu.sync_copy(e4.at[0, s, h], src_all)
            pltpu.sync_copy(e4.at[1, s, h], dst_all)
            for b in range(NBUF):
                start_gather(b, rows[b], sems[b])

        def group(i, carry):
            for b in range(NBUF):
                consume(NBUF * i + b, b)
            return carry

        lax.fori_loop(0, KG // NBUF, group, 0)
        for j in range((KG // NBUF) * NBUF, KG):
            consume(j, j % NBUF)

    plsc.subcore_barrier()

    off = s * ROWS_PER_TILE

    @pl.when(c == 0)
    def _w0():
        pltpu.sync_copy(acc.at[pl.ds(off, ROWS_PER_TILE)],
                        alo.at[pl.ds(off, ROWS_PER_TILE)])

    @pl.when(c == 1)
    def _w1():
        pltpu.sync_copy(acc.at[pl.ds(off, ROWS_PER_TILE)],
                        ahi.at[pl.ds(off, ROWS_PER_TILE)])


_sc_agg = pl.kernel(
    _sc_agg_body,
    out_type=[jax.ShapeDtypeStruct((NPAD, DH), jnp.float32),
              jax.ShapeDtypeStruct((NPAD, DH), jnp.float32)],
    mesh=plsc.VectorSubcoreMesh(core_axis_name="c", subcore_axis_name="s"),
    scratch_types=[
        pltpu.VMEM((KG, CHUNK), jnp.int32),
        pltpu.VMEM((KG, CHUNK), jnp.int32),
        pltpu.VMEM((CHUNK, DH), jnp.float32),
        pltpu.VMEM((CHUNK, DH), jnp.float32),
        pltpu.VMEM((CHUNK, DH), jnp.float32),
        pltpu.VMEM((ZROWS, DH), jnp.float32),
        pltpu.VMEM_SHARED((NPAD, DH), jnp.float32),
        pltpu.SemaphoreType.DMA,
        pltpu.SemaphoreType.DMA,
        pltpu.SemaphoreType.DMA,
    ],
)


BLK = 1000


def _tc_pre_body(x_ref, wupd_ref, wgx_ref, b_ref, t1_ref, t2_ref):
    x = x_ref[...]
    t1 = jnp.dot(x, wupd_ref[...]) + b_ref[0:1, :]
    t2 = jnp.dot(x, wgx_ref[...]) + b_ref[1:2, :]
    t1_ref[...] = t1.astype(jnp.bfloat16)
    t2_ref[...] = t2.astype(jnp.bfloat16)


_tc_pre = pl.pallas_call(
    _tc_pre_body,
    grid=(N // BLK,),
    in_specs=[
        pl.BlockSpec((BLK, D), lambda i: (i, 0)),
        pl.BlockSpec((D, D), lambda i: (0, 0)),
        pl.BlockSpec((D, D), lambda i: (1, 0)),
        pl.BlockSpec((2, D), lambda i: (0, 0)),
    ],
    out_specs=[pl.BlockSpec((BLK, D), lambda i: (i, 0)),
               pl.BlockSpec((BLK, D), lambda i: (i, 0))],
    out_shape=[jax.ShapeDtypeStruct((N, D), jnp.bfloat16),
               jax.ShapeDtypeStruct((N, D), jnp.bfloat16)],
)


def _tc_post_body(x_ref, t1_ref, t2_ref, alo_ref, ahi_ref, wgnn_ref, wgu_ref,
                  out_ref):
    x = x_ref[...]
    z = (jnp.dot(alo_ref[...], wgnn_ref[0:DH, :])
         + jnp.dot(ahi_ref[...], wgnn_ref[DH:D, :]))
    u = t1_ref[...].astype(jnp.float32) + z
    g = jax.nn.sigmoid(jnp.dot(u, wgu_ref[...]) + t2_ref[...].astype(jnp.float32))
    out_ref[...] = jnp.tanh(u) * g + x * (1.0 - g)


_tc_post = pl.pallas_call(
    _tc_post_body,
    grid=(N // BLK,),
    in_specs=[
        pl.BlockSpec((BLK, D), lambda i: (i, 0)),
        pl.BlockSpec((BLK, D), lambda i: (i, 0)),
        pl.BlockSpec((BLK, D), lambda i: (i, 0)),
        pl.BlockSpec((BLK, DH), lambda i: (i, 0)),
        pl.BlockSpec((BLK, DH), lambda i: (i, 0)),
        pl.BlockSpec((D, D), lambda i: (0, 0)),
        pl.BlockSpec((D, D), lambda i: (0, 0)),
    ],
    out_specs=pl.BlockSpec((BLK, D), lambda i: (i, 0)),
    out_shape=jax.ShapeDtypeStruct((N, D), jnp.float32),
)


def kernel(x, W_gnn, b_gnn, W_upd, b_upd, W_gate, b_gate, edge_index):
    x_lo = x[:, :DH]
    x_hi = x[:, DH:]
    e4 = edge_index.reshape(2, NS, G, KG, CHUNK)
    agg_lo, agg_hi = _sc_agg(x_lo, x_hi, e4)
    b = jnp.stack([b_gnn + b_upd, b_gate], axis=0)
    t1, t2 = _tc_pre(x, W_upd, W_gate, b)
    return _tc_post(x, t1, t2, agg_lo, agg_hi, W_gnn, W_gate)

# --- scband reference (transcript-rebuilt; emitter-appended) ---
"""Pipeline reference for scband-gate-27444841021577 (READ-ONLY COPY).

The authoritative reference and input builder live on the scoring server;
editing this copy changes nothing except your own understanding.
"""

import jax, jax.numpy as jnp
import numpy as np

N_NODES = 10000
N_EDGES = 160000
D = 256


def setup_inputs(seed: int = 0) -> dict:
    key = jax.random.key(seed)
    ks = jax.random.split(key, 8)
    x = jax.random.normal(ks[0], (N_NODES, D), dtype=jnp.float32)
    edge_index = jax.random.randint(ks[1], (2, N_EDGES), 0, N_NODES, dtype=jnp.int32)
    s = 1.0 / np.sqrt(D)
    W_gnn = jax.random.normal(ks[2], (D, D), dtype=jnp.float32) * s
    b_gnn = jnp.zeros((D,), dtype=jnp.float32)
    W_upd = jax.random.normal(ks[3], (D, D), dtype=jnp.float32) * s
    b_upd = jnp.zeros((D,), dtype=jnp.float32)
    W_gate = jax.random.normal(ks[4], (2 * D, D), dtype=jnp.float32) * (1.0 / np.sqrt(2 * D))
    b_gate = jnp.zeros((D,), dtype=jnp.float32)
    return {
        "x": x,
        "W_gnn": W_gnn,
        "b_gnn": b_gnn,
        "W_upd": W_upd,
        "b_upd": b_upd,
        "W_gate": W_gate,
        "b_gate": b_gate,
        "edge_index": edge_index,
    }


def reference(x, W_gnn, b_gnn, W_upd, b_upd, W_gate, b_gate, edge_index):
    # gnn: gather source-node features, scatter-add into destination nodes, linear
    src = edge_index[0]
    dst = edge_index[1]
    msgs = jnp.take(x, src, axis=0)                      # gather  [E, D]
    agg = jax.ops.segment_sum(msgs, dst, num_segments=N_NODES)  # scatter-add [N, D]
    z = agg @ W_gnn + b_gnn
    # update path
    u = (x @ W_upd + b_upd) + z
    # gate
    g_in = jnp.concatenate([u, x], axis=-1)              # [N, 2D]
    g = jax.nn.sigmoid(g_in @ W_gate + b_gate)
    u = jnp.tanh(u)
    new_x = u * g + x * (1.0 - g)
    return new_x

if __name__ == "__main__":
    import jax
    _d = setup_inputs()
    print(jax.jit(kernel)(*tuple(_d.values())))

</pallas_src>

<mosaic_0001>
#map = affine_map<(d0, d1) -> (0, 0)>
#map1 = affine_map<(d0, d1) -> (0, 0, 0, 0, 0)>
module attributes {stable_mosaic.version = 14 : i64} {
  func.func @_sc_agg_body(%arg0: i32, %arg1: i32, %arg2: memref<10000x128xf32, #tpu.memory_space<hbm>>, %arg3: memref<10000x128xf32, #tpu.memory_space<hbm>>, %arg4: memref<2x16x5x25x80xi32, #tpu.memory_space<hbm>>, %arg5: memref<10112x128xf32, #tpu.memory_space<hbm>>, %arg6: memref<10112x128xf32, #tpu.memory_space<hbm>>, %arg7: memref<25x80xi32, #tpu.memory_space<vmem>>, %arg8: memref<25x80xi32, #tpu.memory_space<vmem>>, %arg9: memref<80x128xf32, #tpu.memory_space<vmem>>, %arg10: memref<80x128xf32, #tpu.memory_space<vmem>>, %arg11: memref<80x128xf32, #tpu.memory_space<vmem>>, %arg12: memref<32x128xf32, #tpu.memory_space<vmem>>, %arg13: memref<10112x128xf32, #tpu.memory_space<vmem_shared>>, %arg14: memref<!tpu.dma_semaphore, #tpu.memory_space<semaphore_mem>>, %arg15: memref<!tpu.dma_semaphore, #tpu.memory_space<semaphore_mem>>, %arg16: memref<!tpu.dma_semaphore, #tpu.memory_space<semaphore_mem>>) attributes {dimension_semantics = [#tpu.dimension_semantics<core_parallel>, #tpu.dimension_semantics<subcore_parallel>], iteration_bounds = array<i64: 2, 16>, scalar_prefetch = 0 : i64, scratch_operands = 10 : i64, tpu.core_type = #tpu.core_type<sc_vector_subcore>, window_params = [{transform_indices = #map}, {transform_indices = #map}, {transform_indices = #map1}, {transform_indices = #map}, {transform_indices = #map}]} {
    %run_scoped3A = arith.constant 0 : i32
    %run_scoped3A_0 = arith.constant 0 : i32
    "tpu.region"() ({
      %run_scoped3A_332 = tpu.sem_alloc : memref<!tpu.dma_semaphore, #tpu.memory_space<semaphore_mem>>
      %dma_start3A = arith.constant 0 : i32
      %dma_start3A_333 = arith.constant 0 : i32
      %dma_start3A_334 = tpu.memref_slice %arg4[%run_scoped3A, %arg1, %run_scoped3A_0, %dma_start3A, %dma_start3A_333] : memref<2x16x5x25x80xi32, #tpu.memory_space<hbm>> -> memref<1x1x1x25x80xi32, #tpu.memory_space<hbm>>
      %dma_start3A_335 = tpu.memref_squeeze %dma_start3A_334 : memref<1x1x1x25x80xi32, #tpu.memory_space<hbm>> -> memref<25x80xi32, #tpu.memory_space<hbm>>
      %dma_start3A_336 = arith.constant 0 : i32
      %dma_start3A_337 = arith.constant 0 : i32
      %dma_start3A_338 = tpu.memref_slice %arg4[%run_scoped3A, %arg1, %run_scoped3A_0, %dma_start3A_336, %dma_start3A_337] : memref<2x16x5x25x80xi32, #tpu.memory_space<hbm>> -> memref<1x1x1x25x80xi32, #tpu.memory_space<hbm>>
      %dma_start3A_339 = tpu.memref_squeeze %dma_start3A_338 : memref<1x1x1x25x80xi32, #tpu.memory_space<hbm>> -> memref<25x80xi32, #tpu.memory_space<hbm>>
      tpu.enqueue_dma source(%dma_start3A_339 : memref<25x80xi32, #tpu.memory_space<hbm>>) target(%arg7 : memref<25x80xi32, #tpu.memory_space<vmem>>) target_semaphore(%run_scoped3A_332 : memref<!tpu.dma_semaphore, #tpu.memory_space<semaphore_mem>>)
      %dma_wait3A_340 = arith.constant 0 : i32
      %dma_wait3A_341 = arith.constant 0 : i32
      %dma_wait3A_342 = tpu.memref_slice %arg4[%run_scoped3A, %arg1, %run_scoped3A_0, %dma_wait3A_340, %dma_wait3A_341] : memref<2x16x5x25x80xi32, #tpu.memory_space<hbm>> -> memref<1x1x1x25x80xi32, #tpu.memory_space<hbm>>
      %dma_wait3A_343 = tpu.memref_squeeze %dma_wait3A_342 : memref<1x1x1x25x80xi32, #tpu.memory_space<hbm>> -> memref<25x80xi32, #tpu.memory_space<hbm>>
      %dma_wait3A_344 = arith.constant 0 : i32
      %dma_wait3A_345 = arith.constant 0 : i32
      %dma_wait3A_346 = tpu.memref_slice %arg4[%run_scoped3A, %arg1, %run_scoped3A_0, %dma_wait3A_344, %dma_wait3A_345] : memref<2x16x5x25x80xi32, #tpu.memory_space<hbm>> -> memref<1x1x1x25x80xi32, #tpu.memory_space<hbm>>
      %dma_wait3A_347 = tpu.memref_squeeze %dma_wait3A_346 : memref<1x1x1x25x80xi32, #tpu.memory_space<hbm>> -> memref<25x80xi32, #tpu.memory_space<hbm>>
      tpu.wait_dma2 semaphore(%run_scoped3A_332 : memref<!tpu.dma_semaphore, #tpu.memory_space<semaphore_mem>>) src(%dma_wait3A_347 : memref<25x80xi32, #tpu.memory_space<hbm>>) dst(%arg7 : memref<25x80xi32, #tpu.memory_space<vmem>>)
      tpu.yield
    }) : () -> ()
    %run_scoped3A_1 = arith.constant 1 : i32
    %run_scoped3A_2 = arith.constant 0 : i32
    "tpu.region"() ({
      %run_scoped3A_332 = tpu.sem_alloc : memref<!tpu.dma_semaphore, #tpu.memory_space<semaphore_mem>>
      %dma_start3A = arith.constant 0 : i32
      %dma_start3A_333 = arith.constant 0 : i32
      %dma_start3A_334 = tpu.memref_slice %arg4[%run_scoped3A_1, %arg1, %run_scoped3A_2, %dma_start3A, %dma_start3A_333] : memref<2x16x5x25x80xi32, #tpu.memory_space<hbm>> -> memref<1x1x1x25x80xi32, #tpu.memory_space<hbm>>
      %dma_start3A_335 = tpu.memref_squeeze %dma_start3A_334 : memref<1x1x1x25x80xi32, #tpu.memory_space<hbm>> -> memref<25x80xi32, #tpu.memory_space<hbm>>
      %dma_start3A_336 = arith.constant 0 : i32
      %dma_start3A_337 = arith.constant 0 : i32
      %dma_start3A_338 = tpu.memref_slice %arg4[%run_scoped3A_1, %arg1, %run_scoped3A_2, %dma_start3A_336, %dma_start3A_337] : memref<2x16x5x25x80xi32, #tpu.memory_space<hbm>> -> memref<1x1x1x25x80xi32, #tpu.memory_space<hbm>>
      %dma_start3A_339 = tpu.memref_squeeze %dma_start3A_338 : memref<1x1x1x25x80xi32, #tpu.memory_space<hbm>> -> memref<25x80xi32, #tpu.memory_space<hbm>>
      tpu.enqueue_dma source(%dma_start3A_339 : memref<25x80xi32, #tpu.memory_space<hbm>>) target(%arg8 : memref<25x80xi32, #tpu.memory_space<vmem>>) target_semaphore(%run_scoped3A_332 : memref<!tpu.dma_semaphore, #tpu.memory_space<semaphore_mem>>)
      %dma_wait3A_340 = arith.constant 0 : i32
      %dma_wait3A_341 = arith.constant 0 : i32
      %dma_wait3A_342 = tpu.memref_slice %arg4[%run_scoped3A_1, %arg1, %run_scoped3A_2, %dma_wait3A_340, %dma_wait3A_341] : memref<2x16x5x25x80xi32, #tpu.memory_space<hbm>> -> memref<1x1x1x25x80xi32, #tpu.memory_space<hbm>>
      %dma_wait3A_343 = tpu.memref_squeeze %dma_wait3A_342 : memref<1x1x1x25x80xi32, #tpu.memory_space<hbm>> -> memref<25x80xi32, #tpu.memory_space<hbm>>
      %dma_wait3A_344 = arith.constant 0 : i32
      %dma_wait3A_345 = arith.constant 0 : i32
      %dma_wait3A_346 = tpu.memref_slice %arg4[%run_scoped3A_1, %arg1, %run_scoped3A_2, %dma_wait3A_344, %dma_wait3A_345] : memref<2x16x5x25x80xi32, #tpu.memory_space<hbm>> -> memref<1x1x1x25x80xi32, #tpu.memory_space<hbm>>
      %dma_wait3A_347 = tpu.memref_squeeze %dma_wait3A_346 : memref<1x1x1x25x80xi32, #tpu.memory_space<hbm>> -> memref<25x80xi32, #tpu.memory_space<hbm>>
      tpu.wait_dma2 semaphore(%run_scoped3A_332 : memref<!tpu.dma_semaphore, #tpu.memory_space<semaphore_mem>>) src(%dma_wait3A_347 : memref<25x80xi32, #tpu.memory_space<hbm>>) dst(%arg8 : memref<25x80xi32, #tpu.memory_space<vmem>>)
      tpu.yield
    }) : () -> ()
    %eq3A = arith.constant 0 : i32
    %eq3A_3 = arith.cmpi eq, %arg0, %eq3A : i32
    %convert_element_type3A = arith.extui %eq3A_3 : i1 to i32
    %cond3A = arith.constant 0 : i32
    %cond3A_4 = arith.cmpi ne, %convert_element_type3A, %cond3A : i32
    scf.if %cond3A_4 {
      %dma_start3A = arith.constant 0 : i32
      %dma_start3A_332 = arith.constant 0 : i32
      %dma_start3A_333 = tpu.memref_slice %arg7[%dma_start3A, %dma_start3A_332] : memref<25x80xi32, #tpu.memory_space<vmem>> -> memref<1x80xi32, #tpu.memory_space<vmem>>
      %dma_start3A_334 = tpu.memref_squeeze %dma_start3A_333 : memref<1x80xi32, #tpu.memory_space<vmem>> -> memref<80xi32, #tpu.memory_space<vmem>>
      %dma_start3A_335 = arith.constant 0 : i32
      %dma_start3A_336 = arith.constant 0 : i32
      %dma_start3A_337 = tpu.memref_slice %arg2[%dma_start3A_335, %dma_start3A_336] : memref<10000x128xf32, #tpu.memory_space<hbm>> -> memref<10000x128xf32, #tpu.memory_space<hbm>>
      tpu.enqueue_indirect_dma source(%dma_start3A_337 : memref<10000x128xf32, #tpu.memory_space<hbm>>) target(%arg9 : memref<80x128xf32, #tpu.memory_space<vmem>>) offsets(%dma_start3A_334 : memref<80xi32, #tpu.memory_space<vmem>>) semaphore(%arg14 : memref<!tpu.dma_semaphore, #tpu.memory_space<semaphore_mem>>)
    } else {
    }
    %eq3A_5 = arith.constant 1 : i32
    %eq3A_6 = arith.cmpi eq, %arg0, %eq3A_5 : i32
    %convert_element_type3A_7 = arith.extui %eq3A_6 : i1 to i32
    %cond3A_8 = arith.constant 0 : i32
    %cond3A_9 = arith.cmpi ne, %convert_element_type3A_7, %cond3A_8 : i32
    scf.if %cond3A_9 {
      %dma_start3A = arith.constant 0 : i32
      %dma_start3A_332 = arith.constant 0 : i32
      %dma_start3A_333 = tpu.memref_slice %arg7[%dma_start3A, %dma_start3A_332] : memref<25x80xi32, #tpu.memory_space<vmem>> -> memref<1x80xi32, #tpu.memory_space<vmem>>
      %dma_start3A_334 = tpu.memref_squeeze %dma_start3A_333 : memref<1x80xi32, #tpu.memory_space<vmem>> -> memref<80xi32, #tpu.memory_space<vmem>>
      %dma_start3A_335 = arith.constant 0 : i32
      %dma_start3A_336 = arith.constant 0 : i32
      %dma_start3A_337 = tpu.memref_slice %arg3[%dma_start3A_335, %dma_start3A_336] : memref<10000x128xf32, #tpu.memory_space<hbm>> -> memref<10000x128xf32, #tpu.memory_space<hbm>>
      tpu.enqueue_indirect_dma source(%dma_start3A_337 : memref<10000x128xf32, #tpu.memory_space<hbm>>) target(%arg9 : memref<80x128xf32, #tpu.memory_space<vmem>>) offsets(%dma_start3A_334 : memref<80xi32, #tpu.memory_space<vmem>>) semaphore(%arg14 : memref<!tpu.dma_semaphore, #tpu.memory_space<semaphore_mem>>)
    } else {
    }
    %eq3A_10 = arith.constant 0 : i32
    %eq3A_11 = arith.cmpi eq, %arg0, %eq3A_10 : i32
    %convert_element_type3A_12 = arith.extui %eq3A_11 : i1 to i32
    %cond3A_13 = arith.constant 0 : i32
    %cond3A_14 = arith.cmpi ne, %convert_element_type3A_12, %cond3A_13 : i32
    scf.if %cond3A_14 {
      %dma_start3A = arith.constant 1 : i32
      %dma_start3A_332 = arith.constant 0 : i32
      %dma_start3A_333 = tpu.memref_slice %arg7[%dma_start3A, %dma_start3A_332] : memref<25x80xi32, #tpu.memory_space<vmem>> -> memref<1x80xi32, #tpu.memory_space<vmem>>
      %dma_start3A_334 = tpu.memref_squeeze %dma_start3A_333 : memref<1x80xi32, #tpu.memory_space<vmem>> -> memref<80xi32, #tpu.memory_space<vmem>>
      %dma_start3A_335 = arith.constant 0 : i32
      %dma_start3A_336 = arith.constant 0 : i32
      %dma_start3A_337 = tpu.memref_slice %arg2[%dma_start3A_335, %dma_start3A_336] : memref<10000x128xf32, #tpu.memory_space<hbm>> -> memref<10000x128xf32, #tpu.memory_space<hbm>>
      tpu.enqueue_indirect_dma source(%dma_start3A_337 : memref<10000x128xf32, #tpu.memory_space<hbm>>) target(%arg10 : memref<80x128xf32, #tpu.memory_space<vmem>>) offsets(%dma_start3A_334 : memref<80xi32, #tpu.memory_space<vmem>>) semaphore(%arg15 : memref<!tpu.dma_semaphore, #tpu.memory_space<semaphore_mem>>)
    } else {
    }
    %eq3A_15 = arith.constant 1 : i32
    %eq3A_16 = arith.cmpi eq, %arg0, %eq3A_15 : i32
    %convert_element_type3A_17 = arith.extui %eq3A_16 : i1 to i32
    %cond3A_18 = arith.constant 0 : i32
    %cond3A_19 = arith.cmpi ne, %convert_element_type3A_17, %cond3A_18 : i32
    scf.if %cond3A_19 {
      %dma_start3A = arith.constant 1 : i32
      %dma_start3A_332 = arith.constant 0 : i32
      %dma_start3A_333 = tpu.memref_slice %arg7[%dma_start3A, %dma_start3A_332] : memref<25x80xi32, #tpu.memory_space<vmem>> -> memref<1x80xi32, #tpu.memory_space<vmem>>
      %dma_start3A_334 = tpu.memref_squeeze %dma_start3A_333 : memref<1x80xi32, #tpu.memory_space<vmem>> -> memref<80xi32, #tpu.memory_space<vmem>>
      %dma_start3A_335 = arith.constant 0 : i32
      %dma_start3A_336 = arith.constant 0 : i32
      %dma_start3A_337 = tpu.memref_slice %arg3[%dma_start3A_335, %dma_start3A_336] : memref<10000x128xf32, #tpu.memory_space<hbm>> -> memref<10000x128xf32, #tpu.memory_space<hbm>>
      tpu.enqueue_indirect_dma source(%dma_start3A_337 : memref<10000x128xf32, #tpu.memory_space<hbm>>) target(%arg10 : memref<80x128xf32, #tpu.memory_space<vmem>>) offsets(%dma_start3A_334 : memref<80xi32, #tpu.memory_space<vmem>>) semaphore(%arg15 : memref<!tpu.dma_semaphore, #tpu.memory_space<semaphore_mem>>)
    } else {
    }
    %eq3A_20 = arith.constant 0 : i32
    %eq3A_21 = arith.cmpi eq, %arg0, %eq3A_20 : i32
    %convert_element_type3A_22 = arith.extui %eq3A_21 : i1 to i32
    %cond3A_23 = arith.constant 0 : i32
    %cond3A_24 = arith.cmpi ne, %convert_element_type3A_22, %cond3A_23 : i32
    scf.if %cond3A_24 {
      %dma_start3A = arith.constant 2 : i32
      %dma_start3A_332 = arith.constant 0 : i32
      %dma_start3A_333 = tpu.memref_slice %arg7[%dma_start3A, %dma_start3A_332] : memref<25x80xi32, #tpu.memory_space<vmem>> -> memref<1x80xi32, #tpu.memory_space<vmem>>
      %dma_start3A_334 = tpu.memref_squeeze %dma_start3A_333 : memref<1x80xi32, #tpu.memory_space<vmem>> -> memref<80xi32, #tpu.memory_space<vmem>>
      %dma_start3A_335 = arith.constant 0 : i32
      %dma_start3A_336 = arith.constant 0 : i32
      %dma_start3A_337 = tpu.memref_slice %arg2[%dma_start3A_335, %dma_start3A_336] : memref<10000x128xf32, #tpu.memory_space<hbm>> -> memref<10000x128xf32, #tpu.memory_space<hbm>>
      tpu.enqueue_indirect_dma source(%dma_start3A_337 : memref<10000x128xf32, #tpu.memory_space<hbm>>) target(%arg11 : memref<80x128xf32, #tpu.memory_space<vmem>>) offsets(%dma_start3A_334 : memref<80xi32, #tpu.memory_space<vmem>>) semaphore(%arg16 : memref<!tpu.dma_semaphore, #tpu.memory_space<semaphore_mem>>)
    } else {
    }
    %eq3A_25 = arith.constant 1 : i32
    %eq3A_26 = arith.cmpi eq, %arg0, %eq3A_25 : i32
    %convert_element_type3A_27 = arith.extui %eq3A_26 : i1 to i32
    %cond3A_28 = arith.constant 0 : i32
    %cond3A_29 = arith.cmpi ne, %convert_element_type3A_27, %cond3A_28 : i32
    scf.if %cond3A_29 {
      %dma_start3A = arith.constant 2 : i32
      %dma_start3A_332 = arith.constant 0 : i32
      %dma_start3A_333 = tpu.memref_slice %arg7[%dma_start3A, %dma_start3A_332] : memref<25x80xi32, #tpu.memory_space<vmem>> -> memref<1x80xi32, #tpu.memory_space<vmem>>
      %dma_start3A_334 = tpu.memref_squeeze %dma_start3A_333 : memref<1x80xi32, #tpu.memory_space<vmem>> -> memref<80xi32, #tpu.memory_space<vmem>>
      %dma_start3A_335 = arith.constant 0 : i32
      %dma_start3A_336 = arith.constant 0 : i32
      %dma_start3A_337 = tpu.memref_slice %arg3[%dma_start3A_335, %dma_start3A_336] : memref<10000x128xf32, #tpu.memory_space<hbm>> -> memref<10000x128xf32, #tpu.memory_space<hbm>>
      tpu.enqueue_indirect_dma source(%dma_start3A_337 : memref<10000x128xf32, #tpu.memory_space<hbm>>) target(%arg11 : memref<80x128xf32, #tpu.memory_space<vmem>>) offsets(%dma_start3A_334 : memref<80xi32, #tpu.memory_space<vmem>>) semaphore(%arg16 : memref<!tpu.dma_semaphore, #tpu.memory_space<semaphore_mem>>)
    } else {
    }
    %broadcast_in_dim3A = arith.constant 0.000000e+00 : f32
    %broadcast_in_dim3A_30 = vector.broadcast %broadcast_in_dim3A : f32 to vector<16xf32>
    %scan3A = arith.constant 0 : i32
    %scan3A_31 = arith.constant 0 : i32
    %scan3A_32 = arith.constant 32 : i32
    %scan3A_33 = arith.addi %scan3A_31, %scan3A_32 : i32
    %scan3A_34 = arith.constant 1 : i32
    scf.for %scan3A_332 = %scan3A_31 to %scan3A_33 step %scan3A_34  : i32 {
      %swap3A = arith.index_cast %scan3A_332 : i32 to index
      %swap3A_333 = arith.constant 0 : index
      %swap3A_334 = tpu.vector_load %arg12[%swap3A, %swap3A_333] {strides = array<i32>} : memref<32x128xf32, #tpu.memory_space<vmem>>, vector<1x16xf32>,
      %swap3A_335 = vector.shape_cast %swap3A_334 : vector<1x16xf32> to vector<16xf32>
      %swap3A_336 = vector.shape_cast %broadcast_in_dim3A_30 : vector<16xf32> to vector<1x16xf32>
      tpu.vector_store %arg12[%swap3A, %swap3A_333], %swap3A_336 {strides = array<i32>} : memref<32x128xf32, #tpu.memory_space<vmem>>, vector<1x16xf32>,
      %swap3A_337 = arith.index_cast %scan3A_332 : i32 to index
      %swap3A_338 = arith.constant 16 : index
      %swap3A_339 = tpu.vector_load %arg12[%swap3A_337, %swap3A_338] {strides = array<i32>} : memref<32x128xf32, #tpu.memory_space<vmem>>, vector<1x16xf32>,
      %swap3A_340 = vector.shape_cast %swap3A_339 : vector<1x16xf32> to vector<16xf32>
      %swap3A_341 = vector.shape_cast %broadcast_in_dim3A_30 : vector<16xf32> to vector<1x16xf32>
      tpu.vector_store %arg12[%swap3A_337, %swap3A_338], %swap3A_341 {strides = array<i32>} : memref<32x128xf32, #tpu.memory_space<vmem>>, vector<1x16xf32>,
      %swap3A_342 = arith.index_cast %scan3A_332 : i32 to index
      %swap3A_343 = arith.constant 32 : index
      %swap3A_344 = tpu.vector_load %arg12[%swap3A_342, %swap3A_343] {strides = array<i32>} : memref<32x128xf32, #tpu.memory_space<vmem>>, vector<1x16xf32>,
      %swap3A_345 = vector.shape_cast %swap3A_344 : vector<1x16xf32> to vector<16xf32>
      %swap3A_346 = vector.shape_cast %broadcast_in_dim3A_30 : vector<16xf32> to vector<1x16xf32>
      tpu.vector_store %arg12[%swap3A_342, %swap3A_343], %swap3A_346 {strides = array<i32>} : memref<32x128xf32, #tpu.memory_space<vmem>>, vector<1x16xf32>,
      %swap3A_347 = arith.index_cast %scan3A_332 : i32 to index
      %swap3A_348 = arith.constant 48 : index
      %swap3A_349 = tpu.vector_load %arg12[%swap3A_347, %swap3A_348] {strides = array<i32>} : memref<32x128xf32, #tpu.memory_space<vmem>>, vector<1x16xf32>,
      %swap3A_350 = vector.shape_cast %swap3A_349 : vector<1x16xf32> to vector<16xf32>
      %swap3A_351 = vector.shape_cast %broadcast_in_dim3A_30 : vector<16xf32> to vector<1x16xf32>
      tpu.vector_store %arg12[%swap3A_347, %swap3A_348], %swap3A_351 {strides = array<i32>} : memref<32x128xf32, #tpu.memory_space<vmem>>, vector<1x16xf32>,
      %swap3A_352 = arith.index_cast %scan3A_332 : i32 to index
      %swap3A_353 = arith.constant 64 : index
      %swap3A_354 = tpu.vector_load %arg12[%swap3A_352, %swap3A_353] {strides = array<i32>} : memref<32x128xf32, #tpu.memory_space<vmem>>, vector<1x16xf32>,
      %swap3A_355 = vector.shape_cast %swap3A_354 : vector<1x16xf32> to vector<16xf32>
      %swap3A_356 = vector.shape_cast %broadcast_in_dim3A_30 : vector<16xf32> to vector<1x16xf32>
      tpu.vector_store %arg12[%swap3A_352, %swap3A_353], %swap3A_356 {strides = array<i32>} : memref<32x128xf32, #tpu.memory_space<vmem>>, vector<1x16xf32>,
      %swap3A_357 = arith.index_cast %scan3A_332 : i32 to index
      %swap3A_358 = arith.constant 80 : index
      %swap3A_359 = tpu.vector_load %arg12[%swap3A_357, %swap3A_358] {strides = array<i32>} : memref<32x128xf32, #tpu.memory_space<vmem>>, vector<1x16xf32>,
      %swap3A_360 = vector.shape_cast %swap3A_359 : vector<1x16xf32> to vector<16xf32>
      %swap3A_361 = vector.shape_cast %broadcast_in_dim3A_30 : vector<16xf32> to vector<1x16xf32>
      tpu.vector_store %arg12[%swap3A_357, %swap3A_358], %swap3A_361 {strides = array<i32>} : memref<32x128xf32, #tpu.memory_space<vmem>>, vector<1x16xf32>,
      %swap3A_362 = arith.index_cast %scan3A_332 : i32 to index
      %swap3A_363 = arith.constant 96 : index
      %swap3A_364 = tpu.vector_load %arg12[%swap3A_362, %swap3A_363] {strides = array<i32>} : memref<32x128xf32, #tpu.memory_space<vmem>>, vector<1x16xf32>,
      %swap3A_365 = vector.shape_cast %swap3A_364 : vector<1x16xf32> to vector<16xf32>
      %swap3A_366 = vector.shape_cast %broadcast_in_dim3A_30 : vector<16xf32> to vector<1x16xf32>
      tpu.vector_store %arg12[%swap3A_362, %swap3A_363], %swap3A_366 {strides = array<i32>} : memref<32x128xf32, #tpu.memory_space<vmem>>, vector<1x16xf32>,
      %swap3A_367 = arith.index_cast %scan3A_332 : i32 to index
      %swap3A_368 = arith.constant 112 : index
      %swap3A_369 = tpu.vector_load %arg12[%swap3A_367, %swap3A_368] {strides = array<i32>} : memref<32x128xf32, #tpu.memory_space<vmem>>, vector<1x16xf32>,
      %swap3A_370 = vector.shape_cast %swap3A_369 : vector<1x16xf32> to vector<16xf32>
      %swap3A_371 = vector.shape_cast %broadcast_in_dim3A_30 : vector<16xf32> to vector<1x16xf32>
      tpu.vector_store %arg12[%swap3A_367, %swap3A_368], %swap3A_371 {strides = array<i32>} : memref<32x128xf32, #tpu.memory_space<vmem>>, vector<1x16xf32>,
    }
    %scan3A_35 = arith.constant 32 : i32
    %mul3A = arith.constant 632 : i32
    %mul3A_36 = arith.muli %arg1, %mul3A : i32
    %add3A = arith.constant 0 : i32
    %add3A_37 = arith.addi %mul3A_36, %add3A : i32
    "tpu.region"() ({
      %run_scoped3A_332 = tpu.sem_alloc : memref<!tpu.dma_semaphore, #tpu.memory_space<semaphore_mem>>
      %dma_start3A = arith.constant 0 : i32
      %dma_start3A_333 = tpu.memref_slice %arg13[%add3A_37, %dma_start3A] : memref<10112x128xf32, #tpu.memory_space<vmem_shared>> -> memref<32x128xf32, #tpu.memory_space<vmem_shared>>
      %dma_start3A_334 = arith.constant 0 : i32
      %dma_start3A_335 = tpu.memref_slice %arg13[%add3A_37, %dma_start3A_334] : memref<10112x128xf32, #tpu.memory_space<vmem_shared>> -> memref<32x128xf32, #tpu.memory_space<vmem_shared>>
      tpu.enqueue_dma source(%arg12 : memref<32x128xf32, #tpu.memory_space<vmem>>) target(%dma_start3A_335 : memref<32x128xf32, #tpu.memory_space<vmem_shared>>) target_semaphore(%run_scoped3A_332 : memref<!tpu.dma_semaphore, #tpu.memory_space<semaphore_mem>>)
      %dma_wait3A_336 = arith.constant 0 : i32
      %dma_wait3A_337 = tpu.memref_slice %arg13[%add3A_37, %dma_wait3A_336] : memref<10112x128xf32, #tpu.memory_space<vmem_shared>> -> memref<32x128xf32, #tpu.memory_space<vmem_shared>>
      %dma_wait3A_338 = arith.constant 0 : i32
      %dma_wait3A_339 = tpu.memref_slice %arg13[%add3A_37, %dma_wait3A_338] : memref<10112x128xf32, #tpu.memory_space<vmem_shared>> -> memref<32x128xf32, #tpu.memory_space<vmem_shared>>
      tpu.wait_dma2 semaphore(%run_scoped3A_332 : memref<!tpu.dma_semaphore, #tpu.memory_space<semaphore_mem>>) src(%arg12 : memref<32x128xf32, #tpu.memory_space<vmem>>) dst(%dma_wait3A_339 : memref<32x128xf32, #tpu.memory_space<vmem_shared>>)
      tpu.yield
    }) : () -> ()
    %mul3A_38 = arith.constant 632 : i32
    %mul3A_39 = arith.muli %arg1, %mul3A_38 : i32
    %add3A_40 = arith.constant 32 : i32
    %add3A_41 = arith.addi %mul3A_39, %add3A_40 : i32
    "tpu.region"() ({
      %run_scoped3A_332 = tpu.sem_alloc : memref<!tpu.dma_semaphore, #tpu.memory_space<semaphore_mem>>
      %dma_start3A = arith.constant 0 : i32
      %dma_start3A_333 = tpu.memref_slice %arg13[%add3A_41, %dma_start3A] : memref<10112x128xf32, #tpu.memory_space<vmem_shared>> -> memref<32x128xf32, #tpu.memory_space<vmem_shared>>
      %dma_start3A_334 = arith.constant 0 : i32
      %dma_start3A_335 = tpu.memref_slice %arg13[%add3A_41, %dma_start3A_334] : memref<10112x128xf32, #tpu.memory_space<vmem_shared>> -> memref<32x128xf32, #tpu.memory_space<vmem_shared>>
      tpu.enqueue_dma source(%arg12 : memref<32x128xf32, #tpu.memory_space<vmem>>) target(%dma_start3A_335 : memref<32x128xf32, #tpu.memory_space<vmem_shared>>) target_semaphore(%run_scoped3A_332 : memref<!tpu.dma_semaphore, #tpu.memory_space<semaphore_mem>>)
      %dma_wait3A_336 = arith.constant 0 : i32
      %dma_wait3A_337 = tpu.memref_slice %arg13[%add3A_41, %dma_wait3A_336] : memref<10112x128xf32, #tpu.memory_space<vmem_shared>> -> memref<32x128xf32, #tpu.memory_space<vmem_shared>>
      %dma_wait3A_338 = arith.constant 0 : i32
      %dma_wait3A_339 = tpu.memref_slice %arg13[%add3A_41, %dma_wait3A_338] : memref<10112x128xf32, #tpu.memory_space<vmem_shared>> -> memref<32x128xf32, #tpu.memory_space<vmem_shared>>
      tpu.wait_dma2 semaphore(%run_scoped3A_332 : memref<!tpu.dma_semaphore, #tpu.memory_space<semaphore_mem>>) src(%arg12 : memref<32x128xf32, #tpu.memory_space<vmem>>) dst(%dma_wait3A_339 : memref<32x128xf32, #tpu.memory_space<vmem_shared>>)
      tpu.yield
    }) : () -> ()
    %mul3A_42 = arith.constant 632 : i32
    %mul3A_43 = arith.muli %arg1, %mul3A_42 : i32
    %add3A_44 = arith.constant 64 : i32
    %add3A_45 = arith.addi %mul3A_43, %add3A_44 : i32
    "tpu.region"() ({
      %run_scoped3A_332 = tpu.sem_alloc : memref<!tpu.dma_semaphore, #tpu.memory_space<semaphore_mem>>
      %dma_start3A = arith.constant 0 : i32
      %dma_start3A_333 = tpu.memref_slice %arg13[%add3A_45, %dma_start3A] : memref<10112x128xf32, #tpu.memory_space<vmem_shared>> -> memref<32x128xf32, #tpu.memory_space<vmem_shared>>
      %dma_start3A_334 = arith.constant 0 : i32
      %dma_start3A_335 = tpu.memref_slice %arg13[%add3A_45, %dma_start3A_334] : memref<10112x128xf32, #tpu.memory_space<vmem_shared>> -> memref<32x128xf32, #tpu.memory_space<vmem_shared>>
      tpu.enqueue_dma source(%arg12 : memref<32x128xf32, #tpu.memory_space<vmem>>) target(%dma_start3A_335 : memref<32x128xf32, #tpu.memory_space<vmem_shared>>) target_semaphore(%run_scoped3A_332 : memref<!tpu.dma_semaphore, #tpu.memory_space<semaphore_mem>>)
      %dma_wait3A_336 = arith.constant 0 : i32
      %dma_wait3A_337 = tpu.memref_slice %arg13[%add3A_45, %dma_wait3A_336] : memref<10112x128xf32, #tpu.memory_space<vmem_shared>> -> memref<32x128xf32, #tpu.memory_space<vmem_shared>>
      %dma_wait3A_338 = arith.constant 0 : i32
      %dma_wait3A_339 = tpu.memref_slice %arg13[%add3A_45, %dma_wait3A_338] : memref<10112x128xf32, #tpu.memory_space<vmem_shared>> -> memref<32x128xf32, #tpu.memory_space<vmem_shared>>
      tpu.wait_dma2 semaphore(%run_scoped3A_332 : memref<!tpu.dma_semaphore, #tpu.memory_space<semaphore_mem>>) src(%arg12 : memref<32x128xf32, #tpu.memory_space<vmem>>) dst(%dma_wait3A_339 : memref<32x128xf32, #tpu.memory_space<vmem_shared>>)
      tpu.yield
    }) : () -> ()
    %mul3A_46 = arith.constant 632 : i32
    %mul3A_47 = arith.muli %arg1, %mul3A_46 : i32
    %add3A_48 = arith.constant 96 : i32
    %add3A_49 = arith.addi %mul3A_47, %add3A_48 : i32
    "tpu.region"() ({
      %run_scoped3A_332 = tpu.sem_alloc : memref<!tpu.dma_semaphore, #tpu.memory_space<semaphore_mem>>
      %dma_start3A = arith.constant 0 : i32
      %dma_start3A_333 = tpu.memref_slice %arg13[%add3A_49, %dma_start3A] : memref<10112x128xf32, #tpu.memory_space<vmem_shared>> -> memref<32x128xf32, #tpu.memory_space<vmem_shared>>
      %dma_start3A_334 = arith.constant 0 : i32
      %dma_start3A_335 = tpu.memref_slice %arg13[%add3A_49, %dma_start3A_334] : memref<10112x128xf32, #tpu.memory_space<vmem_shared>> -> memref<32x128xf32, #tpu.memory_space<vmem_shared>>
      tpu.enqueue_dma source(%arg12 : memref<32x128xf32, #tpu.memory_space<vmem>>) target(%dma_start3A_335 : memref<32x128xf32, #tpu.memory_space<vmem_shared>>) target_semaphore(%run_scoped3A_332 : memref<!tpu.dma_semaphore, #tpu.memory_space<semaphore_mem>>)
      %dma_wait3A_336 = arith.constant 0 : i32
      %dma_wait3A_337 = tpu.memref_slice %arg13[%add3A_49, %dma_wait3A_336] : memref<10112x128xf32, #tpu.memory_space<vmem_shared>> -> memref<32x128xf32, #tpu.memory_space<vmem_shared>>
      %dma_wait3A_338 = arith.constant 0 : i32
      %dma_wait3A_339 = tpu.memref_slice %arg13[%add3A_49, %dma_wait3A_338] : memref<10112x128xf32, #tpu.memory_space<vmem_shared>> -> memref<32x128xf32, #tpu.memory_space<vmem_shared>>
      tpu.wait_dma2 semaphore(%run_scoped3A_332 : memref<!tpu.dma_semaphore, #tpu.memory_space<semaphore_mem>>) src(%arg12 : memref<32x128xf32, #tpu.memory_space<vmem>>) dst(%dma_wait3A_339 : memref<32x128xf32, #tpu.memory_space<vmem_shared>>)
      tpu.yield
    }) : () -> ()
    %mul3A_50 = arith.constant 632 : i32
    %mul3A_51 = arith.muli %arg1, %mul3A_50 : i32
    %add3A_52 = arith.constant 128 : i32
    %add3A_53 = arith.addi %mul3A_51, %add3A_52 : i32
    "tpu.region"() ({
      %run_scoped3A_332 = tpu.sem_alloc : memref<!tpu.dma_semaphore, #tpu.memory_space<semaphore_mem>>
      %dma_start3A = arith.constant 0 : i32
      %dma_start3A_333 = tpu.memref_slice %arg13[%add3A_53, %dma_start3A] : memref<10112x128xf32, #tpu.memory_space<vmem_shared>> -> memref<32x128xf32, #tpu.memory_space<vmem_shared>>
      %dma_start3A_334 = arith.constant 0 : i32
      %dma_start3A_335 = tpu.memref_slice %arg13[%add3A_53, %dma_start3A_334] : memref<10112x128xf32, #tpu.memory_space<vmem_shared>> -> memref<32x128xf32, #tpu.memory_space<vmem_shared>>
      tpu.enqueue_dma source(%arg12 : memref<32x128xf32, #tpu.memory_space<vmem>>) target(%dma_start3A_335 : memref<32x128xf32, #tpu.memory_space<vmem_shared>>) target_semaphore(%run_scoped3A_332 : memref<!tpu.dma_semaphore, #tpu.memory_space<semaphore_mem>>)
      %dma_wait3A_336 = arith.constant 0 : i32
      %dma_wait3A_337 = tpu.memref_slice %arg13[%add3A_53, %dma_wait3A_336] : memref<10112x128xf32, #tpu.memory_space<vmem_shared>> -> memref<32x128xf32, #tpu.memory_space<vmem_shared>>
      %dma_wait3A_338 = arith.constant 0 : i32
      %dma_wait3A_339 = tpu.memref_slice %arg13[%add3A_53, %dma_wait3A_338] : memref<10112x128xf32, #tpu.memory_space<vmem_shared>> -> memref<32x128xf32, #tpu.memory_space<vmem_shared>>
      tpu.wait_dma2 semaphore(%run_scoped3A_332 : memref<!tpu.dma_semaphore, #tpu.memory_space<semaphore_mem>>) src(%arg12 : memref<32x128xf32, #tpu.memory_space<vmem>>) dst(%dma_wait3A_339 : memref<32x128xf32, #tpu.memory_space<vmem_shared>>)
      tpu.yield
    }) : () -> ()
    %mul3A_54 = arith.constant 632 : i32
    %mul3A_55 = arith.muli %arg1, %mul3A_54 : i32
    %add3A_56 = arith.constant 160 : i32
    %add3A_57 = arith.addi %mul3A_55, %add3A_56 : i32
    "tpu.region"() ({
      %run_scoped3A_332 = tpu.sem_alloc : memref<!tpu.dma_semaphore, #tpu.memory_space<semaphore_mem>>
      %dma_start3A = arith.constant 0 : i32
      %dma_start3A_333 = tpu.memref_slice %arg13[%add3A_57, %dma_start3A] : memref<10112x128xf32, #tpu.memory_space<vmem_shared>> -> memref<32x128xf32, #tpu.memory_space<vmem_shared>>
      %dma_start3A_334 = arith.constant 0 : i32
      %dma_start3A_335 = tpu.memref_slice %arg13[%add3A_57, %dma_start3A_334] : memref<10112x128xf32, #tpu.memory_space<vmem_shared>> -> memref<32x128xf32, #tpu.memory_space<vmem_shared>>
      tpu.enqueue_dma source(%arg12 : memref<32x128xf32, #tpu.memory_space<vmem>>) target(%dma_start3A_335 : memref<32x128xf32, #tpu.memory_space<vmem_shared>>) target_semaphore(%run_scoped3A_332 : memref<!tpu.dma_semaphore, #tpu.memory_space<semaphore_mem>>)
      %dma_wait3A_336 = arith.constant 0 : i32
      %dma_wait3A_337 = tpu.memref_slice %arg13[%add3A_57, %dma_wait3A_336] : memref<10112x128xf32, #tpu.memory_space<vmem_shared>> -> memref<32x128xf32, #tpu.memory_space<vmem_shared>>
      %dma_wait3A_338 = arith.constant 0 : i32
      %dma_wait3A_339 = tpu.memref_slice %arg13[%add3A_57, %dma_wait3A_338] : memref<10112x128xf32, #tpu.memory_space<vmem_shared>> -> memref<32x128xf32, #tpu.memory_space<vmem_shared>>
      tpu.wait_dma2 semaphore(%run_scoped3A_332 : memref<!tpu.dma_semaphore, #tpu.memory_space<semaphore_mem>>) src(%arg12 : memref<32x128xf32, #tpu.memory_space<vmem>>) dst(%dma_wait3A_339 : memref<32x128xf32, #tpu.memory_space<vmem_shared>>)
      tpu.yield
    }) : () -> ()
    %mul3A_58 = arith.constant 632 : i32
    %mul3A_59 = arith.muli %arg1, %mul3A_58 : i32
    %add3A_60 = arith.constant 192 : i32
    %add3A_61 = arith.addi %mul3A_59, %add3A_60 : i32
    "tpu.region"() ({
      %run_scoped3A_332 = tpu.sem_alloc : memref<!tpu.dma_semaphore, #tpu.memory_space<semaphore_mem>>
      %dma_start3A = arith.constant 0 : i32
      %dma_start3A_333 = tpu.memref_slice %arg13[%add3A_61, %dma_start3A] : memref<10112x128xf32, #tpu.memory_space<vmem_shared>> -> memref<32x128xf32, #tpu.memory_space<vmem_shared>>
      %dma_start3A_334 = arith.constant 0 : i32
      %dma_start3A_335 = tpu.memref_slice %arg13[%add3A_61, %dma_start3A_334] : memref<10112x128xf32, #tpu.memory_space<vmem_shared>> -> memref<32x128xf32, #tpu.memory_space<vmem_shared>>
      tpu.enqueue_dma source(%arg12 : memref<32x128xf32, #tpu.memory_space<vmem>>) target(%dma_start3A_335 : memref<32x128xf32, #tpu.memory_space<vmem_shared>>) target_semaphore(%run_scoped3A_332 : memref<!tpu.dma_semaphore, #tpu.memory_space<semaphore_mem>>)
      %dma_wait3A_336 = arith.constant 0 : i32
      %dma_wait3A_337 = tpu.memref_slice %arg13[%add3A_61, %dma_wait3A_336] : memref<10112x128xf32, #tpu.memory_space<vmem_shared>> -> memref<32x128xf32, #tpu.memory_space<vmem_shared>>
      %dma_wait3A_338 = arith.constant 0 : i32
      %dma_wait3A_339 = tpu.memref_slice %arg13[%add3A_61, %dma_wait3A_338] : memref<10112x128xf32, #tpu.memory_space<vmem_shared>> -> memref<32x128xf32, #tpu.memory_space<vmem_shared>>
      tpu.wait_dma2 semaphore(%run_scoped3A_332 : memref<!tpu.dma_semaphore, #tpu.memory_space<semaphore_mem>>) src(%arg12 : memref<32x128xf32, #tpu.memory_space<vmem>>) dst(%dma_wait3A_339 : memref<32x128xf32, #tpu.memory_space<vmem_shared>>)
      tpu.yield
    }) : () -> ()
    %mul3A_62 = arith.constant 632 : i32
    %mul3A_63 = arith.muli %arg1, %mul3A_62 : i32
    %add3A_64 = arith.constant 224 : i32
    %add3A_65 = arith.addi %mul3A_63, %add3A_64 : i32
    "tpu.region"() ({
      %run_scoped3A_332 = tpu.sem_alloc : memref<!tpu.dma_semaphore, #tpu.memory_space<semaphore_mem>>
      %dma_start3A = arith.constant 0 : i32
      %dma_start3A_333 = tpu.memref_slice %arg13[%add3A_65, %dma_start3A] : memref<10112x128xf32, #tpu.memory_space<vmem_shared>> -> memref<32x128xf32, #tpu.memory_space<vmem_shared>>
      %dma_start3A_334 = arith.constant 0 : i32
      %dma_start3A_335 = tpu.memref_slice %arg13[%add3A_65, %dma_start3A_334] : memref<10112x128xf32, #tpu.memory_space<vmem_shared>> -> memref<32x128xf32, #tpu.memory_space<vmem_shared>>
      tpu.enqueue_dma source(%arg12 : memref<32x128xf32, #tpu.memory_space<vmem>>) target(%dma_start3A_335 : memref<32x128xf32, #tpu.memory_space<vmem_shared>>) target_semaphore(%run_scoped3A_332 : memref<!tpu.dma_semaphore, #tpu.memory_space<semaphore_mem>>)
      %dma_wait3A_336 = arith.constant 0 : i32
      %dma_wait3A_337 = tpu.memref_slice %arg13[%add3A_65, %dma_wait3A_336] : memref<10112x128xf32, #tpu.memory_space<vmem_shared>> -> memref<32x128xf32, #tpu.memory_space<vmem_shared>>
      %dma_wait3A_338 = arith.constant 0 : i32
      %dma_wait3A_339 = tpu.memref_slice %arg13[%add3A_65, %dma_wait3A_338] : memref<10112x128xf32, #tpu.memory_space<vmem_shared>> -> memref<32x128xf32, #tpu.memory_space<vmem_shared>>
      tpu.wait_dma2 semaphore(%run_scoped3A_332 : memref<!tpu.dma_semaphore, #tpu.memory_space<semaphore_mem>>) src(%arg12 : memref<32x128xf32, #tpu.memory_space<vmem>>) dst(%dma_wait3A_339 : memref<32x128xf32, #tpu.memory_space<vmem_shared>>)
      tpu.yield
    }) : () -> ()
    %mul3A_66 = arith.constant 632 : i32
    %mul3A_67 = arith.muli %arg1, %mul3A_66 : i32
    %add3A_68 = arith.constant 256 : i32
    %add3A_69 = arith.addi %mul3A_67, %add3A_68 : i32
    "tpu.region"() ({
      %run_scoped3A_332 = tpu.sem_alloc : memref<!tpu.dma_semaphore, #tpu.memory_space<semaphore_mem>>
      %dma_start3A = arith.constant 0 : i32
      %dma_start3A_333 = tpu.memref_slice %arg13[%add3A_69, %dma_start3A] : memref<10112x128xf32, #tpu.memory_space<vmem_shared>> -> memref<32x128xf32, #tpu.memory_space<vmem_shared>>
      %dma_start3A_334 = arith.constant 0 : i32
      %dma_start3A_335 = tpu.memref_slice %arg13[%add3A_69, %dma_start3A_334] : memref<10112x128xf32, #tpu.memory_space<vmem_shared>> -> memref<32x128xf32, #tpu.memory_space<vmem_shared>>
      tpu.enqueue_dma source(%arg12 : memref<32x128xf32, #tpu.memory_space<vmem>>) target(%dma_start3A_335 : memref<32x128xf32, #tpu.memory_space<vmem_shared>>) target_semaphore(%run_scoped3A_332 : memref<!tpu.dma_semaphore, #tpu.memory_space<semaphore_mem>>)
      %dma_wait3A_336 = arith.constant 0 : i32
      %dma_wait3A_337 = tpu.memref_slice %arg13[%add3A_69, %dma_wait3A_336] : memref<10112x128xf32, #tpu.memory_space<vmem_shared>> -> memref<32x128xf32, #tpu.memory_space<vmem_shared>>
      %dma_wait3A_338 = arith.constant 0 : i32
      %dma_wait3A_339 = tpu.memref_slice %arg13[%add3A_69, %dma_wait3A_338] : memref<10112x128xf32, #tpu.memory_space<vmem_shared>> -> memref<32x128xf32, #tpu.memory_space<vmem_shared>>
      tpu.wait_dma2 semaphore(%run_scoped3A_332 : memref<!tpu.dma_semaphore, #tpu.memory_space<semaphore_mem>>) src(%arg12 : memref<32x128xf32, #tpu.memory_space<vmem>>) dst(%dma_wait3A_339 : memref<32x128xf32, #tpu.memory_space<vmem_shared>>)
      tpu.yield
    }) : () -> ()
    %mul3A_70 = arith.constant 632 : i32
    %mul3A_71 = arith.muli %arg1, %mul3A_70 : i32
    %add3A_72 = arith.constant 288 : i32
    %add3A_73 = arith.addi %mul3A_71, %add3A_72 : i32
    "tpu.region"() ({
      %run_scoped3A_332 = tpu.sem_alloc : memref<!tpu.dma_semaphore, #tpu.memory_space<semaphore_mem>>
      %dma_start3A = arith.constant 0 : i32
      %dma_start3A_333 = tpu.memref_slice %arg13[%add3A_73, %dma_start3A] : memref<10112x128xf32, #tpu.memory_space<vmem_shared>> -> memref<32x128xf32, #tpu.memory_space<vmem_shared>>
      %dma_start3A_334 = arith.constant 0 : i32
      %dma_start3A_335 = tpu.memref_slice %arg13[%add3A_73, %dma_start3A_334] : memref<10112x128xf32, #tpu.memory_space<vmem_shared>> -> memref<32x128xf32, #tpu.memory_space<vmem_shared>>
      tpu.enqueue_dma source(%arg12 : memref<32x128xf32, #tpu.memory_space<vmem>>) target(%dma_start3A_335 : memref<32x128xf32, #tpu.memory_space<vmem_shared>>) target_semaphore(%run_scoped3A_332 : memref<!tpu.dma_semaphore, #tpu.memory_space<semaphore_mem>>)
      %dma_wait3A_336 = arith.constant 0 : i32
      %dma_wait3A_337 = tpu.memref_slice %arg13[%add3A_73, %dma_wait3A_336] : memref<10112x128xf32, #tpu.memory_space<vmem_shared>> -> memref<32x128xf32, #tpu.memory_space<vmem_shared>>
      %dma_wait3A_338 = arith.constant 0 : i32
      %dma_wait3A_339 = tpu.memref_slice %arg13[%add3A_73, %dma_wait3A_338] : memref<10112x128xf32, #tpu.memory_space<vmem_shared>> -> memref<32x128xf32, #tpu.memory_space<vmem_shared>>
      tpu.wait_dma2 semaphore(%run_scoped3A_332 : memref<!tpu.dma_semaphore, #tpu.memory_space<semaphore_mem>>) src(%arg12 : memref<32x128xf32, #tpu.memory_space<vmem>>) dst(%dma_wait3A_339 : memref<32x128xf32, #tpu.memory_space<vmem_shared>>)
      tpu.yield
    }) : () -> ()
    %mul3A_74 = arith.constant 632 : i32
    %mul3A_75 = arith.muli %arg1, %mul3A_74 : i32
    %add3A_76 = arith.constant 320 : i32
    %add3A_77 = arith.addi %mul3A_75, %add3A_76 : i32
    "tpu.region"() ({
      %run_scoped3A_332 = tpu.sem_alloc : memref<!tpu.dma_semaphore, #tpu.memory_space<semaphore_mem>>
      %dma_start3A = arith.constant 0 : i32
      %dma_start3A_333 = tpu.memref_slice %arg13[%add3A_77, %dma_start3A] : memref<10112x128xf32, #tpu.memory_space<vmem_shared>> -> memref<32x128xf32, #tpu.memory_space<vmem_shared>>
      %dma_start3A_334 = arith.constant 0 : i32
      %dma_start3A_335 = tpu.memref_slice %arg13[%add3A_77, %dma_start3A_334] : memref<10112x128xf32, #tpu.memory_space<vmem_shared>> -> memref<32x128xf32, #tpu.memory_space<vmem_shared>>
      tpu.enqueue_dma source(%arg12 : memref<32x128xf32, #tpu.memory_space<vmem>>) target(%dma_start3A_335 : memref<32x128xf32, #tpu.memory_space<vmem_shared>>) target_semaphore(%run_scoped3A_332 : memref<!tpu.dma_semaphore, #tpu.memory_space<semaphore_mem>>)
      %dma_wait3A_336 = arith.constant 0 : i32
      %dma_wait3A_337 = tpu.memref_slice %arg13[%add3A_77, %dma_wait3A_336] : memref<10112x128xf32, #tpu.memory_space<vmem_shared>> -> memref<32x128xf32, #tpu.memory_space<vmem_shared>>
      %dma_wait3A_338 = arith.constant 0 : i32
      %dma_wait3A_339 = tpu.memref_slice %arg13[%add3A_77, %dma_wait3A_338] : memref<10112x128xf32, #tpu.memory_space<vmem_shared>> -> memref<32x128xf32, #tpu.memory_space<vmem_shared>>
      tpu.wait_dma2 semaphore(%run_scoped3A_332 : memref<!tpu.dma_semaphore, #tpu.memory_space<semaphore_mem>>) src(%arg12 : memref<32x128xf32, #tpu.memory_space<vmem>>) dst(%dma_wait3A_339 : memref<32x128xf32, #tpu.memory_space<vmem_shared>>)
      tpu.yield
    }) : () -> ()
    %mul3A_78 = arith.constant 632 : i32
    %mul3A_79 = arith.muli %arg1, %mul3A_78 : i32
    %add3A_80 = arith.constant 352 : i32
    %add3A_81 = arith.addi %mul3A_79, %add3A_80 : i32
    "tpu.region"() ({
      %run_scoped3A_332 = tpu.sem_alloc : memref<!tpu.dma_semaphore, #tpu.memory_space<semaphore_mem>>
      %dma_start3A = arith.constant 0 : i32
      %dma_start3A_333 = tpu.memref_slice %arg13[%add3A_81, %dma_start3A] : memref<10112x128xf32, #tpu.memory_space<vmem_shared>> -> memref<32x128xf32, #tpu.memory_space<vmem_shared>>
      %dma_start3A_334 = arith.constant 0 : i32
      %dma_start3A_335 = tpu.memref_slice %arg13[%add3A_81, %dma_start3A_334] : memref<10112x128xf32, #tpu.memory_space<vmem_shared>> -> memref<32x128xf32, #tpu.memory_space<vmem_shared>>
      tpu.enqueue_dma source(%arg12 : memref<32x128xf32, #tpu.memory_space<vmem>>) target(%dma_start3A_335 : memref<32x128xf32, #tpu.memory_space<vmem_shared>>) target_semaphore(%run_scoped3A_332 : memref<!tpu.dma_semaphore, #tpu.memory_space<semaphore_mem>>)
      %dma_wait3A_336 = arith.constant 0 : i32
      %dma_wait3A_337 = tpu.memref_slice %arg13[%add3A_81, %dma_wait3A_336] : memref<10112x128xf32, #tpu.memory_space<vmem_shared>> -> memref<32x128xf32, #tpu.memory_space<vmem_shared>>
      %dma_wait3A_338 = arith.constant 0 : i32
      %dma_wait3A_339 = tpu.memref_slice %arg13[%add3A_81, %dma_wait3A_338] : memref<10112x128xf32, #tpu.memory_space<vmem_shared>> -> memref<32x128xf32, #tpu.memory_space<vmem_shared>>
      tpu.wait_dma2 semaphore(%run_scoped3A_332 : memref<!tpu.dma_semaphore, #tpu.memory_space<semaphore_mem>>) src(%arg12 : memref<32x128xf32, #tpu.memory_space<vmem>>) dst(%dma_wait3A_339 : memref<32x128xf32, #tpu.memory_space<vmem_shared>>)
      tpu.yield
    }) : () -> ()
    %mul3A_82 = arith.constant 632 : i32
    %mul3A_83 = arith.muli %arg1, %mul3A_82 : i32
    %add3A_84 = arith.constant 384 : i32
    %add3A_85 = arith.addi %mul3A_83, %add3A_84 : i32
    "tpu.region"() ({
      %run_scoped3A_332 = tpu.sem_alloc : memref<!tpu.dma_semaphore, #tpu.memory_space<semaphore_mem>>
      %dma_start3A = arith.constant 0 : i32
      %dma_start3A_333 = tpu.memref_slice %arg13[%add3A_85, %dma_start3A] : memref<10112x128xf32, #tpu.memory_space<vmem_shared>> -> memref<32x128xf32, #tpu.memory_space<vmem_shared>>
      %dma_start3A_334 = arith.constant 0 : i32
      %dma_start3A_335 = tpu.memref_slice %arg13[%add3A_85, %dma_start3A_334] : memref<10112x128xf32, #tpu.memory_space<vmem_shared>> -> memref<32x128xf32, #tpu.memory_space<vmem_shared>>
      tpu.enqueue_dma source(%arg12 : memref<32x128xf32, #tpu.memory_space<vmem>>) target(%dma_start3A_335 : memref<32x128xf32, #tpu.memory_space<vmem_shared>>) target_semaphore(%run_scoped3A_332 : memref<!tpu.dma_semaphore, #tpu.memory_space<semaphore_mem>>)
      %dma_wait3A_336 = arith.constant 0 : i32
      %dma_wait3A_337 = tpu.memref_slice %arg13[%add3A_85, %dma_wait3A_336] : memref<10112x128xf32, #tpu.memory_space<vmem_shared>> -> memref<32x128xf32, #tpu.memory_space<vmem_shared>>
      %dma_wait3A_338 = arith.constant 0 : i32
      %dma_wait3A_339 = tpu.memref_slice %arg13[%add3A_85, %dma_wait3A_338] : memref<10112x128xf32, #tpu.memory_space<vmem_shared>> -> memref<32x128xf32, #tpu.memory_space<vmem_shared>>
      tpu.wait_dma2 semaphore(%run_scoped3A_332 : memref<!tpu.dma_semaphore, #tpu.memory_space<semaphore_mem>>) src(%arg12 : memref<32x128xf32, #tpu.memory_space<vmem>>) dst(%dma_wait3A_339 : memref<32x128xf32, #tpu.memory_space<vmem_shared>>)
      tpu.yield
    }) : () -> ()
    %mul3A_86 = arith.constant 632 : i32
    %mul3A_87 = arith.muli %arg1, %mul3A_86 : i32
    %add3A_88 = arith.constant 416 : i32
    %add3A_89 = arith.addi %mul3A_87, %add3A_88 : i32
    "tpu.region"() ({
      %run_scoped3A_332 = tpu.sem_alloc : memref<!tpu.dma_semaphore, #tpu.memory_space<semaphore_mem>>
      %dma_start3A = arith.constant 0 : i32
      %dma_start3A_333 = tpu.memref_slice %arg13[%add3A_89, %dma_start3A] : memref<10112x128xf32, #tpu.memory_space<vmem_shared>> -> memref<32x128xf32, #tpu.memory_space<vmem_shared>>
      %dma_start3A_334 = arith.constant 0 : i32
      %dma_start3A_335 = tpu.memref_slice %arg13[%add3A_89, %dma_start3A_334] : memref<10112x128xf32, #tpu.memory_space<vmem_shared>> -> memref<32x128xf32, #tpu.memory_space<vmem_shared>>
      tpu.enqueue_dma source(%arg12 : memref<32x128xf32, #tpu.memory_space<vmem>>) target(%dma_start3A_335 : memref<32x128xf32, #tpu.memory_space<vmem_shared>>) target_semaphore(%run_scoped3A_332 : memref<!tpu.dma_semaphore, #tpu.memory_space<semaphore_mem>>)
      %dma_wait3A_336 = arith.constant 0 : i32
      %dma_wait3A_337 = tpu.memref_slice %arg13[%add3A_89, %dma_wait3A_336] : memref<10112x128xf32, #tpu.memory_space<vmem_shared>> -> memref<32x128xf32, #tpu.memory_space<vmem_shared>>
      %dma_wait3A_338 = arith.constant 0 : i32
      %dma_wait3A_339 = tpu.memref_slice %arg13[%add3A_89, %dma_wait3A_338] : memref<10112x128xf32, #tpu.memory_space<vmem_shared>> -> memref<32x128xf32, #tpu.memory_space<vmem_shared>>
      tpu.wait_dma2 semaphore(%run_scoped3A_332 : memref<!tpu.dma_semaphore, #tpu.memory_space<semaphore_mem>>) src(%arg12 : memref<32x128xf32, #tpu.memory_space<vmem>>) dst(%dma_wait3A_339 : memref<32x128xf32, #tpu.memory_space<vmem_shared>>)
      tpu.yield
    }) : () -> ()
    %mul3A_90 = arith.constant 632 : i32
    %mul3A_91 = arith.muli %arg1, %mul3A_90 : i32
    %add3A_92 = arith.constant 448 : i32
    %add3A_93 = arith.addi %mul3A_91, %add3A_92 : i32
    "tpu.region"() ({
      %run_scoped3A_332 = tpu.sem_alloc : memref<!tpu.dma_semaphore, #tpu.memory_space<semaphore_mem>>
      %dma_start3A = arith.constant 0 : i32
      %dma_start3A_333 = tpu.memref_slice %arg13[%add3A_93, %dma_start3A] : memref<10112x128xf32, #tpu.memory_space<vmem_shared>> -> memref<32x128xf32, #tpu.memory_space<vmem_shared>>
      %dma_start3A_334 = arith.constant 0 : i32
      %dma_start3A_335 = tpu.memref_slice %arg13[%add3A_93, %dma_start3A_334] : memref<10112x128xf32, #tpu.memory_space<vmem_shared>> -> memref<32x128xf32, #tpu.memory_space<vmem_shared>>
      tpu.enqueue_dma source(%arg12 : memref<32x128xf32, #tpu.memory_space<vmem>>) target(%dma_start3A_335 : memref<32x128xf32, #tpu.memory_space<vmem_shared>>) target_semaphore(%run_scoped3A_332 : memref<!tpu.dma_semaphore, #tpu.memory_space<semaphore_mem>>)
      %dma_wait3A_336 = arith.constant 0 : i32
      %dma_wait3A_337 = tpu.memref_slice %arg13[%add3A_93, %dma_wait3A_336] : memref<10112x128xf32, #tpu.memory_space<vmem_shared>> -> memref<32x128xf32, #tpu.memory_space<vmem_shared>>
      %dma_wait3A_338 = arith.constant 0 : i32
      %dma_wait3A_339 = tpu.memref_slice %arg13[%add3A_93, %dma_wait3A_338] : memref<10112x128xf32, #tpu.memory_space<vmem_shared>> -> memref<32x128xf32, #tpu.memory_space<vmem_shared>>
      tpu.wait_dma2 semaphore(%run_scoped3A_332 : memref<!tpu.dma_semaphore, #tpu.memory_space<semaphore_mem>>) src(%arg12 : memref<32x128xf32, #tpu.memory_space<vmem>>) dst(%dma_wait3A_339 : memref<32x128xf32, #tpu.memory_space<vmem_shared>>)
      tpu.yield
    }) : () -> ()
    %mul3A_94 = arith.constant 632 : i32
    %mul3A_95 = arith.muli %arg1, %mul3A_94 : i32
    %add3A_96 = arith.constant 480 : i32
    %add3A_97 = arith.addi %mul3A_95, %add3A_96 : i32
    "tpu.region"() ({
      %run_scoped3A_332 = tpu.sem_alloc : memref<!tpu.dma_semaphore, #tpu.memory_space<semaphore_mem>>
      %dma_start3A = arith.constant 0 : i32
      %dma_start3A_333 = tpu.memref_slice %arg13[%add3A_97, %dma_start3A] : memref<10112x128xf32, #tpu.memory_space<vmem_shared>> -> memref<32x128xf32, #tpu.memory_space<vmem_shared>>
      %dma_start3A_334 = arith.constant 0 : i32
      %dma_start3A_335 = tpu.memref_slice %arg13[%add3A_97, %dma_start3A_334] : memref<10112x128xf32, #tpu.memory_space<vmem_shared>> -> memref<32x128xf32, #tpu.memory_space<vmem_shared>>
      tpu.enqueue_dma source(%arg12 : memref<32x128xf32, #tpu.memory_space<vmem>>) target(%dma_start3A_335 : memref<32x128xf32, #tpu.memory_space<vmem_shared>>) target_semaphore(%run_scoped3A_332 : memref<!tpu.dma_semaphore, #tpu.memory_space<semaphore_mem>>)
      %dma_wait3A_336 = arith.constant 0 : i32
      %dma_wait3A_337 = tpu.memref_slice %arg13[%add3A_97, %dma_wait3A_336] : memref<10112x128xf32, #tpu.memory_space<vmem_shared>> -> memref<32x128xf32, #tpu.memory_space<vmem_shared>>
      %dma_wait3A_338 = arith.constant 0 : i32
      %dma_wait3A_339 = tpu.memref_slice %arg13[%add3A_97, %dma_wait3A_338] : memref<10112x128xf32, #tpu.memory_space<vmem_shared>> -> memref<32x128xf32, #tpu.memory_space<vmem_shared>>
      tpu.wait_dma2 semaphore(%run_scoped3A_332 : memref<!tpu.dma_semaphore, #tpu.memory_space<semaphore_mem>>) src(%arg12 : memref<32x128xf32, #tpu.memory_space<vmem>>) dst(%dma_wait3A_339 : memref<32x128xf32, #tpu.memory_space<vmem_shared>>)
      tpu.yield
    }) : () -> ()
    %mul3A_98 = arith.constant 632 : i32
    %mul3A_99 = arith.muli %arg1, %mul3A_98 : i32
    %add3A_100 = arith.constant 512 : i32
    %add3A_101 = arith.addi %mul3A_99, %add3A_100 : i32
    "tpu.region"() ({
      %run_scoped3A_332 = tpu.sem_alloc : memref<!tpu.dma_semaphore, #tpu.memory_space<semaphore_mem>>
      %dma_start3A = arith.constant 0 : i32
      %dma_start3A_333 = tpu.memref_slice %arg13[%add3A_101, %dma_start3A] : memref<10112x128xf32, #tpu.memory_space<vmem_shared>> -> memref<32x128xf32, #tpu.memory_space<vmem_shared>>
      %dma_start3A_334 = arith.constant 0 : i32
      %dma_start3A_335 = tpu.memref_slice %arg13[%add3A_101, %dma_start3A_334] : memref<10112x128xf32, #tpu.memory_space<vmem_shared>> -> memref<32x128xf32, #tpu.memory_space<vmem_shared>>
      tpu.enqueue_dma source(%arg12 : memref<32x128xf32, #tpu.memory_space<vmem>>) target(%dma_start3A_335 : memref<32x128xf32, #tpu.memory_space<vmem_shared>>) target_semaphore(%run_scoped3A_332 : memref<!tpu.dma_semaphore, #tpu.memory_space<semaphore_mem>>)
      %dma_wait3A_336 = arith.constant 0 : i32
      %dma_wait3A_337 = tpu.memref_slice %arg13[%add3A_101, %dma_wait3A_336] : memref<10112x128xf32, #tpu.memory_space<vmem_shared>> -> memref<32x128xf32, #tpu.memory_space<vmem_shared>>
      %dma_wait3A_338 = arith.constant 0 : i32
      %dma_wait3A_339 = tpu.memref_slice %arg13[%add3A_101, %dma_wait3A_338] : memref<10112x128xf32, #tpu.memory_space<vmem_shared>> -> memref<32x128xf32, #tpu.memory_space<vmem_shared>>
      tpu.wait_dma2 semaphore(%run_scoped3A_332 : memref<!tpu.dma_semaphore, #tpu.memory_space<semaphore_mem>>) src(%arg12 : memref<32x128xf32, #tpu.memory_space<vmem>>) dst(%dma_wait3A_339 : memref<32x128xf32, #tpu.memory_space<vmem_shared>>)
      tpu.yield
    }) : () -> ()
    %mul3A_102 = arith.constant 632 : i32
    %mul3A_103 = arith.muli %arg1, %mul3A_102 : i32
    %add3A_104 = arith.constant 544 : i32
    %add3A_105 = arith.addi %mul3A_103, %add3A_104 : i32
    "tpu.region"() ({
      %run_scoped3A_332 = tpu.sem_alloc : memref<!tpu.dma_semaphore, #tpu.memory_space<semaphore_mem>>
      %dma_start3A = arith.constant 0 : i32
      %dma_start3A_333 = tpu.memref_slice %arg13[%add3A_105, %dma_start3A] : memref<10112x128xf32, #tpu.memory_space<vmem_shared>> -> memref<32x128xf32, #tpu.memory_space<vmem_shared>>
      %dma_start3A_334 = arith.constant 0 : i32
      %dma_start3A_335 = tpu.memref_slice %arg13[%add3A_105, %dma_start3A_334] : memref<10112x128xf32, #tpu.memory_space<vmem_shared>> -> memref<32x128xf32, #tpu.memory_space<vmem_shared>>
      tpu.enqueue_dma source(%arg12 : memref<32x128xf32, #tpu.memory_space<vmem>>) target(%dma_start3A_335 : memref<32x128xf32, #tpu.memory_space<vmem_shared>>) target_semaphore(%run_scoped3A_332 : memref<!tpu.dma_semaphore, #tpu.memory_space<semaphore_mem>>)
      %dma_wait3A_336 = arith.constant 0 : i32
      %dma_wait3A_337 = tpu.memref_slice %arg13[%add3A_105, %dma_wait3A_336] : memref<10112x128xf32, #tpu.memory_space<vmem_shared>> -> memref<32x128xf32, #tpu.memory_space<vmem_shared>>
      %dma_wait3A_338 = arith.constant 0 : i32
      %dma_wait3A_339 = tpu.memref_slice %arg13[%add3A_105, %dma_wait3A_338] : memref<10112x128xf32, #tpu.memory_space<vmem_shared>> -> memref<32x128xf32, #tpu.memory_space<vmem_shared>>
      tpu.wait_dma2 semaphore(%run_scoped3A_332 : memref<!tpu.dma_semaphore, #tpu.memory_space<semaphore_mem>>) src(%arg12 : memref<32x128xf32, #tpu.memory_space<vmem>>) dst(%dma_wait3A_339 : memref<32x128xf32, #tpu.memory_space<vmem_shared>>)
      tpu.yield
    }) : () -> ()
    %mul3A_106 = arith.constant 632 : i32
    %mul3A_107 = arith.muli %arg1, %mul3A_106 : i32
    %add3A_108 = arith.constant 576 : i32
    %add3A_109 = arith.addi %mul3A_107, %add3A_108 : i32
    "tpu.region"() ({
      %run_scoped3A_332 = tpu.sem_alloc : memref<!tpu.dma_semaphore, #tpu.memory_space<semaphore_mem>>
      %dma_start3A = arith.constant 0 : i32
      %dma_start3A_333 = tpu.memref_slice %arg13[%add3A_109, %dma_start3A] : memref<10112x128xf32, #tpu.memory_space<vmem_shared>> -> memref<32x128xf32, #tpu.memory_space<vmem_shared>>
      %dma_start3A_334 = arith.constant 0 : i32
      %dma_start3A_335 = tpu.memref_slice %arg13[%add3A_109, %dma_start3A_334] : memref<10112x128xf32, #tpu.memory_space<vmem_shared>> -> memref<32x128xf32, #tpu.memory_space<vmem_shared>>
      tpu.enqueue_dma source(%arg12 : memref<32x128xf32, #tpu.memory_space<vmem>>) target(%dma_start3A_335 : memref<32x128xf32, #tpu.memory_space<vmem_shared>>) target_semaphore(%run_scoped3A_332 : memref<!tpu.dma_semaphore, #tpu.memory_space<semaphore_mem>>)
      %dma_wait3A_336 = arith.constant 0 : i32
      %dma_wait3A_337 = tpu.memref_slice %arg13[%add3A_109, %dma_wait3A_336] : memref<10112x128xf32, #tpu.memory_space<vmem_shared>> -> memref<32x128xf32, #tpu.memory_space<vmem_shared>>
      %dma_wait3A_338 = arith.constant 0 : i32
      %dma_wait3A_339 = tpu.memref_slice %arg13[%add3A_109, %dma_wait3A_338] : memref<10112x128xf32, #tpu.memory_space<vmem_shared>> -> memref<32x128xf32, #tpu.memory_space<vmem_shared>>
      tpu.wait_dma2 semaphore(%run_scoped3A_332 : memref<!tpu.dma_semaphore, #tpu.memory_space<semaphore_mem>>) src(%arg12 : memref<32x128xf32, #tpu.memory_space<vmem>>) dst(%dma_wait3A_339 : memref<32x128xf32, #tpu.memory_space<vmem_shared>>)
      tpu.yield
    }) : () -> ()
    %mul3A_110 = arith.constant 632 : i32
    %mul3A_111 = arith.muli %arg1, %mul3A_110 : i32
    %add3A_112 = arith.constant 608 : i32
    %add3A_113 = arith.addi %mul3A_111, %add3A_112 : i32
    "tpu.region"() ({
      %run_scoped3A_332 = tpu.sem_alloc : memref<!tpu.dma_semaphore, #tpu.memory_space<semaphore_mem>>
      %dma_start3A = arith.constant 0 : i32
      %dma_start3A_333 = arith.constant 0 : i32
      %dma_start3A_334 = tpu.memref_slice %arg12[%dma_start3A, %dma_start3A_333] : memref<32x128xf32, #tpu.memory_space<vmem>> -> memref<24x128xf32, #tpu.memory_space<vmem>>
      %dma_start3A_335 = arith.constant 0 : i32
      %dma_start3A_336 = tpu.memref_slice %arg13[%add3A_113, %dma_start3A_335] : memref<10112x128xf32, #tpu.memory_space<vmem_shared>> -> memref<24x128xf32, #tpu.memory_space<vmem_shared>>
      %dma_start3A_337 = arith.constant 0 : i32
      %dma_start3A_338 = tpu.memref_slice %arg13[%add3A_113, %dma_start3A_337] : memref<10112x128xf32, #tpu.memory_space<vmem_shared>> -> memref<24x128xf32, #tpu.memory_space<vmem_shared>>
      %dma_start3A_339 = arith.constant 0 : i32
      %dma_start3A_340 = arith.constant 0 : i32
      %dma_start3A_341 = tpu.memref_slice %arg12[%dma_start3A_339, %dma_start3A_340] : memref<32x128xf32, #tpu.memory_space<vmem>> -> memref<24x128xf32, #tpu.memory_space<vmem>>
      tpu.enqueue_dma source(%dma_start3A_341 : memref<24x128xf32, #tpu.memory_space<vmem>>) target(%dma_start3A_338 : memref<24x128xf32, #tpu.memory_space<vmem_shared>>) target_semaphore(%run_scoped3A_332 : memref<!tpu.dma_semaphore, #tpu.memory_space<semaphore_mem>>)
      %dma_wait3A_342 = arith.constant 0 : i32
      %dma_wait3A_343 = arith.constant 0 : i32
      %dma_wait3A_344 = tpu.memref_slice %arg12[%dma_wait3A_342, %dma_wait3A_343] : memref<32x128xf32, #tpu.memory_space<vmem>> -> memref<24x128xf32, #tpu.memory_space<vmem>>
      %dma_wait3A_345 = arith.constant 0 : i32
      %dma_wait3A_346 = tpu.memref_slice %arg13[%add3A_113, %dma_wait3A_345] : memref<10112x128xf32, #tpu.memory_space<vmem_shared>> -> memref<24x128xf32, #tpu.memory_space<vmem_shared>>
      %dma_wait3A_347 = arith.constant 0 : i32
      %dma_wait3A_348 = tpu.memref_slice %arg13[%add3A_113, %dma_wait3A_347] : memref<10112x128xf32, #tpu.memory_space<vmem_shared>> -> memref<24x128xf32, #tpu.memory_space<vmem_shared>>
      %dma_wait3A_349 = arith.constant 0 : i32
      %dma_wait3A_350 = arith.constant 0 : i32
      %dma_wait3A_351 = tpu.memref_slice %arg12[%dma_wait3A_349, %dma_wait3A_350] : memref<32x128xf32, #tpu.memory_space<vmem>> -> memref<24x128xf32, #tpu.memory_space<vmem>>
      tpu.wait_dma2 semaphore(%run_scoped3A_332 : memref<!tpu.dma_semaphore, #tpu.memory_space<semaphore_mem>>) src(%dma_wait3A_351 : memref<24x128xf32, #tpu.memory_space<vmem>>) dst(%dma_wait3A_348 : memref<24x128xf32, #tpu.memory_space<vmem_shared>>)
      tpu.yield
    }) : () -> ()
    %barrier3A = arith.constant 0 : index
    tpu.barrier barrier_id(%barrier3A)
    %scan3A_114 = arith.constant 0 : i32
    %scan3A_115 = arith.constant 0 : i32
    %scan3A_116 = arith.constant 8 : i32
    %scan3A_117 = arith.addi %scan3A_115, %scan3A_116 : i32
    %scan3A_118 = arith.constant 1 : i32
    scf.for %scan3A_332 = %scan3A_115 to %scan3A_117 step %scan3A_118  : i32 {
      %mul3A_333 = arith.constant 3 : i32
      %mul3A_334 = arith.muli %mul3A_333, %scan3A_332 : i32
      %add3A_335 = arith.constant 0 : i32
      %add3A_336 = arith.addi %mul3A_334, %add3A_335 : i32
      %dma_wait3A_337 = arith.constant 0 : i32
      %dma_wait3A_338 = arith.constant 0 : i32
      %dma_wait3A_339 = tpu.memref_slice %arg7[%dma_wait3A_337, %dma_wait3A_338] : memref<25x80xi32, #tpu.memory_space<vmem>> -> memref<1x80xi32, #tpu.memory_space<vmem>>
      %dma_wait3A_340 = tpu.memref_squeeze %dma_wait3A_339 : memref<1x80xi32, #tpu.memory_space<vmem>> -> memref<80xi32, #tpu.memory_space<vmem>>
      %dma_wait3A_341 = arith.constant 0 : i32
      %dma_wait3A_342 = arith.constant 0 : i32
      %dma_wait3A_343 = tpu.memref_slice %arg2[%dma_wait3A_341, %dma_wait3A_342] : memref<10000x128xf32, #tpu.memory_space<hbm>> -> memref<10000x128xf32, #tpu.memory_space<hbm>>
      tpu.wait_indirect_dma semaphore(%arg14 : memref<!tpu.dma_semaphore, #tpu.memory_space<semaphore_mem>>) src(%dma_wait3A_343 : memref<10000x128xf32, #tpu.memory_space<hbm>>) dst(%arg9 : memref<80x128xf32, #tpu.memory_space<vmem>>)
      "tpu.region"() ({
        %run_scoped3A_386 = tpu.sem_alloc : memref<!tpu.dma_semaphore, #tpu.memory_space<semaphore_mem>>
        %dma_start3A = arith.constant 0 : i32
        %dma_start3A_387 = tpu.memref_slice %arg8[%add3A_336, %dma_start3A] : memref<25x80xi32, #tpu.memory_space<vmem>> -> memref<1x80xi32, #tpu.memory_space<vmem>>
        %dma_start3A_388 = tpu.memref_squeeze %dma_start3A_387 : memref<1x80xi32, #tpu.memory_space<vmem>> -> memref<80xi32, #tpu.memory_space<vmem>>
        %dma_start3A_389 = arith.constant 0 : i32
        %dma_start3A_390 = arith.constant 0 : i32
        %dma_start3A_391 = tpu.memref_slice %arg13[%dma_start3A_389, %dma_start3A_390] : memref<10112x128xf32, #tpu.memory_space<vmem_shared>> -> memref<10112x128xf32, #tpu.memory_space<vmem_shared>>
        tpu.enqueue_indirect_dma source(%arg9 : memref<80x128xf32, #tpu.memory_space<vmem>>) target(%dma_start3A_391 : memref<10112x128xf32, #tpu.memory_space<vmem_shared>>) offsets(%dma_start3A_388 : memref<80xi32, #tpu.memory_space<vmem>>) semaphore(%run_scoped3A_386 : memref<!tpu.dma_semaphore, #tpu.memory_space<semaphore_mem>>) {add = true}
        %dma_wait3A_392 = arith.constant 0 : i32
        %dma_wait3A_393 = tpu.memref_slice %arg8[%add3A_336, %dma_wait3A_392] : memref<25x80xi32, #tpu.memory_space<vmem>> -> memref<1x80xi32, #tpu.memory_space<vmem>>
        %dma_wait3A_394 = tpu.memref_squeeze %dma_wait3A_393 : memref<1x80xi32, #tpu.memory_space<vmem>> -> memref<80xi32, #tpu.memory_space<vmem>>
        %dma_wait3A_395 = arith.constant 0 : i32
        %dma_wait3A_396 = arith.constant 0 : i32
        %dma_wait3A_397 = tpu.memref_slice %arg13[%dma_wait3A_395, %dma_wait3A_396] : memref<10112x128xf32, #tpu.memory_space<vmem_shared>> -> memref<10112x128xf32, #tpu.memory_space<vmem_shared>>
        tpu.wait_indirect_dma semaphore(%run_scoped3A_386 : memref<!tpu.dma_semaphore, #tpu.memory_space<semaphore_mem>>) src(%arg9 : memref<80x128xf32, #tpu.memory_space<vmem>>) dst(%dma_wait3A_397 : memref<10112x128xf32, #tpu.memory_space<vmem_shared>>)
        tpu.yield
      }) : () -> ()
      %add3A_344 = arith.constant 3 : i32
      %add3A_345 = arith.addi %add3A_336, %add3A_344 : i32
      %lt3A = arith.constant 25 : i32
      %lt3A_346 = arith.cmpi slt, %add3A_345, %lt3A : i32
      %convert_element_type3A_347 = arith.extui %lt3A_346 : i1 to i32
      %cond3A_348 = arith.constant 0 : i32
      %cond3A_349 = arith.cmpi ne, %convert_element_type3A_347, %cond3A_348 : i32
      scf.if %cond3A_349 {
        %add3A_386 = arith.constant 3 : i32
        %add3A_387 = arith.addi %add3A_336, %add3A_386 : i32
        %eq3A_388 = arith.constant 0 : i32
        %eq3A_389 = arith.cmpi eq, %arg0, %eq3A_388 : i32
        %convert_element_type3A_390 = arith.extui %eq3A_389 : i1 to i32
        %cond3A_391 = arith.constant 0 : i32
        %cond3A_392 = arith.cmpi ne, %convert_element_type3A_390, %cond3A_391 : i32
        scf.if %cond3A_392 {
          %dma_start3A = arith.constant 0 : i32
          %dma_start3A_398 = tpu.memref_slice %arg7[%add3A_387, %dma_start3A] : memref<25x80xi32, #tpu.memory_space<vmem>> -> memref<1x80xi32, #tpu.memory_space<vmem>>
          %dma_start3A_399 = tpu.memref_squeeze %dma_start3A_398 : memref<1x80xi32, #tpu.memory_space<vmem>> -> memref<80xi32, #tpu.memory_space<vmem>>
          %dma_start3A_400 = arith.constant 0 : i32
          %dma_start3A_401 = arith.constant 0 : i32
          %dma_start3A_402 = tpu.memref_slice %arg2[%dma_start3A_400, %dma_start3A_401] : memref<10000x128xf32, #tpu.memory_space<hbm>> -> memref<10000x128xf32, #tpu.memory_space<hbm>>
          tpu.enqueue_indirect_dma source(%dma_start3A_402 : memref<10000x128xf32, #tpu.memory_space<hbm>>) target(%arg9 : memref<80x128xf32, #tpu.memory_space<vmem>>) offsets(%dma_start3A_399 : memref<80xi32, #tpu.memory_space<vmem>>) semaphore(%arg14 : memref<!tpu.dma_semaphore, #tpu.memory_space<semaphore_mem>>)
        } else {
        }
        %eq3A_393 = arith.constant 1 : i32
        %eq3A_394 = arith.cmpi eq, %arg0, %eq3A_393 : i32
        %convert_element_type3A_395 = arith.extui %eq3A_394 : i1 to i32
        %cond3A_396 = arith.constant 0 : i32
        %cond3A_397 = arith.cmpi ne, %convert_element_type3A_395, %cond3A_396 : i32
        scf.if %cond3A_397 {
          %dma_start3A = arith.constant 0 : i32
          %dma_start3A_398 = tpu.memref_slice %arg7[%add3A_387, %dma_start3A] : memref<25x80xi32, #tpu.memory_space<vmem>> -> memref<1x80xi32, #tpu.memory_space<vmem>>
          %dma_start3A_399 = tpu.memref_squeeze %dma_start3A_398 : memref<1x80xi32, #tpu.memory_space<vmem>> -> memref<80xi32, #tpu.memory_space<vmem>>
          %dma_start3A_400 = arith.constant 0 : i32
          %dma_start3A_401 = arith.constant 0 : i32
          %dma_start3A_402 = tpu.memref_slice %arg3[%dma_start3A_400, %dma_start3A_401] : memref<10000x128xf32, #tpu.memory_space<hbm>> -> memref<10000x128xf32, #tpu.memory_space<hbm>>
          tpu.enqueue_indirect_dma source(%dma_start3A_402 : memref<10000x128xf32, #tpu.memory_space<hbm>>) target(%arg9 : memref<80x128xf32, #tpu.memory_space<vmem>>) offsets(%dma_start3A_399 : memref<80xi32, #tpu.memory_space<vmem>>) semaphore(%arg14 : memref<!tpu.dma_semaphore, #tpu.memory_space<semaphore_mem>>)
        } else {
        }
      } else {
      }
      %mul3A_350 = arith.constant 3 : i32
      %mul3A_351 = arith.muli %mul3A_350, %scan3A_332 : i32
      %add3A_352 = arith.constant 1 : i32
      %add3A_353 = arith.addi %mul3A_351, %add3A_352 : i32
      %dma_wait3A_354 = arith.constant 0 : i32
      %dma_wait3A_355 = arith.constant 0 : i32
      %dma_wait3A_356 = tpu.memref_slice %arg7[%dma_wait3A_354, %dma_wait3A_355] : memref<25x80xi32, #tpu.memory_space<vmem>> -> memref<1x80xi32, #tpu.memory_space<vmem>>
      %dma_wait3A_357 = tpu.memref_squeeze %dma_wait3A_356 : memref<1x80xi32, #tpu.memory_space<vmem>> -> memref<80xi32, #tpu.memory_space<vmem>>
      %dma_wait3A_358 = arith.constant 0 : i32
      %dma_wait3A_359 = arith.constant 0 : i32
      %dma_wait3A_360 = tpu.memref_slice %arg2[%dma_wait3A_358, %dma_wait3A_359] : memref<10000x128xf32, #tpu.memory_space<hbm>> -> memref<10000x128xf32, #tpu.memory_space<hbm>>
      tpu.wait_indirect_dma semaphore(%arg15 : memref<!tpu.dma_semaphore, #tpu.memory_space<semaphore_mem>>) src(%dma_wait3A_360 : memref<10000x128xf32, #tpu.memory_space<hbm>>) dst(%arg10 : memref<80x128xf32, #tpu.memory_space<vmem>>)
      "tpu.region"() ({
        %run_scoped3A_386 = tpu.sem_alloc : memref<!tpu.dma_semaphore, #tpu.memory_space<semaphore_mem>>
        %dma_start3A = arith.constant 0 : i32
        %dma_start3A_387 = tpu.memref_slice %arg8[%add3A_353, %dma_start3A] : memref<25x80xi32, #tpu.memory_space<vmem>> -> memref<1x80xi32, #tpu.memory_space<vmem>>
        %dma_start3A_388 = tpu.memref_squeeze %dma_start3A_387 : memref<1x80xi32, #tpu.memory_space<vmem>> -> memref<80xi32, #tpu.memory_space<vmem>>
        %dma_start3A_389 = arith.constant 0 : i32
        %dma_start3A_390 = arith.constant 0 : i32
        %dma_start3A_391 = tpu.memref_slice %arg13[%dma_start3A_389, %dma_start3A_390] : memref<10112x128xf32, #tpu.memory_space<vmem_shared>> -> memref<10112x128xf32, #tpu.memory_space<vmem_shared>>
        tpu.enqueue_indirect_dma source(%arg10 : memref<80x128xf32, #tpu.memory_space<vmem>>) target(%dma_start3A_391 : memref<10112x128xf32, #tpu.memory_space<vmem_shared>>) offsets(%dma_start3A_388 : memref<80xi32, #tpu.memory_space<vmem>>) semaphore(%run_scoped3A_386 : memref<!tpu.dma_semaphore, #tpu.memory_space<semaphore_mem>>) {add = true}
        %dma_wait3A_392 = arith.constant 0 : i32
        %dma_wait3A_393 = tpu.memref_slice %arg8[%add3A_353, %dma_wait3A_392] : memref<25x80xi32, #tpu.memory_space<vmem>> -> memref<1x80xi32, #tpu.memory_space<vmem>>
        %dma_wait3A_394 = tpu.memref_squeeze %dma_wait3A_393 : memref<1x80xi32, #tpu.memory_space<vmem>> -> memref<80xi32, #tpu.memory_space<vmem>>
        %dma_wait3A_395 = arith.constant 0 : i32
        %dma_wait3A_396 = arith.constant 0 : i32
        %dma_wait3A_397 = tpu.memref_slice %arg13[%dma_wait3A_395, %dma_wait3A_396] : memref<10112x128xf32, #tpu.memory_space<vmem_shared>> -> memref<10112x128xf32, #tpu.memory_space<vmem_shared>>
        tpu.wait_indirect_dma semaphore(%run_scoped3A_386 : memref<!tpu.dma_semaphore, #tpu.memory_space<semaphore_mem>>) src(%arg10 : memref<80x128xf32, #tpu.memory_space<vmem>>) dst(%dma_wait3A_397 : memref<10112x128xf32, #tpu.memory_space<vmem_shared>>)
        tpu.yield
      }) : () -> ()
      %add3A_361 = arith.constant 3 : i32
      %add3A_362 = arith.addi %add3A_353, %add3A_361 : i32
      %lt3A_363 = arith.constant 25 : i32
      %lt3A_364 = arith.cmpi slt, %add3A_362, %lt3A_363 : i32
      %convert_element_type3A_365 = arith.extui %lt3A_364 : i1 to i32
      %cond3A_366 = arith.constant 0 : i32
      %cond3A_367 = arith.cmpi ne, %convert_element_type3A_365, %cond3A_366 : i32
      scf.if %cond3A_367 {
        %add3A_386 = arith.constant 3 : i32
        %add3A_387 = arith.addi %add3A_353, %add3A_386 : i32
        %eq3A_388 = arith.constant 0 : i32
        %eq3A_389 = arith.cmpi eq, %arg0, %eq3A_388 : i32
        %convert_element_type3A_390 = arith.extui %eq3A_389 : i1 to i32
        %cond3A_391 = arith.constant 0 : i32
        %cond3A_392 = arith.cmpi ne, %convert_element_type3A_390, %cond3A_391 : i32
        scf.if %cond3A_392 {
          %dma_start3A = arith.constant 0 : i32
          %dma_start3A_398 = tpu.memref_slice %arg7[%add3A_387, %dma_start3A] : memref<25x80xi32, #tpu.memory_space<vmem>> -> memref<1x80xi32, #tpu.memory_space<vmem>>
          %dma_start3A_399 = tpu.memref_squeeze %dma_start3A_398 : memref<1x80xi32, #tpu.memory_space<vmem>> -> memref<80xi32, #tpu.memory_space<vmem>>
          %dma_start3A_400 = arith.constant 0 : i32
          %dma_start3A_401 = arith.constant 0 : i32
          %dma_start3A_402 = tpu.memref_slice %arg2[%dma_start3A_400, %dma_start3A_401] : memref<10000x128xf32, #tpu.memory_space<hbm>> -> memref<10000x128xf32, #tpu.memory_space<hbm>>
          tpu.enqueue_indirect_dma source(%dma_start3A_402 : memref<10000x128xf32, #tpu.memory_space<hbm>>) target(%arg10 : memref<80x128xf32, #tpu.memory_space<vmem>>) offsets(%dma_start3A_399 : memref<80xi32, #tpu.memory_space<vmem>>) semaphore(%arg15 : memref<!tpu.dma_semaphore, #tpu.memory_space<semaphore_mem>>)
        } else {
        }
        %eq3A_393 = arith.constant 1 : i32
        %eq3A_394 = arith.cmpi eq, %arg0, %eq3A_393 : i32
        %convert_element_type3A_395 = arith.extui %eq3A_394 : i1 to i32
        %cond3A_396 = arith.constant 0 : i32
        %cond3A_397 = arith.cmpi ne, %convert_element_type3A_395, %cond3A_396 : i32
        scf.if %cond3A_397 {
          %dma_start3A = arith.constant 0 : i32
          %dma_start3A_398 = tpu.memref_slice %arg7[%add3A_387, %dma_start3A] : memref<25x80xi32, #tpu.memory_space<vmem>> -> memref<1x80xi32, #tpu.memory_space<vmem>>
          %dma_start3A_399 = tpu.memref_squeeze %dma_start3A_398 : memref<1x80xi32, #tpu.memory_space<vmem>> -> memref<80xi32, #tpu.memory_space<vmem>>
          %dma_start3A_400 = arith.constant 0 : i32
          %dma_start3A_401 = arith.constant 0 : i32
          %dma_start3A_402 = tpu.memref_slice %arg3[%dma_start3A_400, %dma_start3A_401] : memref<10000x128xf32, #tpu.memory_space<hbm>> -> memref<10000x128xf32, #tpu.memory_space<hbm>>
          tpu.enqueue_indirect_dma source(%dma_start3A_402 : memref<10000x128xf32, #tpu.memory_space<hbm>>) target(%arg10 : memref<80x128xf32, #tpu.memory_space<vmem>>) offsets(%dma_start3A_399 : memref<80xi32, #tpu.memory_space<vmem>>) semaphore(%arg15 : memref<!tpu.dma_semaphore, #tpu.memory_space<semaphore_mem>>)
        } else {
        }
      } else {
      }
      %mul3A_368 = arith.constant 3 : i32
      %mul3A_369 = arith.muli %mul3A_368, %scan3A_332 : i32
      %add3A_370 = arith.constant 2 : i32
      %add3A_371 = arith.addi %mul3A_369, %add3A_370 : i32
      %dma_wait3A_372 = arith.constant 0 : i32
      %dma_wait3A_373 = arith.constant 0 : i32
      %dma_wait3A_374 = tpu.memref_slice %arg7[%dma_wait3A_372, %dma_wait3A_373] : memref<25x80xi32, #tpu.memory_space<vmem>> -> memref<1x80xi32, #tpu.memory_space<vmem>>
      %dma_wait3A_375 = tpu.memref_squeeze %dma_wait3A_374 : memref<1x80xi32, #tpu.memory_space<vmem>> -> memref<80xi32, #tpu.memory_space<vmem>>
      %dma_wait3A_376 = arith.constant 0 : i32
      %dma_wait3A_377 = arith.constant 0 : i32
      %dma_wait3A_378 = tpu.memref_slice %arg2[%dma_wait3A_376, %dma_wait3A_377] : memref<10000x128xf32, #tpu.memory_space<hbm>> -> memref<10000x128xf32, #tpu.memory_space<hbm>>
      tpu.wait_indirect_dma semaphore(%arg16 : memref<!tpu.dma_semaphore, #tpu.memory_space<semaphore_mem>>) src(%dma_wait3A_378 : memref<10000x128xf32, #tpu.memory_space<hbm>>) dst(%arg11 : memref<80x128xf32, #tpu.memory_space<vmem>>)
      "tpu.region"() ({
        %run_scoped3A_386 = tpu.sem_alloc : memref<!tpu.dma_semaphore, #tpu.memory_space<semaphore_mem>>
        %dma_start3A = arith.constant 0 : i32
        %dma_start3A_387 = tpu.memref_slice %arg8[%add3A_371, %dma_start3A] : memref<25x80xi32, #tpu.memory_space<vmem>> -> memref<1x80xi32, #tpu.memory_space<vmem>>
        %dma_start3A_388 = tpu.memref_squeeze %dma_start3A_387 : memref<1x80xi32, #tpu.memory_space<vmem>> -> memref<80xi32, #tpu.memory_space<vmem>>
        %dma_start3A_389 = arith.constant 0 : i32
        %dma_start3A_390 = arith.constant 0 : i32
        %dma_start3A_391 = tpu.memref_slice %arg13[%dma_start3A_389, %dma_start3A_390] : memref<10112x128xf32, #tpu.memory_space<vmem_shared>> -> memref<10112x128xf32, #tpu.memory_space<vmem_shared>>
        tpu.enqueue_indirect_dma source(%arg11 : memref<80x128xf32, #tpu.memory_space<vmem>>) target(%dma_start3A_391 : memref<10112x128xf32, #tpu.memory_space<vmem_shared>>) offsets(%dma_start3A_388 : memref<80xi32, #tpu.memory_space<vmem>>) semaphore(%run_scoped3A_386 : memref<!tpu.dma_semaphore, #tpu.memory_space<semaphore_mem>>) {add = true}
        %dma_wait3A_392 = arith.constant 0 : i32
        %dma_wait3A_393 = tpu.memref_slice %arg8[%add3A_371, %dma_wait3A_392] : memref<25x80xi32, #tpu.memory_space<vmem>> -> memref<1x80xi32, #tpu.memory_space<vmem>>
        %dma_wait3A_394 = tpu.memref_squeeze %dma_wait3A_393 : memref<1x80xi32, #tpu.memory_space<vmem>> -> memref<80xi32, #tpu.memory_space<vmem>>
        %dma_wait3A_395 = arith.constant 0 : i32
        %dma_wait3A_396 = arith.constant 0 : i32
        %dma_wait3A_397 = tpu.memref_slice %arg13[%dma_wait3A_395, %dma_wait3A_396] : memref<10112x128xf32, #tpu.memory_space<vmem_shared>> -> memref<10112x128xf32, #tpu.memory_space<vmem_shared>>
        tpu.wait_indirect_dma semaphore(%run_scoped3A_386 : memref<!tpu.dma_semaphore, #tpu.memory_space<semaphore_mem>>) src(%arg11 : memref<80x128xf32, #tpu.memory_space<vmem>>) dst(%dma_wait3A_397 : memref<10112x128xf32, #tpu.memory_space<vmem_shared>>)
        tpu.yield
      }) : () -> ()
      %add3A_379 = arith.constant 3 : i32
      %add3A_380 = arith.addi %add3A_371, %add3A_379 : i32
      %lt3A_381 = arith.constant 25 : i32
      %lt3A_382 = arith.cmpi slt, %add3A_380, %lt3A_381 : i32
      %convert_element_type3A_383 = arith.extui %lt3A_382 : i1 to i32
      %cond3A_384 = arith.constant 0 : i32
      %cond3A_385 = arith.cmpi ne, %convert_element_type3A_383, %cond3A_384 : i32
      scf.if %cond3A_385 {
        %add3A_386 = arith.constant 3 : i32
        %add3A_387 = arith.addi %add3A_371, %add3A_386 : i32
        %eq3A_388 = arith.constant 0 : i32
        %eq3A_389 = arith.cmpi eq, %arg0, %eq3A_388 : i32
        %convert_element_type3A_390 = arith.extui %eq3A_389 : i1 to i32
        %cond3A_391 = arith.constant 0 : i32
        %cond3A_392 = arith.cmpi ne, %convert_element_type3A_390, %cond3A_391 : i32
        scf.if %cond3A_392 {
          %dma_start3A = arith.constant 0 : i32
          %dma_start3A_398 = tpu.memref_slice %arg7[%add3A_387, %dma_start3A] : memref<25x80xi32, #tpu.memory_space<vmem>> -> memref<1x80xi32, #tpu.memory_space<vmem>>
          %dma_start3A_399 = tpu.memref_squeeze %dma_start3A_398 : memref<1x80xi32, #tpu.memory_space<vmem>> -> memref<80xi32, #tpu.memory_space<vmem>>
          %dma_start3A_400 = arith.constant 0 : i32
          %dma_start3A_401 = arith.constant 0 : i32
          %dma_start3A_402 = tpu.memref_slice %arg2[%dma_start3A_400, %dma_start3A_401] : memref<10000x128xf32, #tpu.memory_space<hbm>> -> memref<10000x128xf32, #tpu.memory_space<hbm>>
          tpu.enqueue_indirect_dma source(%dma_start3A_402 : memref<10000x128xf32, #tpu.memory_space<hbm>>) target(%arg11 : memref<80x128xf32, #tpu.memory_space<vmem>>) offsets(%dma_start3A_399 : memref<80xi32, #tpu.memory_space<vmem>>) semaphore(%arg16 : memref<!tpu.dma_semaphore, #tpu.memory_space<semaphore_mem>>)
        } else {
        }
        %eq3A_393 = arith.constant 1 : i32
        %eq3A_394 = arith.cmpi eq, %arg0, %eq3A_393 : i32
        %convert_element_type3A_395 = arith.extui %eq3A_394 : i1 to i32
        %cond3A_396 = arith.constant 0 : i32
        %cond3A_397 = arith.cmpi ne, %convert_element_type3A_395, %cond3A_396 : i32
        scf.if %cond3A_397 {
          %dma_start3A = arith.constant 0 : i32
          %dma_start3A_398 = tpu.memref_slice %arg7[%add3A_387, %dma_start3A] : memref<25x80xi32, #tpu.memory_space<vmem>> -> memref<1x80xi32, #tpu.memory_space<vmem>>
          %dma_start3A_399 = tpu.memref_squeeze %dma_start3A_398 : memref<1x80xi32, #tpu.memory_space<vmem>> -> memref<80xi32, #tpu.memory_space<vmem>>
          %dma_start3A_400 = arith.constant 0 : i32
          %dma_start3A_401 = arith.constant 0 : i32
          %dma_start3A_402 = tpu.memref_slice %arg3[%dma_start3A_400, %dma_start3A_401] : memref<10000x128xf32, #tpu.memory_space<hbm>> -> memref<10000x128xf32, #tpu.memory_space<hbm>>
          tpu.enqueue_indirect_dma source(%dma_start3A_402 : memref<10000x128xf32, #tpu.memory_space<hbm>>) target(%arg11 : memref<80x128xf32, #tpu.memory_space<vmem>>) offsets(%dma_start3A_399 : memref<80xi32, #tpu.memory_space<vmem>>) semaphore(%arg16 : memref<!tpu.dma_semaphore, #tpu.memory_space<semaphore_mem>>)
        } else {
        }
      } else {
      }
    }
    %scan3A_119 = arith.constant 8 : i32
    %dma_wait3A = arith.constant 0 : i32
    %dma_wait3A_120 = arith.constant 0 : i32
    %dma_wait3A_121 = tpu.memref_slice %arg7[%dma_wait3A, %dma_wait3A_120] : memref<25x80xi32, #tpu.memory_space<vmem>> -> memref<1x80xi32, #tpu.memory_space<vmem>>
    %dma_wait3A_122 = tpu.memref_squeeze %dma_wait3A_121 : memref<1x80xi32, #tpu.memory_space<vmem>> -> memref<80xi32, #tpu.memory_space<vmem>>
    %dma_wait3A_123 = arith.constant 0 : i32
    %dma_wait3A_124 = arith.constant 0 : i32
    %dma_wait3A_125 = tpu.memref_slice %arg2[%dma_wait3A_123, %dma_wait3A_124] : memref<10000x128xf32, #tpu.memory_space<hbm>> -> memref<10000x128xf32, #tpu.memory_space<hbm>>
    tpu.wait_indirect_dma semaphore(%arg14 : memref<!tpu.dma_semaphore, #tpu.memory_space<semaphore_mem>>) src(%dma_wait3A_125 : memref<10000x128xf32, #tpu.memory_space<hbm>>) dst(%arg9 : memref<80x128xf32, #tpu.memory_space<vmem>>)
    %run_scoped3A_126 = arith.constant 24 : i32
    "tpu.region"() ({
      %run_scoped3A_332 = tpu.sem_alloc : memref<!tpu.dma_semaphore, #tpu.memory_space<semaphore_mem>>
      %dma_start3A = arith.constant 0 : i32
      %dma_start3A_333 = tpu.memref_slice %arg8[%run_scoped3A_126, %dma_start3A] : memref<25x80xi32, #tpu.memory_space<vmem>> -> memref<1x80xi32, #tpu.memory_space<vmem>>
      %dma_start3A_334 = tpu.memref_squeeze %dma_start3A_333 : memref<1x80xi32, #tpu.memory_space<vmem>> -> memref<80xi32, #tpu.memory_space<vmem>>
      %dma_start3A_335 = arith.constant 0 : i32
      %dma_start3A_336 = arith.constant 0 : i32
      %dma_start3A_337 = tpu.memref_slice %arg13[%dma_start3A_335, %dma_start3A_336] : memref<10112x128xf32, #tpu.memory_space<vmem_shared>> -> memref<10112x128xf32, #tpu.memory_space<vmem_shared>>
      tpu.enqueue_indirect_dma source(%arg9 : memref<80x128xf32, #tpu.memory_space<vmem>>) target(%dma_start3A_337 : memref<10112x128xf32, #tpu.memory_space<vmem_shared>>) offsets(%dma_start3A_334 : memref<80xi32, #tpu.memory_space<vmem>>) semaphore(%run_scoped3A_332 : memref<!tpu.dma_semaphore, #tpu.memory_space<semaphore_mem>>) {add = true}
      %dma_wait3A_338 = arith.constant 0 : i32
      %dma_wait3A_339 = tpu.memref_slice %arg8[%run_scoped3A_126, %dma_wait3A_338] : memref<25x80xi32, #tpu.memory_space<vmem>> -> memref<1x80xi32, #tpu.memory_space<vmem>>
      %dma_wait3A_340 = tpu.memref_squeeze %dma_wait3A_339 : memref<1x80xi32, #tpu.memory_space<vmem>> -> memref<80xi32, #tpu.memory_space<vmem>>
      %dma_wait3A_341 = arith.constant 0 : i32
      %dma_wait3A_342 = arith.constant 0 : i32
      %dma_wait3A_343 = tpu.memref_slice %arg13[%dma_wait3A_341, %dma_wait3A_342] : memref<10112x128xf32, #tpu.memory_space<vmem_shared>> -> memref<10112x128xf32, #tpu.memory_space<vmem_shared>>
      tpu.wait_indirect_dma semaphore(%run_scoped3A_332 : memref<!tpu.dma_semaphore, #tpu.memory_space<semaphore_mem>>) src(%arg9 : memref<80x128xf32, #tpu.memory_space<vmem>>) dst(%dma_wait3A_343 : memref<10112x128xf32, #tpu.memory_space<vmem_shared>>)
      tpu.yield
    }) : () -> ()
    %run_scoped3A_127 = arith.constant 0 : i32
    %run_scoped3A_128 = arith.constant 1 : i32
    "tpu.region"() ({
      %run_scoped3A_332 = tpu.sem_alloc : memref<!tpu.dma_semaphore, #tpu.memory_space<semaphore_mem>>
      %dma_start3A = arith.constant 0 : i32
      %dma_start3A_333 = arith.constant 0 : i32
      %dma_start3A_334 = tpu.memref_slice %arg4[%run_scoped3A_127, %arg1, %run_scoped3A_128, %dma_start3A, %dma_start3A_333] : memref<2x16x5x25x80xi32, #tpu.memory_space<hbm>> -> memref<1x1x1x25x80xi32, #tpu.memory_space<hbm>>
      %dma_start3A_335 = tpu.memref_squeeze %dma_start3A_334 : memref<1x1x1x25x80xi32, #tpu.memory_space<hbm>> -> memref<25x80xi32, #tpu.memory_space<hbm>>
      %dma_start3A_336 = arith.constant 0 : i32
      %dma_start3A_337 = arith.constant 0 : i32
      %dma_start3A_338 = tpu.memref_slice %arg4[%run_scoped3A_127, %arg1, %run_scoped3A_128, %dma_start3A_336, %dma_start3A_337] : memref<2x16x5x25x80xi32, #tpu.memory_space<hbm>> -> memref<1x1x1x25x80xi32, #tpu.memory_space<hbm>>
      %dma_start3A_339 = tpu.memref_squeeze %dma_start3A_338 : memref<1x1x1x25x80xi32, #tpu.memory_space<hbm>> -> memref<25x80xi32, #tpu.memory_space<hbm>>
      tpu.enqueue_dma source(%dma_start3A_339 : memref<25x80xi32, #tpu.memory_space<hbm>>) target(%arg7 : memref<25x80xi32, #tpu.memory_space<vmem>>) target_semaphore(%run_scoped3A_332 : memref<!tpu.dma_semaphore, #tpu.memory_space<semaphore_mem>>)
      %dma_wait3A_340 = arith.constant 0 : i32
      %dma_wait3A_341 = arith.constant 0 : i32
      %dma_wait3A_342 = tpu.memref_slice %arg4[%run_scoped3A_127, %arg1, %run_scoped3A_128, %dma_wait3A_340, %dma_wait3A_341] : memref<2x16x5x25x80xi32, #tpu.memory_space<hbm>> -> memref<1x1x1x25x80xi32, #tpu.memory_space<hbm>>
      %dma_wait3A_343 = tpu.memref_squeeze %dma_wait3A_342 : memref<1x1x1x25x80xi32, #tpu.memory_space<hbm>> -> memref<25x80xi32, #tpu.memory_space<hbm>>
      %dma_wait3A_344 = arith.constant 0 : i32
      %dma_wait3A_345 = arith.constant 0 : i32
      %dma_wait3A_346 = tpu.memref_slice %arg4[%run_scoped3A_127, %arg1, %run_scoped3A_128, %dma_wait3A_344, %dma_wait3A_345] : memref<2x16x5x25x80xi32, #tpu.memory_space<hbm>> -> memref<1x1x1x25x80xi32, #tpu.memory_space<hbm>>
      %dma_wait3A_347 = tpu.memref_squeeze %dma_wait3A_346 : memref<1x1x1x25x80xi32, #tpu.memory_space<hbm>> -> memref<25x80xi32, #tpu.memory_space<hbm>>
      tpu.wait_dma2 semaphore(%run_scoped3A_332 : memref<!tpu.dma_semaphore, #tpu.memory_space<semaphore_mem>>) src(%dma_wait3A_347 : memref<25x80xi32, #tpu.memory_space<hbm>>) dst(%arg7 : memref<25x80xi32, #tpu.memory_space<vmem>>)
      tpu.yield
    }) : () -> ()
    %run_scoped3A_129 = arith.constant 1 : i32
    %run_scoped3A_130 = arith.constant 1 : i32
    "tpu.region"() ({
      %run_scoped3A_332 = tpu.sem_alloc : memref<!tpu.dma_semaphore, #tpu.memory_space<semaphore_mem>>
      %dma_start3A = arith.constant 0 : i32
      %dma_start3A_333 = arith.constant 0 : i32
      %dma_start3A_334 = tpu.memref_slice %arg4[%run_scoped3A_129, %arg1, %run_scoped3A_130, %dma_start3A, %dma_start3A_333] : memref<2x16x5x25x80xi32, #tpu.memory_space<hbm>> -> memref<1x1x1x25x80xi32, #tpu.memory_space<hbm>>
      %dma_start3A_335 = tpu.memref_squeeze %dma_start3A_334 : memref<1x1x1x25x80xi32, #tpu.memory_space<hbm>> -> memref<25x80xi32, #tpu.memory_space<hbm>>
      %dma_start3A_336 = arith.constant 0 : i32
      %dma_start3A_337 = arith.constant 0 : i32
      %dma_start3A_338 = tpu.memref_slice %arg4[%run_scoped3A_129, %arg1, %run_scoped3A_130, %dma_start3A_336, %dma_start3A_337] : memref<2x16x5x25x80xi32, #tpu.memory_space<hbm>> -> memref<1x1x1x25x80xi32, #tpu.memory_space<hbm>>
      %dma_start3A_339 = tpu.memref_squeeze %dma_start3A_338 : memref<1x1x1x25x80xi32, #tpu.memory_space<hbm>> -> memref<25x80xi32, #tpu.memory_space<hbm>>
      tpu.enqueue_dma source(%dma_start3A_339 : memref<25x80xi32, #tpu.memory_space<hbm>>) target(%arg8 : memref<25x80xi32, #tpu.memory_space<vmem>>) target_semaphore(%run_scoped3A_332 : memref<!tpu.dma_semaphore, #tpu.memory_space<semaphore_mem>>)
      %dma_wait3A_340 = arith.constant 0 : i32
      %dma_wait3A_341 = arith.constant 0 : i32
      %dma_wait3A_342 = tpu.memref_slice %arg4[%run_scoped3A_129, %arg1, %run_scoped3A_130, %dma_wait3A_340, %dma_wait3A_341] : memref<2x16x5x25x80xi32, #tpu.memory_space<hbm>> -> memref<1x1x1x25x80xi32, #tpu.memory_space<hbm>>
      %dma_wait3A_343 = tpu.memref_squeeze %dma_wait3A_342 : memref<1x1x1x25x80xi32, #tpu.memory_space<hbm>> -> memref<25x80xi32, #tpu.memory_space<hbm>>
      %dma_wait3A_344 = arith.constant 0 : i32
      %dma_wait3A_345 = arith.constant 0 : i32
      %dma_wait3A_346 = tpu.memref_slice %arg4[%run_scoped3A_129, %arg1, %run_scoped3A_130, %dma_wait3A_344, %dma_wait3A_345] : memref<2x16x5x25x80xi32, #tpu.memory_space<hbm>> -> memref<1x1x1x25x80xi32, #tpu.memory_space<hbm>>
      %dma_wait3A_347 = tpu.memref_squeeze %dma_wait3A_346 : memref<1x1x1x25x80xi32, #tpu.memory_space<hbm>> -> memref<25x80xi32, #tpu.memory_space<hbm>>
      tpu.wait_dma2 semaphore(%run_scoped3A_332 : memref<!tpu.dma_semaphore, #tpu.memory_space<semaphore_mem>>) src(%dma_wait3A_347 : memref<25x80xi32, #tpu.memory_space<hbm>>) dst(%arg8 : memref<25x80xi32, #tpu.memory_space<vmem>>)
      tpu.yield
    }) : () -> ()
    %eq3A_131 = arith.constant 0 : i32
    %eq3A_132 = arith.cmpi eq, %arg0, %eq3A_131 : i32
    %convert_element_type3A_133 = arith.extui %eq3A_132 : i1 to i32
    %cond3A_134 = arith.constant 0 : i32
    %cond3A_135 = arith.cmpi ne, %convert_element_type3A_133, %cond3A_134 : i32
    scf.if %cond3A_135 {
      %dma_start3A = arith.constant 0 : i32
      %dma_start3A_332 = arith.constant 0 : i32
      %dma_start3A_333 = tpu.memref_slice %arg7[%dma_start3A, %dma_start3A_332] : memref<25x80xi32, #tpu.memory_space<vmem>> -> memref<1x80xi32, #tpu.memory_space<vmem>>
      %dma_start3A_334 = tpu.memref_squeeze %dma_start3A_333 : memref<1x80xi32, #tpu.memory_space<vmem>> -> memref<80xi32, #tpu.memory_space<vmem>>
      %dma_start3A_335 = arith.constant 0 : i32
      %dma_start3A_336 = arith.constant 0 : i32
      %dma_start3A_337 = tpu.memref_slice %arg2[%dma_start3A_335, %dma_start3A_336] : memref<10000x128xf32, #tpu.memory_space<hbm>> -> memref<10000x128xf32, #tpu.memory_space<hbm>>
      tpu.enqueue_indirect_dma source(%dma_start3A_337 : memref<10000x128xf32, #tpu.memory_space<hbm>>) target(%arg9 : memref<80x128xf32, #tpu.memory_space<vmem>>) offsets(%dma_start3A_334 : memref<80xi32, #tpu.memory_space<vmem>>) semaphore(%arg14 : memref<!tpu.dma_semaphore, #tpu.memory_space<semaphore_mem>>)
    } else {
    }
    %eq3A_136 = arith.constant 1 : i32
    %eq3A_137 = arith.cmpi eq, %arg0, %eq3A_136 : i32
    %convert_element_type3A_138 = arith.extui %eq3A_137 : i1 to i32
    %cond3A_139 = arith.constant 0 : i32
    %cond3A_140 = arith.cmpi ne, %convert_element_type3A_138, %cond3A_139 : i32
    scf.if %cond3A_140 {
      %dma_start3A = arith.constant 0 : i32
      %dma_start3A_332 = arith.constant 0 : i32
      %dma_start3A_333 = tpu.memref_slice %arg7[%dma_start3A, %dma_start3A_332] : memref<25x80xi32, #tpu.memory_space<vmem>> -> memref<1x80xi32, #tpu.memory_space<vmem>>
      %dma_start3A_334 = tpu.memref_squeeze %dma_start3A_333 : memref<1x80xi32, #tpu.memory_space<vmem>> -> memref<80xi32, #tpu.memory_space<vmem>>
      %dma_start3A_335 = arith.constant 0 : i32
      %dma_start3A_336 = arith.constant 0 : i32
      %dma_start3A_337 = tpu.memref_slice %arg3[%dma_start3A_335, %dma_start3A_336] : memref<10000x128xf32, #tpu.memory_space<hbm>> -> memref<10000x128xf32, #tpu.memory_space<hbm>>
      tpu.enqueue_indirect_dma source(%dma_start3A_337 : memref<10000x128xf32, #tpu.memory_space<hbm>>) target(%arg9 : memref<80x128xf32, #tpu.memory_space<vmem>>) offsets(%dma_start3A_334 : memref<80xi32, #tpu.memory_space<vmem>>) semaphore(%arg14 : memref<!tpu.dma_semaphore, #tpu.memory_space<semaphore_mem>>)
    } else {
    }
    %eq3A_141 = arith.constant 0 : i32
    %eq3A_142 = arith.cmpi eq, %arg0, %eq3A_141 : i32
    %convert_element_type3A_143 = arith.extui %eq3A_142 : i1 to i32
    %cond3A_144 = arith.constant 0 : i32
    %cond3A_145 = arith.cmpi ne, %convert_element_type3A_143, %cond3A_144 : i32
    scf.if %cond3A_145 {
      %dma_start3A = arith.constant 1 : i32
      %dma_start3A_332 = arith.constant 0 : i32
      %dma_start3A_333 = tpu.memref_slice %arg7[%dma_start3A, %dma_start3A_332] : memref<25x80xi32, #tpu.memory_space<vmem>> -> memref<1x80xi32, #tpu.memory_space<vmem>>
      %dma_start3A_334 = tpu.memref_squeeze %dma_start3A_333 : memref<1x80xi32, #tpu.memory_space<vmem>> -> memref<80xi32, #tpu.memory_space<vmem>>
      %dma_start3A_335 = arith.constant 0 : i32
      %dma_start3A_336 = arith.constant 0 : i32
      %dma_start3A_337 = tpu.memref_slice %arg2[%dma_start3A_335, %dma_start3A_336] : memref<10000x128xf32, #tpu.memory_space<hbm>> -> memref<10000x128xf32, #tpu.memory_space<hbm>>
      tpu.enqueue_indirect_dma source(%dma_start3A_337 : memref<10000x128xf32, #tpu.memory_space<hbm>>) target(%arg10 : memref<80x128xf32, #tpu.memory_space<vmem>>) offsets(%dma_start3A_334 : memref<80xi32, #tpu.memory_space<vmem>>) semaphore(%arg15 : memref<!tpu.dma_semaphore, #tpu.memory_space<semaphore_mem>>)
    } else {
    }
    %eq3A_146 = arith.constant 1 : i32
    %eq3A_147 = arith.cmpi eq, %arg0, %eq3A_146 : i32
    %convert_element_type3A_148 = arith.extui %eq3A_147 : i1 to i32
    %cond3A_149 = arith.constant 0 : i32
    %cond3A_150 = arith.cmpi ne, %convert_element_type3A_148, %cond3A_149 : i32
    scf.if %cond3A_150 {
      %dma_start3A = arith.constant 1 : i32
      %dma_start3A_332 = arith.constant 0 : i32
      %dma_start3A_333 = tpu.memref_slice %arg7[%dma_start3A, %dma_start3A_332] : memref<25x80xi32, #tpu.memory_space<vmem>> -> memref<1x80xi32, #tpu.memory_space<vmem>>
      %dma_start3A_334 = tpu.memref_squeeze %dma_start3A_333 : memref<1x80xi32, #tpu.memory_space<vmem>> -> memref<80xi32, #tpu.memory_space<vmem>>
      %dma_start3A_335 = arith.constant 0 : i32
      %dma_start3A_336 = arith.constant 0 : i32
      %dma_start3A_337 = tpu.memref_slice %arg3[%dma_start3A_335, %dma_start3A_336] : memref<10000x128xf32, #tpu.memory_space<hbm>> -> memref<10000x128xf32, #tpu.memory_space<hbm>>
      tpu.enqueue_indirect_dma source(%dma_start3A_337 : memref<10000x128xf32, #tpu.memory_space<hbm>>) target(%arg10 : memref<80x128xf32, #tpu.memory_space<vmem>>) offsets(%dma_start3A_334 : memref<80xi32, #tpu.memory_space<vmem>>) semaphore(%arg15 : memref<!tpu.dma_semaphore, #tpu.memory_space<semaphore_mem>>)
    } else {
    }
    %eq3A_151 = arith.constant 0 : i32
    %eq3A_152 = arith.cmpi eq, %arg0, %eq3A_151 : i32
    %convert_element_type3A_153 = arith.extui %eq3A_152 : i1 to i32
    %cond3A_154 = arith.constant 0 : i32
    %cond3A_155 = arith.cmpi ne, %convert_element_type3A_153, %cond3A_154 : i32
    scf.if %cond3A_155 {
      %dma_start3A = arith.constant 2 : i32
      %dma_start3A_332 = arith.constant 0 : i32
      %dma_start3A_333 = tpu.memref_slice %arg7[%dma_start3A, %dma_start3A_332] : memref<25x80xi32, #tpu.memory_space<vmem>> -> memref<1x80xi32, #tpu.memory_space<vmem>>
      %dma_start3A_334 = tpu.memref_squeeze %dma_start3A_333 : memref<1x80xi32, #tpu.memory_space<vmem>> -> memref<80xi32, #tpu.memory_space<vmem>>
      %dma_start3A_335 = arith.constant 0 : i32
      %dma_start3A_336 = arith.constant 0 : i32
      %dma_start3A_337 = tpu.memref_slice %arg2[%dma_start3A_335, %dma_start3A_336] : memref<10000x128xf32, #tpu.memory_space<hbm>> -> memref<10000x128xf32, #tpu.memory_space<hbm>>
      tpu.enqueue_indirect_dma source(%dma_start3A_337 : memref<10000x128xf32, #tpu.memory_space<hbm>>) target(%arg11 : memref<80x128xf32, #tpu.memory_space<vmem>>) offsets(%dma_start3A_334 : memref<80xi32, #tpu.memory_space<vmem>>) semaphore(%arg16 : memref<!tpu.dma_semaphore, #tpu.memory_space<semaphore_mem>>)
    } else {
    }
    %eq3A_156 = arith.constant 1 : i32
    %eq3A_157 = arith.cmpi eq, %arg0, %eq3A_156 : i32
    %convert_element_type3A_158 = arith.extui %eq3A_157 : i1 to i32
    %cond3A_159 = arith.constant 0 : i32
    %cond3A_160 = arith.cmpi ne, %convert_element_type3A_158, %cond3A_159 : i32
    scf.if %cond3A_160 {
      %dma_start3A = arith.constant 2 : i32
      %dma_start3A_332 = arith.constant 0 : i32
      %dma_start3A_333 = tpu.memref_slice %arg7[%dma_start3A, %dma_start3A_332] : memref<25x80xi32, #tpu.memory_space<vmem>> -> memref<1x80xi32, #tpu.memory_space<vmem>>
      %dma_start3A_334 = tpu.memref_squeeze %dma_start3A_333 : memref<1x80xi32, #tpu.memory_space<vmem>> -> memref<80xi32, #tpu.memory_space<vmem>>
      %dma_start3A_335 = arith.constant 0 : i32
      %dma_start3A_336 = arith.constant 0 : i32
      %dma_start3A_337 = tpu.memref_slice %arg3[%dma_start3A_335, %dma_start3A_336] : memref<10000x128xf32, #tpu.memory_space<hbm>> -> memref<10000x128xf32, #tpu.memory_space<hbm>>
      tpu.enqueue_indirect_dma source(%dma_start3A_337 : memref<10000x128xf32, #tpu.memory_space<hbm>>) target(%arg11 : memref<80x128xf32, #tpu.memory_space<vmem>>) offsets(%dma_start3A_334 : memref<80xi32, #tpu.memory_space<vmem>>) semaphore(%arg16 : memref<!tpu.dma_semaphore, #tpu.memory_space<semaphore_mem>>)
    } else {
    }
    %scan3A_161 = arith.constant 0 : i32
    %scan3A_162 = arith.constant 0 : i32
    %scan3A_163 = arith.constant 8 : i32
    %scan3A_164 = arith.addi %scan3A_162, %scan3A_163 : i32
    %scan3A_165 = arith.constant 1 : i32
    scf.for %scan3A_332 = %scan3A_162 to %scan3A_164 step %scan3A_165  : i32 {
      %mul3A_333 = arith.constant 3 : i32
      %mul3A_334 = arith.muli %mul3A_333, %scan3A_332 : i32
      %add3A_335 = arith.constant 0 : i32
      %add3A_336 = arith.addi %mul3A_334, %add3A_335 : i32
      %dma_wait3A_337 = arith.constant 0 : i32
      %dma_wait3A_338 = arith.constant 0 : i32
      %dma_wait3A_339 = tpu.memref_slice %arg7[%dma_wait3A_337, %dma_wait3A_338] : memref<25x80xi32, #tpu.memory_space<vmem>> -> memref<1x80xi32, #tpu.memory_space<vmem>>
      %dma_wait3A_340 = tpu.memref_squeeze %dma_wait3A_339 : memref<1x80xi32, #tpu.memory_space<vmem>> -> memref<80xi32, #tpu.memory_space<vmem>>
      %dma_wait3A_341 = arith.constant 0 : i32
      %dma_wait3A_342 = arith.constant 0 : i32
      %dma_wait3A_343 = tpu.memref_slice %arg2[%dma_wait3A_341, %dma_wait3A_342] : memref<10000x128xf32, #tpu.memory_space<hbm>> -> memref<10000x128xf32, #tpu.memory_space<hbm>>
      tpu.wait_indirect_dma semaphore(%arg14 : memref<!tpu.dma_semaphore, #tpu.memory_space<semaphore_mem>>) src(%dma_wait3A_343 : memref<10000x128xf32, #tpu.memory_space<hbm>>) dst(%arg9 : memref<80x128xf32, #tpu.memory_space<vmem>>)
      "tpu.region"() ({
        %run_scoped3A_386 = tpu.sem_alloc : memref<!tpu.dma_semaphore, #tpu.memory_space<semaphore_mem>>
        %dma_start3A = arith.constant 0 : i32
        %dma_start3A_387 = tpu.memref_slice %arg8[%add3A_336, %dma_start3A] : memref<25x80xi32, #tpu.memory_space<vmem>> -> memref<1x80xi32, #tpu.memory_space<vmem>>
        %dma_start3A_388 = tpu.memref_squeeze %dma_start3A_387 : memref<1x80xi32, #tpu.memory_space<vmem>> -> memref<80xi32, #tpu.memory_space<vmem>>
        %dma_start3A_389 = arith.constant 0 : i32
        %dma_start3A_390 = arith.constant 0 : i32
        %dma_start3A_391 = tpu.memref_slice %arg13[%dma_start3A_389, %dma_start3A_390] : memref<10112x128xf32, #tpu.memory_space<vmem_shared>> -> memref<10112x128xf32, #tpu.memory_space<vmem_shared>>
        tpu.enqueue_indirect_dma source(%arg9 : memref<80x128xf32, #tpu.memory_space<vmem>>) target(%dma_start3A_391 : memref<10112x128xf32, #tpu.memory_space<vmem_shared>>) offsets(%dma_start3A_388 : memref<80xi32, #tpu.memory_space<vmem>>) semaphore(%run_scoped3A_386 : memref<!tpu.dma_semaphore, #tpu.memory_space<semaphore_mem>>) {add = true}
        %dma_wait3A_392 = arith.constant 0 : i32
        %dma_wait3A_393 = tpu.memref_slice %arg8[%add3A_336, %dma_wait3A_392] : memref<25x80xi32, #tpu.memory_space<vmem>> -> memref<1x80xi32, #tpu.memory_space<vmem>>
        %dma_wait3A_394 = tpu.memref_squeeze %dma_wait3A_393 : memref<1x80xi32, #tpu.memory_space<vmem>> -> memref<80xi32, #tpu.memory_space<vmem>>
        %dma_wait3A_395 = arith.constant 0 : i32
        %dma_wait3A_396 = arith.constant 0 : i32
        %dma_wait3A_397 = tpu.memref_slice %arg13[%dma_wait3A_395, %dma_wait3A_396] : memref<10112x128xf32, #tpu.memory_space<vmem_shared>> -> memref<10112x128xf32, #tpu.memory_space<vmem_shared>>
        tpu.wait_indirect_dma semaphore(%run_scoped3A_386 : memref<!tpu.dma_semaphore, #tpu.memory_space<semaphore_mem>>) src(%arg9 : memref<80x128xf32, #tpu.memory_space<vmem>>) dst(%dma_wait3A_397 : memref<10112x128xf32, #tpu.memory_space<vmem_shared>>)
        tpu.yield
      }) : () -> ()
      %add3A_344 = arith.constant 3 : i32
      %add3A_345 = arith.addi %add3A_336, %add3A_344 : i32
      %lt3A = arith.constant 25 : i32
      %lt3A_346 = arith.cmpi slt, %add3A_345, %lt3A : i32
      %convert_element_type3A_347 = arith.extui %lt3A_346 : i1 to i32
      %cond3A_348 = arith.constant 0 : i32
      %cond3A_349 = arith.cmpi ne, %convert_element_type3A_347, %cond3A_348 : i32
      scf.if %cond3A_349 {
        %add3A_386 = arith.constant 3 : i32
        %add3A_387 = arith.addi %add3A_336, %add3A_386 : i32
        %eq3A_388 = arith.constant 0 : i32
        %eq3A_389 = arith.cmpi eq, %arg0, %eq3A_388 : i32
        %convert_element_type3A_390 = arith.extui %eq3A_389 : i1 to i32
        %cond3A_391 = arith.constant 0 : i32
        %cond3A_392 = arith.cmpi ne, %convert_element_type3A_390, %cond3A_391 : i32
        scf.if %cond3A_392 {
          %dma_start3A = arith.constant 0 : i32
          %dma_start3A_398 = tpu.memref_slice %arg7[%add3A_387, %dma_start3A] : memref<25x80xi32, #tpu.memory_space<vmem>> -> memref<1x80xi32, #tpu.memory_space<vmem>>
          %dma_start3A_399 = tpu.memref_squeeze %dma_start3A_398 : memref<1x80xi32, #tpu.memory_space<vmem>> -> memref<80xi32, #tpu.memory_space<vmem>>
          %dma_start3A_400 = arith.constant 0 : i32
          %dma_start3A_401 = arith.constant 0 : i32
          %dma_start3A_402 = tpu.memref_slice %arg2[%dma_start3A_400, %dma_start3A_401] : memref<10000x128xf32, #tpu.memory_space<hbm>> -> memref<10000x128xf32, #tpu.memory_space<hbm>>
          tpu.enqueue_indirect_dma source(%dma_start3A_402 : memref<10000x128xf32, #tpu.memory_space<hbm>>) target(%arg9 : memref<80x128xf32, #tpu.memory_space<vmem>>) offsets(%dma_start3A_399 : memref<80xi32, #tpu.memory_space<vmem>>) semaphore(%arg14 : memref<!tpu.dma_semaphore, #tpu.memory_space<semaphore_mem>>)
        } else {
        }
        %eq3A_393 = arith.constant 1 : i32
        %eq3A_394 = arith.cmpi eq, %arg0, %eq3A_393 : i32
        %convert_element_type3A_395 = arith.extui %eq3A_394 : i1 to i32
        %cond3A_396 = arith.constant 0 : i32
        %cond3A_397 = arith.cmpi ne, %convert_element_type3A_395, %cond3A_396 : i32
        scf.if %cond3A_397 {
          %dma_start3A = arith.constant 0 : i32
          %dma_start3A_398 = tpu.memref_slice %arg7[%add3A_387, %dma_start3A] : memref<25x80xi32, #tpu.memory_space<vmem>> -> memref<1x80xi32, #tpu.memory_space<vmem>>
          %dma_start3A_399 = tpu.memref_squeeze %dma_start3A_398 : memref<1x80xi32, #tpu.memory_space<vmem>> -> memref<80xi32, #tpu.memory_space<vmem>>
          %dma_start3A_400 = arith.constant 0 : i32
          %dma_start3A_401 = arith.constant 0 : i32
          %dma_start3A_402 = tpu.memref_slice %arg3[%dma_start3A_400, %dma_start3A_401] : memref<10000x128xf32, #tpu.memory_space<hbm>> -> memref<10000x128xf32, #tpu.memory_space<hbm>>
          tpu.enqueue_indirect_dma source(%dma_start3A_402 : memref<10000x128xf32, #tpu.memory_space<hbm>>) target(%arg9 : memref<80x128xf32, #tpu.memory_space<vmem>>) offsets(%dma_start3A_399 : memref<80xi32, #tpu.memory_space<vmem>>) semaphore(%arg14 : memref<!tpu.dma_semaphore, #tpu.memory_space<semaphore_mem>>)
        } else {
        }
      } else {
      }
      %mul3A_350 = arith.constant 3 : i32
      %mul3A_351 = arith.muli %mul3A_350, %scan3A_332 : i32
      %add3A_352 = arith.constant 1 : i32
      %add3A_353 = arith.addi %mul3A_351, %add3A_352 : i32
      %dma_wait3A_354 = arith.constant 0 : i32
      %dma_wait3A_355 = arith.constant 0 : i32
      %dma_wait3A_356 = tpu.memref_slice %arg7[%dma_wait3A_354, %dma_wait3A_355] : memref<25x80xi32, #tpu.memory_space<vmem>> -> memref<1x80xi32, #tpu.memory_space<vmem>>
      %dma_wait3A_357 = tpu.memref_squeeze %dma_wait3A_356 : memref<1x80xi32, #tpu.memory_space<vmem>> -> memref<80xi32, #tpu.memory_space<vmem>>
      %dma_wait3A_358 = arith.constant 0 : i32
      %dma_wait3A_359 = arith.constant 0 : i32
      %dma_wait3A_360 = tpu.memref_slice %arg2[%dma_wait3A_358, %dma_wait3A_359] : memref<10000x128xf32, #tpu.memory_space<hbm>> -> memref<10000x128xf32, #tpu.memory_space<hbm>>
      tpu.wait_indirect_dma semaphore(%arg15 : memref<!tpu.dma_semaphore, #tpu.memory_space<semaphore_mem>>) src(%dma_wait3A_360 : memref<10000x128xf32, #tpu.memory_space<hbm>>) dst(%arg10 : memref<80x128xf32, #tpu.memory_space<vmem>>)
      "tpu.region"() ({
        %run_scoped3A_386 = tpu.sem_alloc : memref<!tpu.dma_semaphore, #tpu.memory_space<semaphore_mem>>
        %dma_start3A = arith.constant 0 : i32
        %dma_start3A_387 = tpu.memref_slice %arg8[%add3A_353, %dma_start3A] : memref<25x80xi32, #tpu.memory_space<vmem>> -> memref<1x80xi32, #tpu.memory_space<vmem>>
        %dma_start3A_388 = tpu.memref_squeeze %dma_start3A_387 : memref<1x80xi32, #tpu.memory_space<vmem>> -> memref<80xi32, #tpu.memory_space<vmem>>
        %dma_start3A_389 = arith.constant 0 : i32
        %dma_start3A_390 = arith.constant 0 : i32
        %dma_start3A_391 = tpu.memref_slice %arg13[%dma_start3A_389, %dma_start3A_390] : memref<10112x128xf32, #tpu.memory_space<vmem_shared>> -> memref<10112x128xf32, #tpu.memory_space<vmem_shared>>
        tpu.enqueue_indirect_dma source(%arg10 : memref<80x128xf32, #tpu.memory_space<vmem>>) target(%dma_start3A_391 : memref<10112x128xf32, #tpu.memory_space<vmem_shared>>) offsets(%dma_start3A_388 : memref<80xi32, #tpu.memory_space<vmem>>) semaphore(%run_scoped3A_386 : memref<!tpu.dma_semaphore, #tpu.memory_space<semaphore_mem>>) {add = true}
        %dma_wait3A_392 = arith.constant 0 : i32
        %dma_wait3A_393 = tpu.memref_slice %arg8[%add3A_353, %dma_wait3A_392] : memref<25x80xi32, #tpu.memory_space<vmem>> -> memref<1x80xi32, #tpu.memory_space<vmem>>
        %dma_wait3A_394 = tpu.memref_squeeze %dma_wait3A_393 : memref<1x80xi32, #tpu.memory_space<vmem>> -> memref<80xi32, #tpu.memory_space<vmem>>
        %dma_wait3A_395 = arith.constant 0 : i32
        %dma_wait3A_396 = arith.constant 0 : i32
        %dma_wait3A_397 = tpu.memref_slice %arg13[%dma_wait3A_395, %dma_wait3A_396] : memref<10112x128xf32, #tpu.memory_space<vmem_shared>> -> memref<10112x128xf32, #tpu.memory_space<vmem_shared>>
        tpu.wait_indirect_dma semaphore(%run_scoped3A_386 : memref<!tpu.dma_semaphore, #tpu.memory_space<semaphore_mem>>) src(%arg10 : memref<80x128xf32, #tpu.memory_space<vmem>>) dst(%dma_wait3A_397 : memref<10112x128xf32, #tpu.memory_space<vmem_shared>>)
        tpu.yield
      }) : () -> ()
      %add3A_361 = arith.constant 3 : i32
      %add3A_362 = arith.addi %add3A_353, %add3A_361 : i32
      %lt3A_363 = arith.constant 25 : i32
      %lt3A_364 = arith.cmpi slt, %add3A_362, %lt3A_363 : i32
      %convert_element_type3A_365 = arith.extui %lt3A_364 : i1 to i32
      %cond3A_366 = arith.constant 0 : i32
      %cond3A_367 = arith.cmpi ne, %convert_element_type3A_365, %cond3A_366 : i32
      scf.if %cond3A_367 {
        %add3A_386 = arith.constant 3 : i32
        %add3A_387 = arith.addi %add3A_353, %add3A_386 : i32
        %eq3A_388 = arith.constant 0 : i32
        %eq3A_389 = arith.cmpi eq, %arg0, %eq3A_388 : i32
        %convert_element_type3A_390 = arith.extui %eq3A_389 : i1 to i32
        %cond3A_391 = arith.constant 0 : i32
        %cond3A_392 = arith.cmpi ne, %convert_element_type3A_390, %cond3A_391 : i32
        scf.if %cond3A_392 {
          %dma_start3A = arith.constant 0 : i32
          %dma_start3A_398 = tpu.memref_slice %arg7[%add3A_387, %dma_start3A] : memref<25x80xi32, #tpu.memory_space<vmem>> -> memref<1x80xi32, #tpu.memory_space<vmem>>
          %dma_start3A_399 = tpu.memref_squeeze %dma_start3A_398 : memref<1x80xi32, #tpu.memory_space<vmem>> -> memref<80xi32, #tpu.memory_space<vmem>>
          %dma_start3A_400 = arith.constant 0 : i32
          %dma_start3A_401 = arith.constant 0 : i32
          %dma_start3A_402 = tpu.memref_slice %arg2[%dma_start3A_400, %dma_start3A_401] : memref<10000x128xf32, #tpu.memory_space<hbm>> -> memref<10000x128xf32, #tpu.memory_space<hbm>>
          tpu.enqueue_indirect_dma source(%dma_start3A_402 : memref<10000x128xf32, #tpu.memory_space<hbm>>) target(%arg10 : memref<80x128xf32, #tpu.memory_space<vmem>>) offsets(%dma_start3A_399 : memref<80xi32, #tpu.memory_space<vmem>>) semaphore(%arg15 : memref<!tpu.dma_semaphore, #tpu.memory_space<semaphore_mem>>)
        } else {
        }
        %eq3A_393 = arith.constant 1 : i32
        %eq3A_394 = arith.cmpi eq, %arg0, %eq3A_393 : i32
        %convert_element_type3A_395 = arith.extui %eq3A_394 : i1 to i32
        %cond3A_396 = arith.constant 0 : i32
        %cond3A_397 = arith.cmpi ne, %convert_element_type3A_395, %cond3A_396 : i32
        scf.if %cond3A_397 {
          %dma_start3A = arith.constant 0 : i32
          %dma_start3A_398 = tpu.memref_slice %arg7[%add3A_387, %dma_start3A] : memref<25x80xi32, #tpu.memory_space<vmem>> -> memref<1x80xi32, #tpu.memory_space<vmem>>
          %dma_start3A_399 = tpu.memref_squeeze %dma_start3A_398 : memref<1x80xi32, #tpu.memory_space<vmem>> -> memref<80xi32, #tpu.memory_space<vmem>>
          %dma_start3A_400 = arith.constant 0 : i32
          %dma_start3A_401 = arith.constant 0 : i32
          %dma_start3A_402 = tpu.memref_slice %arg3[%dma_start3A_400, %dma_start3A_401] : memref<10000x128xf32, #tpu.memory_space<hbm>> -> memref<10000x128xf32, #tpu.memory_space<hbm>>
          tpu.enqueue_indirect_dma source(%dma_start3A_402 : memref<10000x128xf32, #tpu.memory_space<hbm>>) target(%arg10 : memref<80x128xf32, #tpu.memory_space<vmem>>) offsets(%dma_start3A_399 : memref<80xi32, #tpu.memory_space<vmem>>) semaphore(%arg15 : memref<!tpu.dma_semaphore, #tpu.memory_space<semaphore_mem>>)
        } else {
        }
      } else {
      }
      %mul3A_368 = arith.constant 3 : i32
      %mul3A_369 = arith.muli %mul3A_368, %scan3A_332 : i32
      %add3A_370 = arith.constant 2 : i32
      %add3A_371 = arith.addi %mul3A_369, %add3A_370 : i32
      %dma_wait3A_372 = arith.constant 0 : i32
      %dma_wait3A_373 = arith.constant 0 : i32
      %dma_wait3A_374 = tpu.memref_slice %arg7[%dma_wait3A_372, %dma_wait3A_373] : memref<25x80xi32, #tpu.memory_space<vmem>> -> memref<1x80xi32, #tpu.memory_space<vmem>>
      %dma_wait3A_375 = tpu.memref_squeeze %dma_wait3A_374 : memref<1x80xi32, #tpu.memory_space<vmem>> -> memref<80xi32, #tpu.memory_space<vmem>>
      %dma_wait3A_376 = arith.constant 0 : i32
      %dma_wait3A_377 = arith.constant 0 : i32
      %dma_wait3A_378 = tpu.memref_slice %arg2[%dma_wait3A_376, %dma_wait3A_377] : memref<10000x128xf32, #tpu.memory_space<hbm>> -> memref<10000x128xf32, #tpu.memory_space<hbm>>
      tpu.wait_indirect_dma semaphore(%arg16 : memref<!tpu.dma_semaphore, #tpu.memory_space<semaphore_mem>>) src(%dma_wait3A_378 : memref<10000x128xf32, #tpu.memory_space<hbm>>) dst(%arg11 : memref<80x128xf32, #tpu.memory_space<vmem>>)
      "tpu.region"() ({
        %run_scoped3A_386 = tpu.sem_alloc : memref<!tpu.dma_semaphore, #tpu.memory_space<semaphore_mem>>
        %dma_start3A = arith.constant 0 : i32
        %dma_start3A_387 = tpu.memref_slice %arg8[%add3A_371, %dma_start3A] : memref<25x80xi32, #tpu.memory_space<vmem>> -> memref<1x80xi32, #tpu.memory_space<vmem>>
        %dma_start3A_388 = tpu.memref_squeeze %dma_start3A_387 : memref<1x80xi32, #tpu.memory_space<vmem>> -> memref<80xi32, #tpu.memory_space<vmem>>
        %dma_start3A_389 = arith.constant 0 : i32
        %dma_start3A_390 = arith.constant 0 : i32
        %dma_start3A_391 = tpu.memref_slice %arg13[%dma_start3A_389, %dma_start3A_390] : memref<10112x128xf32, #tpu.memory_space<vmem_shared>> -> memref<10112x128xf32, #tpu.memory_space<vmem_shared>>
        tpu.enqueue_indirect_dma source(%arg11 : memref<80x128xf32, #tpu.memory_space<vmem>>) target(%dma_start3A_391 : memref<10112x128xf32, #tpu.memory_space<vmem_shared>>) offsets(%dma_start3A_388 : memref<80xi32, #tpu.memory_space<vmem>>) semaphore(%run_scoped3A_386 : memref<!tpu.dma_semaphore, #tpu.memory_space<semaphore_mem>>) {add = true}
        %dma_wait3A_392 = arith.constant 0 : i32
        %dma_wait3A_393 = tpu.memref_slice %arg8[%add3A_371, %dma_wait3A_392] : memref<25x80xi32, #tpu.memory_space<vmem>> -> memref<1x80xi32, #tpu.memory_space<vmem>>
        %dma_wait3A_394 = tpu.memref_squeeze %dma_wait3A_393 : memref<1x80xi32, #tpu.memory_space<vmem>> -> memref<80xi32, #tpu.memory_space<vmem>>
        %dma_wait3A_395 = arith.constant 0 : i32
        %dma_wait3A_396 = arith.constant 0 : i32
        %dma_wait3A_397 = tpu.memref_slice %arg13[%dma_wait3A_395, %dma_wait3A_396] : memref<10112x128xf32, #tpu.memory_space<vmem_shared>> -> memref<10112x128xf32, #tpu.memory_space<vmem_shared>>
        tpu.wait_indirect_dma semaphore(%run_scoped3A_386 : memref<!tpu.dma_semaphore, #tpu.memory_space<semaphore_mem>>) src(%arg11 : memref<80x128xf32, #tpu.memory_space<vmem>>) dst(%dma_wait3A_397 : memref<10112x128xf32, #tpu.memory_space<vmem_shared>>)
        tpu.yield
      }) : () -> ()
      %add3A_379 = arith.constant 3 : i32
      %add3A_380 = arith.addi %add3A_371, %add3A_379 : i32
      %lt3A_381 = arith.constant 25 : i32
      %lt3A_382 = arith.cmpi slt, %add3A_380, %lt3A_381 : i32
      %convert_element_type3A_383 = arith.extui %lt3A_382 : i1 to i32
      %cond3A_384 = arith.constant 0 : i32
      %cond3A_385 = arith.cmpi ne, %convert_element_type3A_383, %cond3A_384 : i32
      scf.if %cond3A_385 {
        %add3A_386 = arith.constant 3 : i32
        %add3A_387 = arith.addi %add3A_371, %add3A_386 : i32
        %eq3A_388 = arith.constant 0 : i32
        %eq3A_389 = arith.cmpi eq, %arg0, %eq3A_388 : i32
        %convert_element_type3A_390 = arith.extui %eq3A_389 : i1 to i32
        %cond3A_391 = arith.constant 0 : i32
        %cond3A_392 = arith.cmpi ne, %convert_element_type3A_390, %cond3A_391 : i32
        scf.if %cond3A_392 {
          %dma_start3A = arith.constant 0 : i32
          %dma_start3A_398 = tpu.memref_slice %arg7[%add3A_387, %dma_start3A] : memref<25x80xi32, #tpu.memory_space<vmem>> -> memref<1x80xi32, #tpu.memory_space<vmem>>
          %dma_start3A_399 = tpu.memref_squeeze %dma_start3A_398 : memref<1x80xi32, #tpu.memory_space<vmem>> -> memref<80xi32, #tpu.memory_space<vmem>>
          %dma_start3A_400 = arith.constant 0 : i32
          %dma_start3A_401 = arith.constant 0 : i32
          %dma_start3A_402 = tpu.memref_slice %arg2[%dma_start3A_400, %dma_start3A_401] : memref<10000x128xf32, #tpu.memory_space<hbm>> -> memref<10000x128xf32, #tpu.memory_space<hbm>>
          tpu.enqueue_indirect_dma source(%dma_start3A_402 : memref<10000x128xf32, #tpu.memory_space<hbm>>) target(%arg11 : memref<80x128xf32, #tpu.memory_space<vmem>>) offsets(%dma_start3A_399 : memref<80xi32, #tpu.memory_space<vmem>>) semaphore(%arg16 : memref<!tpu.dma_semaphore, #tpu.memory_space<semaphore_mem>>)
        } else {
        }
        %eq3A_393 = arith.constant 1 : i32
        %eq3A_394 = arith.cmpi eq, %arg0, %eq3A_393 : i32
        %convert_element_type3A_395 = arith.extui %eq3A_394 : i1 to i32
        %cond3A_396 = arith.constant 0 : i32
        %cond3A_397 = arith.cmpi ne, %convert_element_type3A_395, %cond3A_396 : i32
        scf.if %cond3A_397 {
          %dma_start3A = arith.constant 0 : i32
          %dma_start3A_398 = tpu.memref_slice %arg7[%add3A_387, %dma_start3A] : memref<25x80xi32, #tpu.memory_space<vmem>> -> memref<1x80xi32, #tpu.memory_space<vmem>>
          %dma_start3A_399 = tpu.memref_squeeze %dma_start3A_398 : memref<1x80xi32, #tpu.memory_space<vmem>> -> memref<80xi32, #tpu.memory_space<vmem>>
          %dma_start3A_400 = arith.constant 0 : i32
          %dma_start3A_401 = arith.constant 0 : i32
          %dma_start3A_402 = tpu.memref_slice %arg3[%dma_start3A_400, %dma_start3A_401] : memref<10000x128xf32, #tpu.memory_space<hbm>> -> memref<10000x128xf32, #tpu.memory_space<hbm>>
          tpu.enqueue_indirect_dma source(%dma_start3A_402 : memref<10000x128xf32, #tpu.memory_space<hbm>>) target(%arg11 : memref<80x128xf32, #tpu.memory_space<vmem>>) offsets(%dma_start3A_399 : memref<80xi32, #tpu.memory_space<vmem>>) semaphore(%arg16 : memref<!tpu.dma_semaphore, #tpu.memory_space<semaphore_mem>>)
        } else {
        }
      } else {
      }
    }
    %scan3A_166 = arith.constant 8 : i32
    %dma_wait3A_167 = arith.constant 0 : i32
    %dma_wait3A_168 = arith.constant 0 : i32
    %dma_wait3A_169 = tpu.memref_slice %arg7[%dma_wait3A_167, %dma_wait3A_168] : memref<25x80xi32, #tpu.memory_space<vmem>> -> memref<1x80xi32, #tpu.memory_space<vmem>>
    %dma_wait3A_170 = tpu.memref_squeeze %dma_wait3A_169 : memref<1x80xi32, #tpu.memory_space<vmem>> -> memref<80xi32, #tpu.memory_space<vmem>>
    %dma_wait3A_171 = arith.constant 0 : i32
    %dma_wait3A_172 = arith.constant 0 : i32
    %dma_wait3A_173 = tpu.memref_slice %arg2[%dma_wait3A_171, %dma_wait3A_172] : memref<10000x128xf32, #tpu.memory_space<hbm>> -> memref<10000x128xf32, #tpu.memory_space<hbm>>
    tpu.wait_indirect_dma semaphore(%arg14 : memref<!tpu.dma_semaphore, #tpu.memory_space<semaphore_mem>>) src(%dma_wait3A_173 : memref<10000x128xf32, #tpu.memory_space<hbm>>) dst(%arg9 : memref<80x128xf32, #tpu.memory_space<vmem>>)
    %run_scoped3A_174 = arith.constant 24 : i32
    "tpu.region"() ({
      %run_scoped3A_332 = tpu.sem_alloc : memref<!tpu.dma_semaphore, #tpu.memory_space<semaphore_mem>>
      %dma_start3A = arith.constant 0 : i32
      %dma_start3A_333 = tpu.memref_slice %arg8[%run_scoped3A_174, %dma_start3A] : memref<25x80xi32, #tpu.memory_space<vmem>> -> memref<1x80xi32, #tpu.memory_space<vmem>>
      %dma_start3A_334 = tpu.memref_squeeze %dma_start3A_333 : memref<1x80xi32, #tpu.memory_space<vmem>> -> memref<80xi32, #tpu.memory_space<vmem>>
      %dma_start3A_335 = arith.constant 0 : i32
      %dma_start3A_336 = arith.constant 0 : i32
      %dma_start3A_337 = tpu.memref_slice %arg13[%dma_start3A_335, %dma_start3A_336] : memref<10112x128xf32, #tpu.memory_space<vmem_shared>> -> memref<10112x128xf32, #tpu.memory_space<vmem_shared>>
      tpu.enqueue_indirect_dma source(%arg9 : memref<80x128xf32, #tpu.memory_space<vmem>>) target(%dma_start3A_337 : memref<10112x128xf32, #tpu.memory_space<vmem_shared>>) offsets(%dma_start3A_334 : memref<80xi32, #tpu.memory_space<vmem>>) semaphore(%run_scoped3A_332 : memref<!tpu.dma_semaphore, #tpu.memory_space<semaphore_mem>>) {add = true}
      %dma_wait3A_338 = arith.constant 0 : i32
      %dma_wait3A_339 = tpu.memref_slice %arg8[%run_scoped3A_174, %dma_wait3A_338] : memref<25x80xi32, #tpu.memory_space<vmem>> -> memref<1x80xi32, #tpu.memory_space<vmem>>
      %dma_wait3A_340 = tpu.memref_squeeze %dma_wait3A_339 : memref<1x80xi32, #tpu.memory_space<vmem>> -> memref<80xi32, #tpu.memory_space<vmem>>
      %dma_wait3A_341 = arith.constant 0 : i32
      %dma_wait3A_342 = arith.constant 0 : i32
      %dma_wait3A_343 = tpu.memref_slice %arg13[%dma_wait3A_341, %dma_wait3A_342] : memref<10112x128xf32, #tpu.memory_space<vmem_shared>> -> memref<10112x128xf32, #tpu.memory_space<vmem_shared>>
      tpu.wait_indirect_dma semaphore(%run_scoped3A_332 : memref<!tpu.dma_semaphore, #tpu.memory_space<semaphore_mem>>) src(%arg9 : memref<80x128xf32, #tpu.memory_space<vmem>>) dst(%dma_wait3A_343 : memref<10112x128xf32, #tpu.memory_space<vmem_shared>>)
      tpu.yield
    }) : () -> ()
    %run_scoped3A_175 = arith.constant 0 : i32
    %run_scoped3A_176 = arith.constant 2 : i32
    "tpu.region"() ({
      %run_scoped3A_332 = tpu.sem_alloc : memref<!tpu.dma_semaphore, #tpu.memory_space<semaphore_mem>>
      %dma_start3A = arith.constant 0 : i32
      %dma_start3A_333 = arith.constant 0 : i32
      %dma_start3A_334 = tpu.memref_slice %arg4[%run_scoped3A_175, %arg1, %run_scoped3A_176, %dma_start3A, %dma_start3A_333] : memref<2x16x5x25x80xi32, #tpu.memory_space<hbm>> -> memref<1x1x1x25x80xi32, #tpu.memory_space<hbm>>
      %dma_start3A_335 = tpu.memref_squeeze %dma_start3A_334 : memref<1x1x1x25x80xi32, #tpu.memory_space<hbm>> -> memref<25x80xi32, #tpu.memory_space<hbm>>
      %dma_start3A_336 = arith.constant 0 : i32
      %dma_start3A_337 = arith.constant 0 : i32
      %dma_start3A_338 = tpu.memref_slice %arg4[%run_scoped3A_175, %arg1, %run_scoped3A_176, %dma_start3A_336, %dma_start3A_337] : memref<2x16x5x25x80xi32, #tpu.memory_space<hbm>> -> memref<1x1x1x25x80xi32, #tpu.memory_space<hbm>>
      %dma_start3A_339 = tpu.memref_squeeze %dma_start3A_338 : memref<1x1x1x25x80xi32, #tpu.memory_space<hbm>> -> memref<25x80xi32, #tpu.memory_space<hbm>>
      tpu.enqueue_dma source(%dma_start3A_339 : memref<25x80xi32, #tpu.memory_space<hbm>>) target(%arg7 : memref<25x80xi32, #tpu.memory_space<vmem>>) target_semaphore(%run_scoped3A_332 : memref<!tpu.dma_semaphore, #tpu.memory_space<semaphore_mem>>)
      %dma_wait3A_340 = arith.constant 0 : i32
      %dma_wait3A_341 = arith.constant 0 : i32
      %dma_wait3A_342 = tpu.memref_slice %arg4[%run_scoped3A_175, %arg1, %run_scoped3A_176, %dma_wait3A_340, %dma_wait3A_341] : memref<2x16x5x25x80xi32, #tpu.memory_space<hbm>> -> memref<1x1x1x25x80xi32, #tpu.memory_space<hbm>>
      %dma_wait3A_343 = tpu.memref_squeeze %dma_wait3A_342 : memref<1x1x1x25x80xi32, #tpu.memory_space<hbm>> -> memref<25x80xi32, #tpu.memory_space<hbm>>
      %dma_wait3A_344 = arith.constant 0 : i32
      %dma_wait3A_345 = arith.constant 0 : i32
      %dma_wait3A_346 = tpu.memref_slice %arg4[%run_scoped3A_175, %arg1, %run_scoped3A_176, %dma_wait3A_344, %dma_wait3A_345] : memref<2x16x5x25x80xi32, #tpu.memory_space<hbm>> -> memref<1x1x1x25x80xi32, #tpu.memory_space<hbm>>
      %dma_wait3A_347 = tpu.memref_squeeze %dma_wait3A_346 : memref<1x1x1x25x80xi32, #tpu.memory_space<hbm>> -> memref<25x80xi32, #tpu.memory_space<hbm>>
      tpu.wait_dma2 semaphore(%run_scoped3A_332 : memref<!tpu.dma_semaphore, #tpu.memory_space<semaphore_mem>>) src(%dma_wait3A_347 : memref<25x80xi32, #tpu.memory_space<hbm>>) dst(%arg7 : memref<25x80xi32, #tpu.memory_space<vmem>>)
      tpu.yield
    }) : () -> ()
    %run_scoped3A_177 = arith.constant 1 : i32
    %run_scoped3A_178 = arith.constant 2 : i32
    "tpu.region"() ({
      %run_scoped3A_332 = tpu.sem_alloc : memref<!tpu.dma_semaphore, #tpu.memory_space<semaphore_mem>>
      %dma_start3A = arith.constant 0 : i32
      %dma_start3A_333 = arith.constant 0 : i32
      %dma_start3A_334 = tpu.memref_slice %arg4[%run_scoped3A_177, %arg1, %run_scoped3A_178, %dma_start3A, %dma_start3A_333] : memref<2x16x5x25x80xi32, #tpu.memory_space<hbm>> -> memref<1x1x1x25x80xi32, #tpu.memory_space<hbm>>
      %dma_start3A_335 = tpu.memref_squeeze %dma_start3A_334 : memref<1x1x1x25x80xi32, #tpu.memory_space<hbm>> -> memref<25x80xi32, #tpu.memory_space<hbm>>
      %dma_start3A_336 = arith.constant 0 : i32
      %dma_start3A_337 = arith.constant 0 : i32
      %dma_start3A_338 = tpu.memref_slice %arg4[%run_scoped3A_177, %arg1, %run_scoped3A_178, %dma_start3A_336, %dma_start3A_337] : memref<2x16x5x25x80xi32, #tpu.memory_space<hbm>> -> memref<1x1x1x25x80xi32, #tpu.memory_space<hbm>>
      %dma_start3A_339 = tpu.memref_squeeze %dma_start3A_338 : memref<1x1x1x25x80xi32, #tpu.memory_space<hbm>> -> memref<25x80xi32, #tpu.memory_space<hbm>>
      tpu.enqueue_dma source(%dma_start3A_339 : memref<25x80xi32, #tpu.memory_space<hbm>>) target(%arg8 : memref<25x80xi32, #tpu.memory_space<vmem>>) target_semaphore(%run_scoped3A_332 : memref<!tpu.dma_semaphore, #tpu.memory_space<semaphore_mem>>)
      %dma_wait3A_340 = arith.constant 0 : i32
      %dma_wait3A_341 = arith.constant 0 : i32
      %dma_wait3A_342 = tpu.memref_slice %arg4[%run_scoped3A_177, %arg1, %run_scoped3A_178, %dma_wait3A_340, %dma_wait3A_341] : memref<2x16x5x25x80xi32, #tpu.memory_space<hbm>> -> memref<1x1x1x25x80xi32, #tpu.memory_space<hbm>>
      %dma_wait3A_343 = tpu.memref_squeeze %dma_wait3A_342 : memref<1x1x1x25x80xi32, #tpu.memory_space<hbm>> -> memref<25x80xi32, #tpu.memory_space<hbm>>
      %dma_wait3A_344 = arith.constant 0 : i32
      %dma_wait3A_345 = arith.constant 0 : i32
      %dma_wait3A_346 = tpu.memref_slice %arg4[%run_scoped3A_177, %arg1, %run_scoped3A_178, %dma_wait3A_344, %dma_wait3A_345] : memref<2x16x5x25x80xi32, #tpu.memory_space<hbm>> -> memref<1x1x1x25x80xi32, #tpu.memory_space<hbm>>
      %dma_wait3A_347 = tpu.memref_squeeze %dma_wait3A_346 : memref<1x1x1x25x80xi32, #tpu.memory_space<hbm>> -> memref<25x80xi32, #tpu.memory_space<hbm>>
      tpu.wait_dma2 semaphore(%run_scoped3A_332 : memref<!tpu.dma_semaphore, #tpu.memory_space<semaphore_mem>>) src(%dma_wait3A_347 : memref<25x80xi32, #tpu.memory_space<hbm>>) dst(%arg8 : memref<25x80xi32, #tpu.memory_space<vmem>>)
      tpu.yield
    }) : () -> ()
    %eq3A_179 = arith.constant 0 : i32
    %eq3A_180 = arith.cmpi eq, %arg0, %eq3A_179 : i32
    %convert_element_type3A_181 = arith.extui %eq3A_180 : i1 to i32
    %cond3A_182 = arith.constant 0 : i32
    %cond3A_183 = arith.cmpi ne, %convert_element_type3A_181, %cond3A_182 : i32
    scf.if %cond3A_183 {
      %dma_start3A = arith.constant 0 : i32
      %dma_start3A_332 = arith.constant 0 : i32
      %dma_start3A_333 = tpu.memref_slice %arg7[%dma_start3A, %dma_start3A_332] : memref<25x80xi32, #tpu.memory_space<vmem>> -> memref<1x80xi32, #tpu.memory_space<vmem>>
      %dma_start3A_334 = tpu.memref_squeeze %dma_start3A_333 : memref<1x80xi32, #tpu.memory_space<vmem>> -> memref<80xi32, #tpu.memory_space<vmem>>
      %dma_start3A_335 = arith.constant 0 : i32
      %dma_start3A_336 = arith.constant 0 : i32
      %dma_start3A_337 = tpu.memref_slice %arg2[%dma_start3A_335, %dma_start3A_336] : memref<10000x128xf32, #tpu.memory_space<hbm>> -> memref<10000x128xf32, #tpu.memory_space<hbm>>
      tpu.enqueue_indirect_dma source(%dma_start3A_337 : memref<10000x128xf32, #tpu.memory_space<hbm>>) target(%arg9 : memref<80x128xf32, #tpu.memory_space<vmem>>) offsets(%dma_start3A_334 : memref<80xi32, #tpu.memory_space<vmem>>) semaphore(%arg14 : memref<!tpu.dma_semaphore, #tpu.memory_space<semaphore_mem>>)
    } else {
    }
    %eq3A_184 = arith.constant 1 : i32
    %eq3A_185 = arith.cmpi eq, %arg0, %eq3A_184 : i32
    %convert_element_type3A_186 = arith.extui %eq3A_185 : i1 to i32
    %cond3A_187 = arith.constant 0 : i32
    %cond3A_188 = arith.cmpi ne, %convert_element_type3A_186, %cond3A_187 : i32
    scf.if %cond3A_188 {
      %dma_start3A = arith.constant 0 : i32
      %dma_start3A_332 = arith.constant 0 : i32
      %dma_start3A_333 = tpu.memref_slice %arg7[%dma_start3A, %dma_start3A_332] : memref<25x80xi32, #tpu.memory_space<vmem>> -> memref<1x80xi32, #tpu.memory_space<vmem>>
      %dma_start3A_334 = tpu.memref_squeeze %dma_start3A_333 : memref<1x80xi32, #tpu.memory_space<vmem>> -> memref<80xi32, #tpu.memory_space<vmem>>
      %dma_start3A_335 = arith.constant 0 : i32
      %dma_start3A_336 = arith.constant 0 : i32
      %dma_start3A_337 = tpu.memref_slice %arg3[%dma_start3A_335, %dma_start3A_336] : memref<10000x128xf32, #tpu.memory_space<hbm>> -> memref<10000x128xf32, #tpu.memory_space<hbm>>
      tpu.enqueue_indirect_dma source(%dma_start3A_337 : memref<10000x128xf32, #tpu.memory_space<hbm>>) target(%arg9 : memref<80x128xf32, #tpu.memory_space<vmem>>) offsets(%dma_start3A_334 : memref<80xi32, #tpu.memory_space<vmem>>) semaphore(%arg14 : memref<!tpu.dma_semaphore, #tpu.memory_space<semaphore_mem>>)
    } else {
    }
    %eq3A_189 = arith.constant 0 : i32
    %eq3A_190 = arith.cmpi eq, %arg0, %eq3A_189 : i32
    %convert_element_type3A_191 = arith.extui %eq3A_190 : i1 to i32
    %cond3A_192 = arith.constant 0 : i32
    %cond3A_193 = arith.cmpi ne, %convert_element_type3A_191, %cond3A_192 : i32
    scf.if %cond3A_193 {
      %dma_start3A = arith.constant 1 : i32
      %dma_start3A_332 = arith.constant 0 : i32
      %dma_start3A_333 = tpu.memref_slice %arg7[%dma_start3A, %dma_start3A_332] : memref<25x80xi32, #tpu.memory_space<vmem>> -> memref<1x80xi32, #tpu.memory_space<vmem>>
      %dma_start3A_334 = tpu.memref_squeeze %dma_start3A_333 : memref<1x80xi32, #tpu.memory_space<vmem>> -> memref<80xi32, #tpu.memory_space<vmem>>
      %dma_start3A_335 = arith.constant 0 : i32
      %dma_start3A_336 = arith.constant 0 : i32
      %dma_start3A_337 = tpu.memref_slice %arg2[%dma_start3A_335, %dma_start3A_336] : memref<10000x128xf32, #tpu.memory_space<hbm>> -> memref<10000x128xf32, #tpu.memory_space<hbm>>
      tpu.enqueue_indirect_dma source(%dma_start3A_337 : memref<10000x128xf32, #tpu.memory_space<hbm>>) target(%arg10 : memref<80x128xf32, #tpu.memory_space<vmem>>) offsets(%dma_start3A_334 : memref<80xi32, #tpu.memory_space<vmem>>) semaphore(%arg15 : memref<!tpu.dma_semaphore, #tpu.memory_space<semaphore_mem>>)
    } else {
    }
    %eq3A_194 = arith.constant 1 : i32
    %eq3A_195 = arith.cmpi eq, %arg0, %eq3A_194 : i32
    %convert_element_type3A_196 = arith.extui %eq3A_195 : i1 to i32
    %cond3A_197 = arith.constant 0 : i32
    %cond3A_198 = arith.cmpi ne, %convert_element_type3A_196, %cond3A_197 : i32
    scf.if %cond3A_198 {
      %dma_start3A = arith.constant 1 : i32
      %dma_start3A_332 = arith.constant 0 : i32
      %dma_start3A_333 = tpu.memref_slice %arg7[%dma_start3A, %dma_start3A_332] : memref<25x80xi32, #tpu.memory_space<vmem>> -> memref<1x80xi32, #tpu.memory_space<vmem>>
      %dma_start3A_334 = tpu.memref_squeeze %dma_start3A_333 : memref<1x80xi32, #tpu.memory_space<vmem>> -> memref<80xi32, #tpu.memory_space<vmem>>
      %dma_start3A_335 = arith.constant 0 : i32
      %dma_start3A_336 = arith.constant 0 : i32
      %dma_start3A_337 = tpu.memref_slice %arg3[%dma_start3A_335, %dma_start3A_336] : memref<10000x128xf32, #tpu.memory_space<hbm>> -> memref<10000x128xf32, #tpu.memory_space<hbm>>
      tpu.enqueue_indirect_dma source(%dma_start3A_337 : memref<10000x128xf32, #tpu.memory_space<hbm>>) target(%arg10 : memref<80x128xf32, #tpu.memory_space<vmem>>) offsets(%dma_start3A_334 : memref<80xi32, #tpu.memory_space<vmem>>) semaphore(%arg15 : memref<!tpu.dma_semaphore, #tpu.memory_space<semaphore_mem>>)
    } else {
    }
    %eq3A_199 = arith.constant 0 : i32
    %eq3A_200 = arith.cmpi eq, %arg0, %eq3A_199 : i32
    %convert_element_type3A_201 = arith.extui %eq3A_200 : i1 to i32
    %cond3A_202 = arith.constant 0 : i32
    %cond3A_203 = arith.cmpi ne, %convert_element_type3A_201, %cond3A_202 : i32
    scf.if %cond3A_203 {
      %dma_start3A = arith.constant 2 : i32
      %dma_start3A_332 = arith.constant 0 : i32
      %dma_start3A_333 = tpu.memref_slice %arg7[%dma_start3A, %dma_start3A_332] : memref<25x80xi32, #tpu.memory_space<vmem>> -> memref<1x80xi32, #tpu.memory_space<vmem>>
      %dma_start3A_334 = tpu.memref_squeeze %dma_start3A_333 : memref<1x80xi32, #tpu.memory_space<vmem>> -> memref<80xi32, #tpu.memory_space<vmem>>
      %dma_start3A_335 = arith.constant 0 : i32
      %dma_start3A_336 = arith.constant 0 : i32
      %dma_start3A_337 = tpu.memref_slice %arg2[%dma_start3A_335, %dma_start3A_336] : memref<10000x128xf32, #tpu.memory_space<hbm>> -> memref<10000x128xf32, #tpu.memory_space<hbm>>
      tpu.enqueue_indirect_dma source(%dma_start3A_337 : memref<10000x128xf32, #tpu.memory_space<hbm>>) target(%arg11 : memref<80x128xf32, #tpu.memory_space<vmem>>) offsets(%dma_start3A_334 : memref<80xi32, #tpu.memory_space<vmem>>) semaphore(%arg16 : memref<!tpu.dma_semaphore, #tpu.memory_space<semaphore_mem>>)
    } else {
    }
    %eq3A_204 = arith.constant 1 : i32
    %eq3A_205 = arith.cmpi eq, %arg0, %eq3A_204 : i32
    %convert_element_type3A_206 = arith.extui %eq3A_205 : i1 to i32
    %cond3A_207 = arith.constant 0 : i32
    %cond3A_208 = arith.cmpi ne, %convert_element_type3A_206, %cond3A_207 : i32
    scf.if %cond3A_208 {
      %dma_start3A = arith.constant 2 : i32
      %dma_start3A_332 = arith.constant 0 : i32
      %dma_start3A_333 = tpu.memref_slice %arg7[%dma_start3A, %dma_start3A_332] : memref<25x80xi32, #tpu.memory_space<vmem>> -> memref<1x80xi32, #tpu.memory_space<vmem>>
      %dma_start3A_334 = tpu.memref_squeeze %dma_start3A_333 : memref<1x80xi32, #tpu.memory_space<vmem>> -> memref<80xi32, #tpu.memory_space<vmem>>
      %dma_start3A_335 = arith.constant 0 : i32
      %dma_start3A_336 = arith.constant 0 : i32
      %dma_start3A_337 = tpu.memref_slice %arg3[%dma_start3A_335, %dma_start3A_336] : memref<10000x128xf32, #tpu.memory_space<hbm>> -> memref<10000x128xf32, #tpu.memory_space<hbm>>
      tpu.enqueue_indirect_dma source(%dma_start3A_337 : memref<10000x128xf32, #tpu.memory_space<hbm>>) target(%arg11 : memref<80x128xf32, #tpu.memory_space<vmem>>) offsets(%dma_start3A_334 : memref<80xi32, #tpu.memory_space<vmem>>) semaphore(%arg16 : memref<!tpu.dma_semaphore, #tpu.memory_space<semaphore_mem>>)
    } else {
    }
    %scan3A_209 = arith.constant 0 : i32
    %scan3A_210 = arith.constant 0 : i32
    %scan3A_211 = arith.constant 8 : i32
    %scan3A_212 = arith.addi %scan3A_210, %scan3A_211 : i32
    %scan3A_213 = arith.constant 1 : i32
    scf.for %scan3A_332 = %scan3A_210 to %scan3A_212 step %scan3A_213  : i32 {
      %mul3A_333 = arith.constant 3 : i32
      %mul3A_334 = arith.muli %mul3A_333, %scan3A_332 : i32
      %add3A_335 = arith.constant 0 : i32
      %add3A_336 = arith.addi %mul3A_334, %add3A_335 : i32
      %dma_wait3A_337 = arith.constant 0 : i32
      %dma_wait3A_338 = arith.constant 0 : i32
      %dma_wait3A_339 = tpu.memref_slice %arg7[%dma_wait3A_337, %dma_wait3A_338] : memref<25x80xi32, #tpu.memory_space<vmem>> -> memref<1x80xi32, #tpu.memory_space<vmem>>
      %dma_wait3A_340 = tpu.memref_squeeze %dma_wait3A_339 : memref<1x80xi32, #tpu.memory_space<vmem>> -> memref<80xi32, #tpu.memory_space<vmem>>
      %dma_wait3A_341 = arith.constant 0 : i32
      %dma_wait3A_342 = arith.constant 0 : i32
      %dma_wait3A_343 = tpu.memref_slice %arg2[%dma_wait3A_341, %dma_wait3A_342] : memref<10000x128xf32, #tpu.memory_space<hbm>> -> memref<10000x128xf32, #tpu.memory_space<hbm>>
      tpu.wait_indirect_dma semaphore(%arg14 : memref<!tpu.dma_semaphore, #tpu.memory_space<semaphore_mem>>) src(%dma_wait3A_343 : memref<10000x128xf32, #tpu.memory_space<hbm>>) dst(%arg9 : memref<80x128xf32, #tpu.memory_space<vmem>>)
      "tpu.region"() ({
        %run_scoped3A_386 = tpu.sem_alloc : memref<!tpu.dma_semaphore, #tpu.memory_space<semaphore_mem>>
        %dma_start3A = arith.constant 0 : i32
        %dma_start3A_387 = tpu.memref_slice %arg8[%add3A_336, %dma_start3A] : memref<25x80xi32, #tpu.memory_space<vmem>> -> memref<1x80xi32, #tpu.memory_space<vmem>>
        %dma_start3A_388 = tpu.memref_squeeze %dma_start3A_387 : memref<1x80xi32, #tpu.memory_space<vmem>> -> memref<80xi32, #tpu.memory_space<vmem>>
        %dma_start3A_389 = arith.constant 0 : i32
        %dma_start3A_390 = arith.constant 0 : i32
        %dma_start3A_391 = tpu.memref_slice %arg13[%dma_start3A_389, %dma_start3A_390] : memref<10112x128xf32, #tpu.memory_space<vmem_shared>> -> memref<10112x128xf32, #tpu.memory_space<vmem_shared>>
        tpu.enqueue_indirect_dma source(%arg9 : memref<80x128xf32, #tpu.memory_space<vmem>>) target(%dma_start3A_391 : memref<10112x128xf32, #tpu.memory_space<vmem_shared>>) offsets(%dma_start3A_388 : memref<80xi32, #tpu.memory_space<vmem>>) semaphore(%run_scoped3A_386 : memref<!tpu.dma_semaphore, #tpu.memory_space<semaphore_mem>>) {add = true}
        %dma_wait3A_392 = arith.constant 0 : i32
        %dma_wait3A_393 = tpu.memref_slice %arg8[%add3A_336, %dma_wait3A_392] : memref<25x80xi32, #tpu.memory_space<vmem>> -> memref<1x80xi32, #tpu.memory_space<vmem>>
        %dma_wait3A_394 = tpu.memref_squeeze %dma_wait3A_393 : memref<1x80xi32, #tpu.memory_space<vmem>> -> memref<80xi32, #tpu.memory_space<vmem>>
        %dma_wait3A_395 = arith.constant 0 : i32
        %dma_wait3A_396 = arith.constant 0 : i32
        %dma_wait3A_397 = tpu.memref_slice %arg13[%dma_wait3A_395, %dma_wait3A_396] : memref<10112x128xf32, #tpu.memory_space<vmem_shared>> -> memref<10112x128xf32, #tpu.memory_space<vmem_shared>>
        tpu.wait_indirect_dma semaphore(%run_scoped3A_386 : memref<!tpu.dma_semaphore, #tpu.memory_space<semaphore_mem>>) src(%arg9 : memref<80x128xf32, #tpu.memory_space<vmem>>) dst(%dma_wait3A_397 : memref<10112x128xf32, #tpu.memory_space<vmem_shared>>)
        tpu.yield
      }) : () -> ()
      %add3A_344 = arith.constant 3 : i32
      %add3A_345 = arith.addi %add3A_336, %add3A_344 : i32
      %lt3A = arith.constant 25 : i32
      %lt3A_346 = arith.cmpi slt, %add3A_345, %lt3A : i32
      %convert_element_type3A_347 = arith.extui %lt3A_346 : i1 to i32
      %cond3A_348 = arith.constant 0 : i32
      %cond3A_349 = arith.cmpi ne, %convert_element_type3A_347, %cond3A_348 : i32
      scf.if %cond3A_349 {
        %add3A_386 = arith.constant 3 : i32
        %add3A_387 = arith.addi %add3A_336, %add3A_386 : i32
        %eq3A_388 = arith.constant 0 : i32
        %eq3A_389 = arith.cmpi eq, %arg0, %eq3A_388 : i32
        %convert_element_type3A_390 = arith.extui %eq3A_389 : i1 to i32
        %cond3A_391 = arith.constant 0 : i32
        %cond3A_392 = arith.cmpi ne, %convert_element_type3A_390, %cond3A_391 : i32
        scf.if %cond3A_392 {
          %dma_start3A = arith.constant 0 : i32
          %dma_start3A_398 = tpu.memref_slice %arg7[%add3A_387, %dma_start3A] : memref<25x80xi32, #tpu.memory_space<vmem>> -> memref<1x80xi32, #tpu.memory_space<vmem>>
          %dma_start3A_399 = tpu.memref_squeeze %dma_start3A_398 : memref<1x80xi32, #tpu.memory_space<vmem>> -> memref<80xi32, #tpu.memory_space<vmem>>
          %dma_start3A_400 = arith.constant 0 : i32
          %dma_start3A_401 = arith.constant 0 : i32
          %dma_start3A_402 = tpu.memref_slice %arg2[%dma_start3A_400, %dma_start3A_401] : memref<10000x128xf32, #tpu.memory_space<hbm>> -> memref<10000x128xf32, #tpu.memory_space<hbm>>
          tpu.enqueue_indirect_dma source(%dma_start3A_402 : memref<10000x128xf32, #tpu.memory_space<hbm>>) target(%arg9 : memref<80x128xf32, #tpu.memory_space<vmem>>) offsets(%dma_start3A_399 : memref<80xi32, #tpu.memory_space<vmem>>) semaphore(%arg14 : memref<!tpu.dma_semaphore, #tpu.memory_space<semaphore_mem>>)
        } else {
        }
        %eq3A_393 = arith.constant 1 : i32
        %eq3A_394 = arith.cmpi eq, %arg0, %eq3A_393 : i32
        %convert_element_type3A_395 = arith.extui %eq3A_394 : i1 to i32
        %cond3A_396 = arith.constant 0 : i32
        %cond3A_397 = arith.cmpi ne, %convert_element_type3A_395, %cond3A_396 : i32
        scf.if %cond3A_397 {
          %dma_start3A = arith.constant 0 : i32
          %dma_start3A_398 = tpu.memref_slice %arg7[%add3A_387, %dma_start3A] : memref<25x80xi32, #tpu.memory_space<vmem>> -> memref<1x80xi32, #tpu.memory_space<vmem>>
          %dma_start3A_399 = tpu.memref_squeeze %dma_start3A_398 : memref<1x80xi32, #tpu.memory_space<vmem>> -> memref<80xi32, #tpu.memory_space<vmem>>
          %dma_start3A_400 = arith.constant 0 : i32
          %dma_start3A_401 = arith.constant 0 : i32
          %dma_start3A_402 = tpu.memref_slice %arg3[%dma_start3A_400, %dma_start3A_401] : memref<10000x128xf32, #tpu.memory_space<hbm>> -> memref<10000x128xf32, #tpu.memory_space<hbm>>
          tpu.enqueue_indirect_dma source(%dma_start3A_402 : memref<10000x128xf32, #tpu.memory_space<hbm>>) target(%arg9 : memref<80x128xf32, #tpu.memory_space<vmem>>) offsets(%dma_start3A_399 : memref<80xi32, #tpu.memory_space<vmem>>) semaphore(%arg14 : memref<!tpu.dma_semaphore, #tpu.memory_space<semaphore_mem>>)
        } else {
        }
      } else {
      }
      %mul3A_350 = arith.constant 3 : i32
      %mul3A_351 = arith.muli %mul3A_350, %scan3A_332 : i32
      %add3A_352 = arith.constant 1 : i32
      %add3A_353 = arith.addi %mul3A_351, %add3A_352 : i32
      %dma_wait3A_354 = arith.constant 0 : i32
      %dma_wait3A_355 = arith.constant 0 : i32
      %dma_wait3A_356 = tpu.memref_slice %arg7[%dma_wait3A_354, %dma_wait3A_355] : memref<25x80xi32, #tpu.memory_space<vmem>> -> memref<1x80xi32, #tpu.memory_space<vmem>>
      %dma_wait3A_357 = tpu.memref_squeeze %dma_wait3A_356 : memref<1x80xi32, #tpu.memory_space<vmem>> -> memref<80xi32, #tpu.memory_space<vmem>>
      %dma_wait3A_358 = arith.constant 0 : i32
      %dma_wait3A_359 = arith.constant 0 : i32
      %dma_wait3A_360 = tpu.memref_slice %arg2[%dma_wait3A_358, %dma_wait3A_359] : memref<10000x128xf32, #tpu.memory_space<hbm>> -> memref<10000x128xf32, #tpu.memory_space<hbm>>
      tpu.wait_indirect_dma semaphore(%arg15 : memref<!tpu.dma_semaphore, #tpu.memory_space<semaphore_mem>>) src(%dma_wait3A_360 : memref<10000x128xf32, #tpu.memory_space<hbm>>) dst(%arg10 : memref<80x128xf32, #tpu.memory_space<vmem>>)
      "tpu.region"() ({
        %run_scoped3A_386 = tpu.sem_alloc : memref<!tpu.dma_semaphore, #tpu.memory_space<semaphore_mem>>
        %dma_start3A = arith.constant 0 : i32
        %dma_start3A_387 = tpu.memref_slice %arg8[%add3A_353, %dma_start3A] : memref<25x80xi32, #tpu.memory_space<vmem>> -> memref<1x80xi32, #tpu.memory_space<vmem>>
        %dma_start3A_388 = tpu.memref_squeeze %dma_start3A_387 : memref<1x80xi32, #tpu.memory_space<vmem>> -> memref<80xi32, #tpu.memory_space<vmem>>
        %dma_start3A_389 = arith.constant 0 : i32
        %dma_start3A_390 = arith.constant 0 : i32
        %dma_start3A_391 = tpu.memref_slice %arg13[%dma_start3A_389, %dma_start3A_390] : memref<10112x128xf32, #tpu.memory_space<vmem_shared>> -> memref<10112x128xf32, #tpu.memory_space<vmem_shared>>
        tpu.enqueue_indirect_dma source(%arg10 : memref<80x128xf32, #tpu.memory_space<vmem>>) target(%dma_start3A_391 : memref<10112x128xf32, #tpu.memory_space<vmem_shared>>) offsets(%dma_start3A_388 : memref<80xi32, #tpu.memory_space<vmem>>) semaphore(%run_scoped3A_386 : memref<!tpu.dma_semaphore, #tpu.memory_space<semaphore_mem>>) {add = true}
        %dma_wait3A_392 = arith.constant 0 : i32
        %dma_wait3A_393 = tpu.memref_slice %arg8[%add3A_353, %dma_wait3A_392] : memref<25x80xi32, #tpu.memory_space<vmem>> -> memref<1x80xi32, #tpu.memory_space<vmem>>
        %dma_wait3A_394 = tpu.memref_squeeze %dma_wait3A_393 : memref<1x80xi32, #tpu.memory_space<vmem>> -> memref<80xi32, #tpu.memory_space<vmem>>
        %dma_wait3A_395 = arith.constant 0 : i32
        %dma_wait3A_396 = arith.constant 0 : i32
        %dma_wait3A_397 = tpu.memref_slice %arg13[%dma_wait3A_395, %dma_wait3A_396] : memref<10112x128xf32, #tpu.memory_space<vmem_shared>> -> memref<10112x128xf32, #tpu.memory_space<vmem_shared>>
        tpu.wait_indirect_dma semaphore(%run_scoped3A_386 : memref<!tpu.dma_semaphore, #tpu.memory_space<semaphore_mem>>) src(%arg10 : memref<80x128xf32, #tpu.memory_space<vmem>>) dst(%dma_wait3A_397 : memref<10112x128xf32, #tpu.memory_space<vmem_shared>>)
        tpu.yield
      }) : () -> ()
      %add3A_361 = arith.constant 3 : i32
      %add3A_362 = arith.addi %add3A_353, %add3A_361 : i32
      %lt3A_363 = arith.constant 25 : i32
      %lt3A_364 = arith.cmpi slt, %add3A_362, %lt3A_363 : i32
      %convert_element_type3A_365 = arith.extui %lt3A_364 : i1 to i32
      %cond3A_366 = arith.constant 0 : i32
      %cond3A_367 = arith.cmpi ne, %convert_element_type3A_365, %cond3A_366 : i32
      scf.if %cond3A_367 {
        %add3A_386 = arith.constant 3 : i32
        %add3A_387 = arith.addi %add3A_353, %add3A_386 : i32
        %eq3A_388 = arith.constant 0 : i32
        %eq3A_389 = arith.cmpi eq, %arg0, %eq3A_388 : i32
        %convert_element_type3A_390 = arith.extui %eq3A_389 : i1 to i32
        %cond3A_391 = arith.constant 0 : i32
        %cond3A_392 = arith.cmpi ne, %convert_element_type3A_390, %cond3A_391 : i32
        scf.if %cond3A_392 {
          %dma_start3A = arith.constant 0 : i32
          %dma_start3A_398 = tpu.memref_slice %arg7[%add3A_387, %dma_start3A] : memref<25x80xi32, #tpu.memory_space<vmem>> -> memref<1x80xi32, #tpu.memory_space<vmem>>
          %dma_start3A_399 = tpu.memref_squeeze %dma_start3A_398 : memref<1x80xi32, #tpu.memory_space<vmem>> -> memref<80xi32, #tpu.memory_space<vmem>>
          %dma_start3A_400 = arith.constant 0 : i32
          %dma_start3A_401 = arith.constant 0 : i32
          %dma_start3A_402 = tpu.memref_slice %arg2[%dma_start3A_400, %dma_start3A_401] : memref<10000x128xf32, #tpu.memory_space<hbm>> -> memref<10000x128xf32, #tpu.memory_space<hbm>>
          tpu.enqueue_indirect_dma source(%dma_start3A_402 : memref<10000x128xf32, #tpu.memory_space<hbm>>) target(%arg10 : memref<80x128xf32, #tpu.memory_space<vmem>>) offsets(%dma_start3A_399 : memref<80xi32, #tpu.memory_space<vmem>>) semaphore(%arg15 : memref<!tpu.dma_semaphore, #tpu.memory_space<semaphore_mem>>)
        } else {
        }
        %eq3A_393 = arith.constant 1 : i32
        %eq3A_394 = arith.cmpi eq, %arg0, %eq3A_393 : i32
        %convert_element_type3A_395 = arith.extui %eq3A_394 : i1 to i32
        %cond3A_396 = arith.constant 0 : i32
        %cond3A_397 = arith.cmpi ne, %convert_element_type3A_395, %cond3A_396 : i32
        scf.if %cond3A_397 {
          %dma_start3A = arith.constant 0 : i32
          %dma_start3A_398 = tpu.memref_slice %arg7[%add3A_387, %dma_start3A] : memref<25x80xi32, #tpu.memory_space<vmem>> -> memref<1x80xi32, #tpu.memory_space<vmem>>
          %dma_start3A_399 = tpu.memref_squeeze %dma_start3A_398 : memref<1x80xi32, #tpu.memory_space<vmem>> -> memref<80xi32, #tpu.memory_space<vmem>>
          %dma_start3A_400 = arith.constant 0 : i32
          %dma_start3A_401 = arith.constant 0 : i32
          %dma_start3A_402 = tpu.memref_slice %arg3[%dma_start3A_400, %dma_start3A_401] : memref<10000x128xf32, #tpu.memory_space<hbm>> -> memref<10000x128xf32, #tpu.memory_space<hbm>>
          tpu.enqueue_indirect_dma source(%dma_start3A_402 : memref<10000x128xf32, #tpu.memory_space<hbm>>) target(%arg10 : memref<80x128xf32, #tpu.memory_space<vmem>>) offsets(%dma_start3A_399 : memref<80xi32, #tpu.memory_space<vmem>>) semaphore(%arg15 : memref<!tpu.dma_semaphore, #tpu.memory_space<semaphore_mem>>)
        } else {
        }
      } else {
      }
      %mul3A_368 = arith.constant 3 : i32
      %mul3A_369 = arith.muli %mul3A_368, %scan3A_332 : i32
      %add3A_370 = arith.constant 2 : i32
      %add3A_371 = arith.addi %mul3A_369, %add3A_370 : i32
      %dma_wait3A_372 = arith.constant 0 : i32
      %dma_wait3A_373 = arith.constant 0 : i32
      %dma_wait3A_374 = tpu.memref_slice %arg7[%dma_wait3A_372, %dma_wait3A_373] : memref<25x80xi32, #tpu.memory_space<vmem>> -> memref<1x80xi32, #tpu.memory_space<vmem>>
      %dma_wait3A_375 = tpu.memref_squeeze %dma_wait3A_374 : memref<1x80xi32, #tpu.memory_space<vmem>> -> memref<80xi32, #tpu.memory_space<vmem>>
      %dma_wait3A_376 = arith.constant 0 : i32
      %dma_wait3A_377 = arith.constant 0 : i32
      %dma_wait3A_378 = tpu.memref_slice %arg2[%dma_wait3A_376, %dma_wait3A_377] : memref<10000x128xf32, #tpu.memory_space<hbm>> -> memref<10000x128xf32, #tpu.memory_space<hbm>>
      tpu.wait_indirect_dma semaphore(%arg16 : memref<!tpu.dma_semaphore, #tpu.memory_space<semaphore_mem>>) src(%dma_wait3A_378 : memref<10000x128xf32, #tpu.memory_space<hbm>>) dst(%arg11 : memref<80x128xf32, #tpu.memory_space<vmem>>)
      "tpu.region"() ({
        %run_scoped3A_386 = tpu.sem_alloc : memref<!tpu.dma_semaphore, #tpu.memory_space<semaphore_mem>>
        %dma_start3A = arith.constant 0 : i32
        %dma_start3A_387 = tpu.memref_slice %arg8[%add3A_371, %dma_start3A] : memref<25x80xi32, #tpu.memory_space<vmem>> -> memref<1x80xi32, #tpu.memory_space<vmem>>
        %dma_start3A_388 = tpu.memref_squeeze %dma_start3A_387 : memref<1x80xi32, #tpu.memory_space<vmem>> -> memref<80xi32, #tpu.memory_space<vmem>>
        %dma_start3A_389 = arith.constant 0 : i32
        %dma_start3A_390 = arith.constant 0 : i32
        %dma_start3A_391 = tpu.memref_slice %arg13[%dma_start3A_389, %dma_start3A_390] : memref<10112x128xf32, #tpu.memory_space<vmem_shared>> -> memref<10112x128xf32, #tpu.memory_space<vmem_shared>>
        tpu.enqueue_indirect_dma source(%arg11 : memref<80x128xf32, #tpu.memory_space<vmem>>) target(%dma_start3A_391 : memref<10112x128xf32, #tpu.memory_space<vmem_shared>>) offsets(%dma_start3A_388 : memref<80xi32, #tpu.memory_space<vmem>>) semaphore(%run_scoped3A_386 : memref<!tpu.dma_semaphore, #tpu.memory_space<semaphore_mem>>) {add = true}
        %dma_wait3A_392 = arith.constant 0 : i32
        %dma_wait3A_393 = tpu.memref_slice %arg8[%add3A_371, %dma_wait3A_392] : memref<25x80xi32, #tpu.memory_space<vmem>> -> memref<1x80xi32, #tpu.memory_space<vmem>>
        %dma_wait3A_394 = tpu.memref_squeeze %dma_wait3A_393 : memref<1x80xi32, #tpu.memory_space<vmem>> -> memref<80xi32, #tpu.memory_space<vmem>>
        %dma_wait3A_395 = arith.constant 0 : i32
        %dma_wait3A_396 = arith.constant 0 : i32
        %dma_wait3A_397 = tpu.memref_slice %arg13[%dma_wait3A_395, %dma_wait3A_396] : memref<10112x128xf32, #tpu.memory_space<vmem_shared>> -> memref<10112x128xf32, #tpu.memory_space<vmem_shared>>
        tpu.wait_indirect_dma semaphore(%run_scoped3A_386 : memref<!tpu.dma_semaphore, #tpu.memory_space<semaphore_mem>>) src(%arg11 : memref<80x128xf32, #tpu.memory_space<vmem>>) dst(%dma_wait3A_397 : memref<10112x128xf32, #tpu.memory_space<vmem_shared>>)
        tpu.yield
      }) : () -> ()
      %add3A_379 = arith.constant 3 : i32
      %add3A_380 = arith.addi %add3A_371, %add3A_379 : i32
      %lt3A_381 = arith.constant 25 : i32
      %lt3A_382 = arith.cmpi slt, %add3A_380, %lt3A_381 : i32
      %convert_element_type3A_383 = arith.extui %lt3A_382 : i1 to i32
      %cond3A_384 = arith.constant 0 : i32
      %cond3A_385 = arith.cmpi ne, %convert_element_type3A_383, %cond3A_384 : i32
      scf.if %cond3A_385 {
        %add3A_386 = arith.constant 3 : i32
        %add3A_387 = arith.addi %add3A_371, %add3A_386 : i32
        %eq3A_388 = arith.constant 0 : i32
        %eq3A_389 = arith.cmpi eq, %arg0, %eq3A_388 : i32
        %convert_element_type3A_390 = arith.extui %eq3A_389 : i1 to i32
        %cond3A_391 = arith.constant 0 : i32
        %cond3A_392 = arith.cmpi ne, %convert_element_type3A_390, %cond3A_391 : i32
        scf.if %cond3A_392 {
          %dma_start3A = arith.constant 0 : i32
          %dma_start3A_398 = tpu.memref_slice %arg7[%add3A_387, %dma_start3A] : memref<25x80xi32, #tpu.memory_space<vmem>> -> memref<1x80xi32, #tpu.memory_space<vmem>>
          %dma_start3A_399 = tpu.memref_squeeze %dma_start3A_398 : memref<1x80xi32, #tpu.memory_space<vmem>> -> memref<80xi32, #tpu.memory_space<vmem>>
          %dma_start3A_400 = arith.constant 0 : i32
          %dma_start3A_401 = arith.constant 0 : i32
          %dma_start3A_402 = tpu.memref_slice %arg2[%dma_start3A_400, %dma_start3A_401] : memref<10000x128xf32, #tpu.memory_space<hbm>> -> memref<10000x128xf32, #tpu.memory_space<hbm>>
          tpu.enqueue_indirect_dma source(%dma_start3A_402 : memref<10000x128xf32, #tpu.memory_space<hbm>>) target(%arg11 : memref<80x128xf32, #tpu.memory_space<vmem>>) offsets(%dma_start3A_399 : memref<80xi32, #tpu.memory_space<vmem>>) semaphore(%arg16 : memref<!tpu.dma_semaphore, #tpu.memory_space<semaphore_mem>>)
        } else {
        }
        %eq3A_393 = arith.constant 1 : i32
        %eq3A_394 = arith.cmpi eq, %arg0, %eq3A_393 : i32
        %convert_element_type3A_395 = arith.extui %eq3A_394 : i1 to i32
        %cond3A_396 = arith.constant 0 : i32
        %cond3A_397 = arith.cmpi ne, %convert_element_type3A_395, %cond3A_396 : i32
        scf.if %cond3A_397 {
          %dma_start3A = arith.constant 0 : i32
          %dma_start3A_398 = tpu.memref_slice %arg7[%add3A_387, %dma_start3A] : memref<25x80xi32, #tpu.memory_space<vmem>> -> memref<1x80xi32, #tpu.memory_space<vmem>>
          %dma_start3A_399 = tpu.memref_squeeze %dma_start3A_398 : memref<1x80xi32, #tpu.memory_space<vmem>> -> memref<80xi32, #tpu.memory_space<vmem>>
          %dma_start3A_400 = arith.constant 0 : i32
          %dma_start3A_401 = arith.constant 0 : i32
          %dma_start3A_402 = tpu.memref_slice %arg3[%dma_start3A_400, %dma_start3A_401] : memref<10000x128xf32, #tpu.memory_space<hbm>> -> memref<10000x128xf32, #tpu.memory_space<hbm>>
          tpu.enqueue_indirect_dma source(%dma_start3A_402 : memref<10000x128xf32, #tpu.memory_space<hbm>>) target(%arg11 : memref<80x128xf32, #tpu.memory_space<vmem>>) offsets(%dma_start3A_399 : memref<80xi32, #tpu.memory_space<vmem>>) semaphore(%arg16 : memref<!tpu.dma_semaphore, #tpu.memory_space<semaphore_mem>>)
        } else {
        }
      } else {
      }
    }
    %scan3A_214 = arith.constant 8 : i32
    %dma_wait3A_215 = arith.constant 0 : i32
    %dma_wait3A_216 = arith.constant 0 : i32
    %dma_wait3A_217 = tpu.memref_slice %arg7[%dma_wait3A_215, %dma_wait3A_216] : memref<25x80xi32, #tpu.memory_space<vmem>> -> memref<1x80xi32, #tpu.memory_space<vmem>>
    %dma_wait3A_218 = tpu.memref_squeeze %dma_wait3A_217 : memref<1x80xi32, #tpu.memory_space<vmem>> -> memref<80xi32, #tpu.memory_space<vmem>>
    %dma_wait3A_219 = arith.constant 0 : i32
    %dma_wait3A_220 = arith.constant 0 : i32
    %dma_wait3A_221 = tpu.memref_slice %arg2[%dma_wait3A_219, %dma_wait3A_220] : memref<10000x128xf32, #tpu.memory_space<hbm>> -> memref<10000x128xf32, #tpu.memory_space<hbm>>
    tpu.wait_indirect_dma semaphore(%arg14 : memref<!tpu.dma_semaphore, #tpu.memory_space<semaphore_mem>>) src(%dma_wait3A_221 : memref<10000x128xf32, #tpu.memory_space<hbm>>) dst(%arg9 : memref<80x128xf32, #tpu.memory_space<vmem>>)
    %run_scoped3A_222 = arith.constant 24 : i32
    "tpu.region"() ({
      %run_scoped3A_332 = tpu.sem_alloc : memref<!tpu.dma_semaphore, #tpu.memory_space<semaphore_mem>>
      %dma_start3A = arith.constant 0 : i32
      %dma_start3A_333 = tpu.memref_slice %arg8[%run_scoped3A_222, %dma_start3A] : memref<25x80xi32, #tpu.memory_space<vmem>> -> memref<1x80xi32, #tpu.memory_space<vmem>>
      %dma_start3A_334 = tpu.memref_squeeze %dma_start3A_333 : memref<1x80xi32, #tpu.memory_space<vmem>> -> memref<80xi32, #tpu.memory_space<vmem>>
      %dma_start3A_335 = arith.constant 0 : i32
      %dma_start3A_336 = arith.constant 0 : i32
      %dma_start3A_337 = tpu.memref_slice %arg13[%dma_start3A_335, %dma_start3A_336] : memref<10112x128xf32, #tpu.memory_space<vmem_shared>> -> memref<10112x128xf32, #tpu.memory_space<vmem_shared>>
      tpu.enqueue_indirect_dma source(%arg9 : memref<80x128xf32, #tpu.memory_space<vmem>>) target(%dma_start3A_337 : memref<10112x128xf32, #tpu.memory_space<vmem_shared>>) offsets(%dma_start3A_334 : memref<80xi32, #tpu.memory_space<vmem>>) semaphore(%run_scoped3A_332 : memref<!tpu.dma_semaphore, #tpu.memory_space<semaphore_mem>>) {add = true}
      %dma_wait3A_338 = arith.constant 0 : i32
      %dma_wait3A_339 = tpu.memref_slice %arg8[%run_scoped3A_222, %dma_wait3A_338] : memref<25x80xi32, #tpu.memory_space<vmem>> -> memref<1x80xi32, #tpu.memory_space<vmem>>
      %dma_wait3A_340 = tpu.memref_squeeze %dma_wait3A_339 : memref<1x80xi32, #tpu.memory_space<vmem>> -> memref<80xi32, #tpu.memory_space<vmem>>
      %dma_wait3A_341 = arith.constant 0 : i32
      %dma_wait3A_342 = arith.constant 0 : i32
      %dma_wait3A_343 = tpu.memref_slice %arg13[%dma_wait3A_341, %dma_wait3A_342] : memref<10112x128xf32, #tpu.memory_space<vmem_shared>> -> memref<10112x128xf32, #tpu.memory_space<vmem_shared>>
      tpu.wait_indirect_dma semaphore(%run_scoped3A_332 : memref<!tpu.dma_semaphore, #tpu.memory_space<semaphore_mem>>) src(%arg9 : memref<80x128xf32, #tpu.memory_space<vmem>>) dst(%dma_wait3A_343 : memref<10112x128xf32, #tpu.memory_space<vmem_shared>>)
      tpu.yield
    }) : () -> ()
    %run_scoped3A_223 = arith.constant 0 : i32
    %run_scoped3A_224 = arith.constant 3 : i32
    "tpu.region"() ({
      %run_scoped3A_332 = tpu.sem_alloc : memref<!tpu.dma_semaphore, #tpu.memory_space<semaphore_mem>>
      %dma_start3A = arith.constant 0 : i32
      %dma_start3A_333 = arith.constant 0 : i32
      %dma_start3A_334 = tpu.memref_slice %arg4[%run_scoped3A_223, %arg1, %run_scoped3A_224, %dma_start3A, %dma_start3A_333] : memref<2x16x5x25x80xi32, #tpu.memory_space<hbm>> -> memref<1x1x1x25x80xi32, #tpu.memory_space<hbm>>
      %dma_start3A_335 = tpu.memref_squeeze %dma_start3A_334 : memref<1x1x1x25x80xi32, #tpu.memory_space<hbm>> -> memref<25x80xi32, #tpu.memory_space<hbm>>
      %dma_start3A_336 = arith.constant 0 : i32
      %dma_start3A_337 = arith.constant 0 : i32
      %dma_start3A_338 = tpu.memref_slice %arg4[%run_scoped3A_223, %arg1, %run_scoped3A_224, %dma_start3A_336, %dma_start3A_337] : memref<2x16x5x25x80xi32, #tpu.memory_space<hbm>> -> memref<1x1x1x25x80xi32, #tpu.memory_space<hbm>>
      %dma_start3A_339 = tpu.memref_squeeze %dma_start3A_338 : memref<1x1x1x25x80xi32, #tpu.memory_space<hbm>> -> memref<25x80xi32, #tpu.memory_space<hbm>>
      tpu.enqueue_dma source(%dma_start3A_339 : memref<25x80xi32, #tpu.memory_space<hbm>>) target(%arg7 : memref<25x80xi32, #tpu.memory_space<vmem>>) target_semaphore(%run_scoped3A_332 : memref<!tpu.dma_semaphore, #tpu.memory_space<semaphore_mem>>)
      %dma_wait3A_340 = arith.constant 0 : i32
      %dma_wait3A_341 = arith.constant 0 : i32
      %dma_wait3A_342 = tpu.memref_slice %arg4[%run_scoped3A_223, %arg1, %run_scoped3A_224, %dma_wait3A_340, %dma_wait3A_341] : memref<2x16x5x25x80xi32, #tpu.memory_space<hbm>> -> memref<1x1x1x25x80xi32, #tpu.memory_space<hbm>>
      %dma_wait3A_343 = tpu.memref_squeeze %dma_wait3A_342 : memref<1x1x1x25x80xi32, #tpu.memory_space<hbm>> -> memref<25x80xi32, #tpu.memory_space<hbm>>
      %dma_wait3A_344 = arith.constant 0 : i32
      %dma_wait3A_345 = arith.constant 0 : i32
      %dma_wait3A_346 = tpu.memref_slice %arg4[%run_scoped3A_223, %arg1, %run_scoped3A_224, %dma_wait3A_344, %dma_wait3A_345] : memref<2x16x5x25x80xi32, #tpu.memory_space<hbm>> -> memref<1x1x1x25x80xi32, #tpu.memory_space<hbm>>
      %dma_wait3A_347 = tpu.memref_squeeze %dma_wait3A_346 : memref<1x1x1x25x80xi32, #tpu.memory_space<hbm>> -> memref<25x80xi32, #tpu.memory_space<hbm>>
      tpu.wait_dma2 semaphore(%run_scoped3A_332 : memref<!tpu.dma_semaphore, #tpu.memory_space<semaphore_mem>>) src(%dma_wait3A_347 : memref<25x80xi32, #tpu.memory_space<hbm>>) dst(%arg7 : memref<25x80xi32, #tpu.memory_space<vmem>>)
      tpu.yield
    }) : () -> ()
    %run_scoped3A_225 = arith.constant 1 : i32
    %run_scoped3A_226 = arith.constant 3 : i32
    "tpu.region"() ({
      %run_scoped3A_332 = tpu.sem_alloc : memref<!tpu.dma_semaphore, #tpu.memory_space<semaphore_mem>>
      %dma_start3A = arith.constant 0 : i32
      %dma_start3A_333 = arith.constant 0 : i32
      %dma_start3A_334 = tpu.memref_slice %arg4[%run_scoped3A_225, %arg1, %run_scoped3A_226, %dma_start3A, %dma_start3A_333] : memref<2x16x5x25x80xi32, #tpu.memory_space<hbm>> -> memref<1x1x1x25x80xi32, #tpu.memory_space<hbm>>
      %dma_start3A_335 = tpu.memref_squeeze %dma_start3A_334 : memref<1x1x1x25x80xi32, #tpu.memory_space<hbm>> -> memref<25x80xi32, #tpu.memory_space<hbm>>
      %dma_start3A_336 = arith.constant 0 : i32
      %dma_start3A_337 = arith.constant 0 : i32
      %dma_start3A_338 = tpu.memref_slice %arg4[%run_scoped3A_225, %arg1, %run_scoped3A_226, %dma_start3A_336, %dma_start3A_337] : memref<2x16x5x25x80xi32, #tpu.memory_space<hbm>> -> memref<1x1x1x25x80xi32, #tpu.memory_space<hbm>>
      %dma_start3A_339 = tpu.memref_squeeze %dma_start3A_338 : memref<1x1x1x25x80xi32, #tpu.memory_space<hbm>> -> memref<25x80xi32, #tpu.memory_space<hbm>>
      tpu.enqueue_dma source(%dma_start3A_339 : memref<25x80xi32, #tpu.memory_space<hbm>>) target(%arg8 : memref<25x80xi32, #tpu.memory_space<vmem>>) target_semaphore(%run_scoped3A_332 : memref<!tpu.dma_semaphore, #tpu.memory_space<semaphore_mem>>)
      %dma_wait3A_340 = arith.constant 0 : i32
      %dma_wait3A_341 = arith.constant 0 : i32
      %dma_wait3A_342 = tpu.memref_slice %arg4[%run_scoped3A_225, %arg1, %run_scoped3A_226, %dma_wait3A_340, %dma_wait3A_341] : memref<2x16x5x25x80xi32, #tpu.memory_space<hbm>> -> memref<1x1x1x25x80xi32, #tpu.memory_space<hbm>>
      %dma_wait3A_343 = tpu.memref_squeeze %dma_wait3A_342 : memref<1x1x1x25x80xi32, #tpu.memory_space<hbm>> -> memref<25x80xi32, #tpu.memory_space<hbm>>
      %dma_wait3A_344 = arith.constant 0 : i32
      %dma_wait3A_345 = arith.constant 0 : i32
      %dma_wait3A_346 = tpu.memref_slice %arg4[%run_scoped3A_225, %arg1, %run_scoped3A_226, %dma_wait3A_344, %dma_wait3A_345] : memref<2x16x5x25x80xi32, #tpu.memory_space<hbm>> -> memref<1x1x1x25x80xi32, #tpu.memory_space<hbm>>
      %dma_wait3A_347 = tpu.memref_squeeze %dma_wait3A_346 : memref<1x1x1x25x80xi32, #tpu.memory_space<hbm>> -> memref<25x80xi32, #tpu.memory_space<hbm>>
      tpu.wait_dma2 semaphore(%run_scoped3A_332 : memref<!tpu.dma_semaphore, #tpu.memory_space<semaphore_mem>>) src(%dma_wait3A_347 : memref<25x80xi32, #tpu.memory_space<hbm>>) dst(%arg8 : memref<25x80xi32, #tpu.memory_space<vmem>>)
      tpu.yield
    }) : () -> ()
    %eq3A_227 = arith.constant 0 : i32
    %eq3A_228 = arith.cmpi eq, %arg0, %eq3A_227 : i32
    %convert_element_type3A_229 = arith.extui %eq3A_228 : i1 to i32
    %cond3A_230 = arith.constant 0 : i32
    %cond3A_231 = arith.cmpi ne, %convert_element_type3A_229, %cond3A_230 : i32
    scf.if %cond3A_231 {
      %dma_start3A = arith.constant 0 : i32
      %dma_start3A_332 = arith.constant 0 : i32
      %dma_start3A_333 = tpu.memref_slice %arg7[%dma_start3A, %dma_start3A_332] : memref<25x80xi32, #tpu.memory_space<vmem>> -> memref<1x80xi32, #tpu.memory_space<vmem>>
      %dma_start3A_334 = tpu.memref_squeeze %dma_start3A_333 : memref<1x80xi32, #tpu.memory_space<vmem>> -> memref<80xi32, #tpu.memory_space<vmem>>
      %dma_start3A_335 = arith.constant 0 : i32
      %dma_start3A_336 = arith.constant 0 : i32
      %dma_start3A_337 = tpu.memref_slice %arg2[%dma_start3A_335, %dma_start3A_336] : memref<10000x128xf32, #tpu.memory_space<hbm>> -> memref<10000x128xf32, #tpu.memory_space<hbm>>
      tpu.enqueue_indirect_dma source(%dma_start3A_337 : memref<10000x128xf32, #tpu.memory_space<hbm>>) target(%arg9 : memref<80x128xf32, #tpu.memory_space<vmem>>) offsets(%dma_start3A_334 : memref<80xi32, #tpu.memory_space<vmem>>) semaphore(%arg14 : memref<!tpu.dma_semaphore, #tpu.memory_space<semaphore_mem>>)
    } else {
    }
    %eq3A_232 = arith.constant 1 : i32
    %eq3A_233 = arith.cmpi eq, %arg0, %eq3A_232 : i32
    %convert_element_type3A_234 = arith.extui %eq3A_233 : i1 to i32
    %cond3A_235 = arith.constant 0 : i32
    %cond3A_236 = arith.cmpi ne, %convert_element_type3A_234, %cond3A_235 : i32
    scf.if %cond3A_236 {
      %dma_start3A = arith.constant 0 : i32
      %dma_start3A_332 = arith.constant 0 : i32
      %dma_start3A_333 = tpu.memref_slice %arg7[%dma_start3A, %dma_start3A_332] : memref<25x80xi32, #tpu.memory_space<vmem>> -> memref<1x80xi32, #tpu.memory_space<vmem>>
      %dma_start3A_334 = tpu.memref_squeeze %dma_start3A_333 : memref<1x80xi32, #tpu.memory_space<vmem>> -> memref<80xi32, #tpu.memory_space<vmem>>
      %dma_start3A_335 = arith.constant 0 : i32
      %dma_start3A_336 = arith.constant 0 : i32
      %dma_start3A_337 = tpu.memref_slice %arg3[%dma_start3A_335, %dma_start3A_336] : memref<10000x128xf32, #tpu.memory_space<hbm>> -> memref<10000x128xf32, #tpu.memory_space<hbm>>
      tpu.enqueue_indirect_dma source(%dma_start3A_337 : memref<10000x128xf32, #tpu.memory_space<hbm>>) target(%arg9 : memref<80x128xf32, #tpu.memory_space<vmem>>) offsets(%dma_start3A_334 : memref<80xi32, #tpu.memory_space<vmem>>) semaphore(%arg14 : memref<!tpu.dma_semaphore, #tpu.memory_space<semaphore_mem>>)
    } else {
    }
    %eq3A_237 = arith.constant 0 : i32
    %eq3A_238 = arith.cmpi eq, %arg0, %eq3A_237 : i32
    %convert_element_type3A_239 = arith.extui %eq3A_238 : i1 to i32
    %cond3A_240 = arith.constant 0 : i32
    %cond3A_241 = arith.cmpi ne, %convert_element_type3A_239, %cond3A_240 : i32
    scf.if %cond3A_241 {
      %dma_start3A = arith.constant 1 : i32
      %dma_start3A_332 = arith.constant 0 : i32
      %dma_start3A_333 = tpu.memref_slice %arg7[%dma_start3A, %dma_start3A_332] : memref<25x80xi32, #tpu.memory_space<vmem>> -> memref<1x80xi32, #tpu.memory_space<vmem>>
      %dma_start3A_334 = tpu.memref_squeeze %dma_start3A_333 : memref<1x80xi32, #tpu.memory_space<vmem>> -> memref<80xi32, #tpu.memory_space<vmem>>
      %dma_start3A_335 = arith.constant 0 : i32
      %dma_start3A_336 = arith.constant 0 : i32
      %dma_start3A_337 = tpu.memref_slice %arg2[%dma_start3A_335, %dma_start3A_336] : memref<10000x128xf32, #tpu.memory_space<hbm>> -> memref<10000x128xf32, #tpu.memory_space<hbm>>
      tpu.enqueue_indirect_dma source(%dma_start3A_337 : memref<10000x128xf32, #tpu.memory_space<hbm>>) target(%arg10 : memref<80x128xf32, #tpu.memory_space<vmem>>) offsets(%dma_start3A_334 : memref<80xi32, #tpu.memory_space<vmem>>) semaphore(%arg15 : memref<!tpu.dma_semaphore, #tpu.memory_space<semaphore_mem>>)
    } else {
    }
    %eq3A_242 = arith.constant 1 : i32
    %eq3A_243 = arith.cmpi eq, %arg0, %eq3A_242 : i32
    %convert_element_type3A_244 = arith.extui %eq3A_243 : i1 to i32
    %cond3A_245 = arith.constant 0 : i32
    %cond3A_246 = arith.cmpi ne, %convert_element_type3A_244, %cond3A_245 : i32
    scf.if %cond3A_246 {
      %dma_start3A = arith.constant 1 : i32
      %dma_start3A_332 = arith.constant 0 : i32
      %dma_start3A_333 = tpu.memref_slice %arg7[%dma_start3A, %dma_start3A_332] : memref<25x80xi32, #tpu.memory_space<vmem>> -> memref<1x80xi32, #tpu.memory_space<vmem>>
      %dma_start3A_334 = tpu.memref_squeeze %dma_start3A_333 : memref<1x80xi32, #tpu.memory_space<vmem>> -> memref<80xi32, #tpu.memory_space<vmem>>
      %dma_start3A_335 = arith.constant 0 : i32
      %dma_start3A_336 = arith.constant 0 : i32
      %dma_start3A_337 = tpu.memref_slice %arg3[%dma_start3A_335, %dma_start3A_336] : memref<10000x128xf32, #tpu.memory_space<hbm>> -> memref<10000x128xf32, #tpu.memory_space<hbm>>
      tpu.enqueue_indirect_dma source(%dma_start3A_337 : memref<10000x128xf32, #tpu.memory_space<hbm>>) target(%arg10 : memref<80x128xf32, #tpu.memory_space<vmem>>) offsets(%dma_start3A_334 : memref<80xi32, #tpu.memory_space<vmem>>) semaphore(%arg15 : memref<!tpu.dma_semaphore, #tpu.memory_space<semaphore_mem>>)
    } else {
    }
    %eq3A_247 = arith.constant 0 : i32
    %eq3A_248 = arith.cmpi eq, %arg0, %eq3A_247 : i32
    %convert_element_type3A_249 = arith.extui %eq3A_248 : i1 to i32
    %cond3A_250 = arith.constant 0 : i32
    %cond3A_251 = arith.cmpi ne, %convert_element_type3A_249, %cond3A_250 : i32
    scf.if %cond3A_251 {
      %dma_start3A = arith.constant 2 : i32
      %dma_start3A_332 = arith.constant 0 : i32
      %dma_start3A_333 = tpu.memref_slice %arg7[%dma_start3A, %dma_start3A_332] : memref<25x80xi32, #tpu.memory_space<vmem>> -> memref<1x80xi32, #tpu.memory_space<vmem>>
      %dma_start3A_334 = tpu.memref_squeeze %dma_start3A_333 : memref<1x80xi32, #tpu.memory_space<vmem>> -> memref<80xi32, #tpu.memory_space<vmem>>
      %dma_start3A_335 = arith.constant 0 : i32
      %dma_start3A_336 = arith.constant 0 : i32
      %dma_start3A_337 = tpu.memref_slice %arg2[%dma_start3A_335, %dma_start3A_336] : memref<10000x128xf32, #tpu.memory_space<hbm>> -> memref<10000x128xf32, #tpu.memory_space<hbm>>
      tpu.enqueue_indirect_dma source(%dma_start3A_337 : memref<10000x128xf32, #tpu.memory_space<hbm>>) target(%arg11 : memref<80x128xf32, #tpu.memory_space<vmem>>) offsets(%dma_start3A_334 : memref<80xi32, #tpu.memory_space<vmem>>) semaphore(%arg16 : memref<!tpu.dma_semaphore, #tpu.memory_space<semaphore_mem>>)
    } else {
    }
    %eq3A_252 = arith.constant 1 : i32
    %eq3A_253 = arith.cmpi eq, %arg0, %eq3A_252 : i32
    %convert_element_type3A_254 = arith.extui %eq3A_253 : i1 to i32
    %cond3A_255 = arith.constant 0 : i32
    %cond3A_256 = arith.cmpi ne, %convert_element_type3A_254, %cond3A_255 : i32
    scf.if %cond3A_256 {
      %dma_start3A = arith.constant 2 : i32
      %dma_start3A_332 = arith.constant 0 : i32
      %dma_start3A_333 = tpu.memref_slice %arg7[%dma_start3A, %dma_start3A_332] : memref<25x80xi32, #tpu.memory_space<vmem>> -> memref<1x80xi32, #tpu.memory_space<vmem>>
      %dma_start3A_334 = tpu.memref_squeeze %dma_start3A_333 : memref<1x80xi32, #tpu.memory_space<vmem>> -> memref<80xi32, #tpu.memory_space<vmem>>
      %dma_start3A_335 = arith.constant 0 : i32
      %dma_start3A_336 = arith.constant 0 : i32
      %dma_start3A_337 = tpu.memref_slice %arg3[%dma_start3A_335, %dma_start3A_336] : memref<10000x128xf32, #tpu.memory_space<hbm>> -> memref<10000x128xf32, #tpu.memory_space<hbm>>
      tpu.enqueue_indirect_dma source(%dma_start3A_337 : memref<10000x128xf32, #tpu.memory_space<hbm>>) target(%arg11 : memref<80x128xf32, #tpu.memory_space<vmem>>) offsets(%dma_start3A_334 : memref<80xi32, #tpu.memory_space<vmem>>) semaphore(%arg16 : memref<!tpu.dma_semaphore, #tpu.memory_space<semaphore_mem>>)
    } else {
    }
    %scan3A_257 = arith.constant 0 : i32
    %scan3A_258 = arith.constant 0 : i32
    %scan3A_259 = arith.constant 8 : i32
    %scan3A_260 = arith.addi %scan3A_258, %scan3A_259 : i32
    %scan3A_261 = arith.constant 1 : i32
    scf.for %scan3A_332 = %scan3A_258 to %scan3A_260 step %scan3A_261  : i32 {
      %mul3A_333 = arith.constant 3 : i32
      %mul3A_334 = arith.muli %mul3A_333, %scan3A_332 : i32
      %add3A_335 = arith.constant 0 : i32
      %add3A_336 = arith.addi %mul3A_334, %add3A_335 : i32
      %dma_wait3A_337 = arith.constant 0 : i32
      %dma_wait3A_338 = arith.constant 0 : i32
      %dma_wait3A_339 = tpu.memref_slice %arg7[%dma_wait3A_337, %dma_wait3A_338] : memref<25x80xi32, #tpu.memory_space<vmem>> -> memref<1x80xi32, #tpu.memory_space<vmem>>
      %dma_wait3A_340 = tpu.memref_squeeze %dma_wait3A_339 : memref<1x80xi32, #tpu.memory_space<vmem>> -> memref<80xi32, #tpu.memory_space<vmem>>
      %dma_wait3A_341 = arith.constant 0 : i32
      %dma_wait3A_342 = arith.constant 0 : i32
      %dma_wait3A_343 = tpu.memref_slice %arg2[%dma_wait3A_341, %dma_wait3A_342] : memref<10000x128xf32, #tpu.memory_space<hbm>> -> memref<10000x128xf32, #tpu.memory_space<hbm>>
      tpu.wait_indirect_dma semaphore(%arg14 : memref<!tpu.dma_semaphore, #tpu.memory_space<semaphore_mem>>) src(%dma_wait3A_343 : memref<10000x128xf32, #tpu.memory_space<hbm>>) dst(%arg9 : memref<80x128xf32, #tpu.memory_space<vmem>>)
      "tpu.region"() ({
        %run_scoped3A_386 = tpu.sem_alloc : memref<!tpu.dma_semaphore, #tpu.memory_space<semaphore_mem>>
        %dma_start3A = arith.constant 0 : i32
        %dma_start3A_387 = tpu.memref_slice %arg8[%add3A_336, %dma_start3A] : memref<25x80xi32, #tpu.memory_space<vmem>> -> memref<1x80xi32, #tpu.memory_space<vmem>>
        %dma_start3A_388 = tpu.memref_squeeze %dma_start3A_387 : memref<1x80xi32, #tpu.memory_space<vmem>> -> memref<80xi32, #tpu.memory_space<vmem>>
        %dma_start3A_389 = arith.constant 0 : i32
        %dma_start3A_390 = arith.constant 0 : i32
        %dma_start3A_391 = tpu.memref_slice %arg13[%dma_start3A_389, %dma_start3A_390] : memref<10112x128xf32, #tpu.memory_space<vmem_shared>> -> memref<10112x128xf32, #tpu.memory_space<vmem_shared>>
        tpu.enqueue_indirect_dma source(%arg9 : memref<80x128xf32, #tpu.memory_space<vmem>>) target(%dma_start3A_391 : memref<10112x128xf32, #tpu.memory_space<vmem_shared>>) offsets(%dma_start3A_388 : memref<80xi32, #tpu.memory_space<vmem>>) semaphore(%run_scoped3A_386 : memref<!tpu.dma_semaphore, #tpu.memory_space<semaphore_mem>>) {add = true}
        %dma_wait3A_392 = arith.constant 0 : i32
        %dma_wait3A_393 = tpu.memref_slice %arg8[%add3A_336, %dma_wait3A_392] : memref<25x80xi32, #tpu.memory_space<vmem>> -> memref<1x80xi32, #tpu.memory_space<vmem>>
        %dma_wait3A_394 = tpu.memref_squeeze %dma_wait3A_393 : memref<1x80xi32, #tpu.memory_space<vmem>> -> memref<80xi32, #tpu.memory_space<vmem>>
        %dma_wait3A_395 = arith.constant 0 : i32
        %dma_wait3A_396 = arith.constant 0 : i32
        %dma_wait3A_397 = tpu.memref_slice %arg13[%dma_wait3A_395, %dma_wait3A_396] : memref<10112x128xf32, #tpu.memory_space<vmem_shared>> -> memref<10112x128xf32, #tpu.memory_space<vmem_shared>>
        tpu.wait_indirect_dma semaphore(%run_scoped3A_386 : memref<!tpu.dma_semaphore, #tpu.memory_space<semaphore_mem>>) src(%arg9 : memref<80x128xf32, #tpu.memory_space<vmem>>) dst(%dma_wait3A_397 : memref<10112x128xf32, #tpu.memory_space<vmem_shared>>)
        tpu.yield
      }) : () -> ()
      %add3A_344 = arith.constant 3 : i32
      %add3A_345 = arith.addi %add3A_336, %add3A_344 : i32
      %lt3A = arith.constant 25 : i32
      %lt3A_346 = arith.cmpi slt, %add3A_345, %lt3A : i32
      %convert_element_type3A_347 = arith.extui %lt3A_346 : i1 to i32
      %cond3A_348 = arith.constant 0 : i32
      %cond3A_349 = arith.cmpi ne, %convert_element_type3A_347, %cond3A_348 : i32
      scf.if %cond3A_349 {
        %add3A_386 = arith.constant 3 : i32
        %add3A_387 = arith.addi %add3A_336, %add3A_386 : i32
        %eq3A_388 = arith.constant 0 : i32
        %eq3A_389 = arith.cmpi eq, %arg0, %eq3A_388 : i32
        %convert_element_type3A_390 = arith.extui %eq3A_389 : i1 to i32
        %cond3A_391 = arith.constant 0 : i32
        %cond3A_392 = arith.cmpi ne, %convert_element_type3A_390, %cond3A_391 : i32
        scf.if %cond3A_392 {
          %dma_start3A = arith.constant 0 : i32
          %dma_start3A_398 = tpu.memref_slice %arg7[%add3A_387, %dma_start3A] : memref<25x80xi32, #tpu.memory_space<vmem>> -> memref<1x80xi32, #tpu.memory_space<vmem>>
          %dma_start3A_399 = tpu.memref_squeeze %dma_start3A_398 : memref<1x80xi32, #tpu.memory_space<vmem>> -> memref<80xi32, #tpu.memory_space<vmem>>
          %dma_start3A_400 = arith.constant 0 : i32
          %dma_start3A_401 = arith.constant 0 : i32
          %dma_start3A_402 = tpu.memref_slice %arg2[%dma_start3A_400, %dma_start3A_401] : memref<10000x128xf32, #tpu.memory_space<hbm>> -> memref<10000x128xf32, #tpu.memory_space<hbm>>
          tpu.enqueue_indirect_dma source(%dma_start3A_402 : memref<10000x128xf32, #tpu.memory_space<hbm>>) target(%arg9 : memref<80x128xf32, #tpu.memory_space<vmem>>) offsets(%dma_start3A_399 : memref<80xi32, #tpu.memory_space<vmem>>) semaphore(%arg14 : memref<!tpu.dma_semaphore, #tpu.memory_space<semaphore_mem>>)
        } else {
        }
        %eq3A_393 = arith.constant 1 : i32
        %eq3A_394 = arith.cmpi eq, %arg0, %eq3A_393 : i32
        %convert_element_type3A_395 = arith.extui %eq3A_394 : i1 to i32
        %cond3A_396 = arith.constant 0 : i32
        %cond3A_397 = arith.cmpi ne, %convert_element_type3A_395, %cond3A_396 : i32
        scf.if %cond3A_397 {
          %dma_start3A = arith.constant 0 : i32
          %dma_start3A_398 = tpu.memref_slice %arg7[%add3A_387, %dma_start3A] : memref<25x80xi32, #tpu.memory_space<vmem>> -> memref<1x80xi32, #tpu.memory_space<vmem>>
          %dma_start3A_399 = tpu.memref_squeeze %dma_start3A_398 : memref<1x80xi32, #tpu.memory_space<vmem>> -> memref<80xi32, #tpu.memory_space<vmem>>
          %dma_start3A_400 = arith.constant 0 : i32
          %dma_start3A_401 = arith.constant 0 : i32
          %dma_start3A_402 = tpu.memref_slice %arg3[%dma_start3A_400, %dma_start3A_401] : memref<10000x128xf32, #tpu.memory_space<hbm>> -> memref<10000x128xf32, #tpu.memory_space<hbm>>
          tpu.enqueue_indirect_dma source(%dma_start3A_402 : memref<10000x128xf32, #tpu.memory_space<hbm>>) target(%arg9 : memref<80x128xf32, #tpu.memory_space<vmem>>) offsets(%dma_start3A_399 : memref<80xi32, #tpu.memory_space<vmem>>) semaphore(%arg14 : memref<!tpu.dma_semaphore, #tpu.memory_space<semaphore_mem>>)
        } else {
        }
      } else {
      }
      %mul3A_350 = arith.constant 3 : i32
      %mul3A_351 = arith.muli %mul3A_350, %scan3A_332 : i32
      %add3A_352 = arith.constant 1 : i32
      %add3A_353 = arith.addi %mul3A_351, %add3A_352 : i32
      %dma_wait3A_354 = arith.constant 0 : i32
      %dma_wait3A_355 = arith.constant 0 : i32
      %dma_wait3A_356 = tpu.memref_slice %arg7[%dma_wait3A_354, %dma_wait3A_355] : memref<25x80xi32, #tpu.memory_space<vmem>> -> memref<1x80xi32, #tpu.memory_space<vmem>>
      %dma_wait3A_357 = tpu.memref_squeeze %dma_wait3A_356 : memref<1x80xi32, #tpu.memory_space<vmem>> -> memref<80xi32, #tpu.memory_space<vmem>>
      %dma_wait3A_358 = arith.constant 0 : i32
      %dma_wait3A_359 = arith.constant 0 : i32
      %dma_wait3A_360 = tpu.memref_slice %arg2[%dma_wait3A_358, %dma_wait3A_359] : memref<10000x128xf32, #tpu.memory_space<hbm>> -> memref<10000x128xf32, #tpu.memory_space<hbm>>
      tpu.wait_indirect_dma semaphore(%arg15 : memref<!tpu.dma_semaphore, #tpu.memory_space<semaphore_mem>>) src(%dma_wait3A_360 : memref<10000x128xf32, #tpu.memory_space<hbm>>) dst(%arg10 : memref<80x128xf32, #tpu.memory_space<vmem>>)
      "tpu.region"() ({
        %run_scoped3A_386 = tpu.sem_alloc : memref<!tpu.dma_semaphore, #tpu.memory_space<semaphore_mem>>
        %dma_start3A = arith.constant 0 : i32
        %dma_start3A_387 = tpu.memref_slice %arg8[%add3A_353, %dma_start3A] : memref<25x80xi32, #tpu.memory_space<vmem>> -> memref<1x80xi32, #tpu.memory_space<vmem>>
        %dma_start3A_388 = tpu.memref_squeeze %dma_start3A_387 : memref<1x80xi32, #tpu.memory_space<vmem>> -> memref<80xi32, #tpu.memory_space<vmem>>
        %dma_start3A_389 = arith.constant 0 : i32
        %dma_start3A_390 = arith.constant 0 : i32
        %dma_start3A_391 = tpu.memref_slice %arg13[%dma_start3A_389, %dma_start3A_390] : memref<10112x128xf32, #tpu.memory_space<vmem_shared>> -> memref<10112x128xf32, #tpu.memory_space<vmem_shared>>
        tpu.enqueue_indirect_dma source(%arg10 : memref<80x128xf32, #tpu.memory_space<vmem>>) target(%dma_start3A_391 : memref<10112x128xf32, #tpu.memory_space<vmem_shared>>) offsets(%dma_start3A_388 : memref<80xi32, #tpu.memory_space<vmem>>) semaphore(%run_scoped3A_386 : memref<!tpu.dma_semaphore, #tpu.memory_space<semaphore_mem>>) {add = true}
        %dma_wait3A_392 = arith.constant 0 : i32
        %dma_wait3A_393 = tpu.memref_slice %arg8[%add3A_353, %dma_wait3A_392] : memref<25x80xi32, #tpu.memory_space<vmem>> -> memref<1x80xi32, #tpu.memory_space<vmem>>
        %dma_wait3A_394 = tpu.memref_squeeze %dma_wait3A_393 : memref<1x80xi32, #tpu.memory_space<vmem>> -> memref<80xi32, #tpu.memory_space<vmem>>
        %dma_wait3A_395 = arith.constant 0 : i32
        %dma_wait3A_396 = arith.constant 0 : i32
        %dma_wait3A_397 = tpu.memref_slice %arg13[%dma_wait3A_395, %dma_wait3A_396] : memref<10112x128xf32, #tpu.memory_space<vmem_shared>> -> memref<10112x128xf32, #tpu.memory_space<vmem_shared>>
        tpu.wait_indirect_dma semaphore(%run_scoped3A_386 : memref<!tpu.dma_semaphore, #tpu.memory_space<semaphore_mem>>) src(%arg10 : memref<80x128xf32, #tpu.memory_space<vmem>>) dst(%dma_wait3A_397 : memref<10112x128xf32, #tpu.memory_space<vmem_shared>>)
        tpu.yield
      }) : () -> ()
      %add3A_361 = arith.constant 3 : i32
      %add3A_362 = arith.addi %add3A_353, %add3A_361 : i32
      %lt3A_363 = arith.constant 25 : i32
      %lt3A_364 = arith.cmpi slt, %add3A_362, %lt3A_363 : i32
      %convert_element_type3A_365 = arith.extui %lt3A_364 : i1 to i32
      %cond3A_366 = arith.constant 0 : i32
      %cond3A_367 = arith.cmpi ne, %convert_element_type3A_365, %cond3A_366 : i32
      scf.if %cond3A_367 {
        %add3A_386 = arith.constant 3 : i32
        %add3A_387 = arith.addi %add3A_353, %add3A_386 : i32
        %eq3A_388 = arith.constant 0 : i32
        %eq3A_389 = arith.cmpi eq, %arg0, %eq3A_388 : i32
        %convert_element_type3A_390 = arith.extui %eq3A_389 : i1 to i32
        %cond3A_391 = arith.constant 0 : i32
        %cond3A_392 = arith.cmpi ne, %convert_element_type3A_390, %cond3A_391 : i32
        scf.if %cond3A_392 {
          %dma_start3A = arith.constant 0 : i32
          %dma_start3A_398 = tpu.memref_slice %arg7[%add3A_387, %dma_start3A] : memref<25x80xi32, #tpu.memory_space<vmem>> -> memref<1x80xi32, #tpu.memory_space<vmem>>
          %dma_start3A_399 = tpu.memref_squeeze %dma_start3A_398 : memref<1x80xi32, #tpu.memory_space<vmem>> -> memref<80xi32, #tpu.memory_space<vmem>>
          %dma_start3A_400 = arith.constant 0 : i32
          %dma_start3A_401 = arith.constant 0 : i32
          %dma_start3A_402 = tpu.memref_slice %arg2[%dma_start3A_400, %dma_start3A_401] : memref<10000x128xf32, #tpu.memory_space<hbm>> -> memref<10000x128xf32, #tpu.memory_space<hbm>>
          tpu.enqueue_indirect_dma source(%dma_start3A_402 : memref<10000x128xf32, #tpu.memory_space<hbm>>) target(%arg10 : memref<80x128xf32, #tpu.memory_space<vmem>>) offsets(%dma_start3A_399 : memref<80xi32, #tpu.memory_space<vmem>>) semaphore(%arg15 : memref<!tpu.dma_semaphore, #tpu.memory_space<semaphore_mem>>)
        } else {
        }
        %eq3A_393 = arith.constant 1 : i32
        %eq3A_394 = arith.cmpi eq, %arg0, %eq3A_393 : i32
        %convert_element_type3A_395 = arith.extui %eq3A_394 : i1 to i32
        %cond3A_396 = arith.constant 0 : i32
        %cond3A_397 = arith.cmpi ne, %convert_element_type3A_395, %cond3A_396 : i32
        scf.if %cond3A_397 {
          %dma_start3A = arith.constant 0 : i32
          %dma_start3A_398 = tpu.memref_slice %arg7[%add3A_387, %dma_start3A] : memref<25x80xi32, #tpu.memory_space<vmem>> -> memref<1x80xi32, #tpu.memory_space<vmem>>
          %dma_start3A_399 = tpu.memref_squeeze %dma_start3A_398 : memref<1x80xi32, #tpu.memory_space<vmem>> -> memref<80xi32, #tpu.memory_space<vmem>>
          %dma_start3A_400 = arith.constant 0 : i32
          %dma_start3A_401 = arith.constant 0 : i32
          %dma_start3A_402 = tpu.memref_slice %arg3[%dma_start3A_400, %dma_start3A_401] : memref<10000x128xf32, #tpu.memory_space<hbm>> -> memref<10000x128xf32, #tpu.memory_space<hbm>>
          tpu.enqueue_indirect_dma source(%dma_start3A_402 : memref<10000x128xf32, #tpu.memory_space<hbm>>) target(%arg10 : memref<80x128xf32, #tpu.memory_space<vmem>>) offsets(%dma_start3A_399 : memref<80xi32, #tpu.memory_space<vmem>>) semaphore(%arg15 : memref<!tpu.dma_semaphore, #tpu.memory_space<semaphore_mem>>)
        } else {
        }
      } else {
      }
      %mul3A_368 = arith.constant 3 : i32
      %mul3A_369 = arith.muli %mul3A_368, %scan3A_332 : i32
      %add3A_370 = arith.constant 2 : i32
      %add3A_371 = arith.addi %mul3A_369, %add3A_370 : i32
      %dma_wait3A_372 = arith.constant 0 : i32
      %dma_wait3A_373 = arith.constant 0 : i32
      %dma_wait3A_374 = tpu.memref_slice %arg7[%dma_wait3A_372, %dma_wait3A_373] : memref<25x80xi32, #tpu.memory_space<vmem>> -> memref<1x80xi32, #tpu.memory_space<vmem>>
      %dma_wait3A_375 = tpu.memref_squeeze %dma_wait3A_374 : memref<1x80xi32, #tpu.memory_space<vmem>> -> memref<80xi32, #tpu.memory_space<vmem>>
      %dma_wait3A_376 = arith.constant 0 : i32
      %dma_wait3A_377 = arith.constant 0 : i32
      %dma_wait3A_378 = tpu.memref_slice %arg2[%dma_wait3A_376, %dma_wait3A_377] : memref<10000x128xf32, #tpu.memory_space<hbm>> -> memref<10000x128xf32, #tpu.memory_space<hbm>>
      tpu.wait_indirect_dma semaphore(%arg16 : memref<!tpu.dma_semaphore, #tpu.memory_space<semaphore_mem>>) src(%dma_wait3A_378 : memref<10000x128xf32, #tpu.memory_space<hbm>>) dst(%arg11 : memref<80x128xf32, #tpu.memory_space<vmem>>)
      "tpu.region"() ({
        %run_scoped3A_386 = tpu.sem_alloc : memref<!tpu.dma_semaphore, #tpu.memory_space<semaphore_mem>>
        %dma_start3A = arith.constant 0 : i32
        %dma_start3A_387 = tpu.memref_slice %arg8[%add3A_371, %dma_start3A] : memref<25x80xi32, #tpu.memory_space<vmem>> -> memref<1x80xi32, #tpu.memory_space<vmem>>
        %dma_start3A_388 = tpu.memref_squeeze %dma_start3A_387 : memref<1x80xi32, #tpu.memory_space<vmem>> -> memref<80xi32, #tpu.memory_space<vmem>>
        %dma_start3A_389 = arith.constant 0 : i32
        %dma_start3A_390 = arith.constant 0 : i32
        %dma_start3A_391 = tpu.memref_slice %arg13[%dma_start3A_389, %dma_start3A_390] : memref<10112x128xf32, #tpu.memory_space<vmem_shared>> -> memref<10112x128xf32, #tpu.memory_space<vmem_shared>>
        tpu.enqueue_indirect_dma source(%arg11 : memref<80x128xf32, #tpu.memory_space<vmem>>) target(%dma_start3A_391 : memref<10112x128xf32, #tpu.memory_space<vmem_shared>>) offsets(%dma_start3A_388 : memref<80xi32, #tpu.memory_space<vmem>>) semaphore(%run_scoped3A_386 : memref<!tpu.dma_semaphore, #tpu.memory_space<semaphore_mem>>) {add = true}
        %dma_wait3A_392 = arith.constant 0 : i32
        %dma_wait3A_393 = tpu.memref_slice %arg8[%add3A_371, %dma_wait3A_392] : memref<25x80xi32, #tpu.memory_space<vmem>> -> memref<1x80xi32, #tpu.memory_space<vmem>>
        %dma_wait3A_394 = tpu.memref_squeeze %dma_wait3A_393 : memref<1x80xi32, #tpu.memory_space<vmem>> -> memref<80xi32, #tpu.memory_space<vmem>>
        %dma_wait3A_395 = arith.constant 0 : i32
        %dma_wait3A_396 = arith.constant 0 : i32
        %dma_wait3A_397 = tpu.memref_slice %arg13[%dma_wait3A_395, %dma_wait3A_396] : memref<10112x128xf32, #tpu.memory_space<vmem_shared>> -> memref<10112x128xf32, #tpu.memory_space<vmem_shared>>
        tpu.wait_indirect_dma semaphore(%run_scoped3A_386 : memref<!tpu.dma_semaphore, #tpu.memory_space<semaphore_mem>>) src(%arg11 : memref<80x128xf32, #tpu.memory_space<vmem>>) dst(%dma_wait3A_397 : memref<10112x128xf32, #tpu.memory_space<vmem_shared>>)
        tpu.yield
      }) : () -> ()
      %add3A_379 = arith.constant 3 : i32
      %add3A_380 = arith.addi %add3A_371, %add3A_379 : i32
      %lt3A_381 = arith.constant 25 : i32
      %lt3A_382 = arith.cmpi slt, %add3A_380, %lt3A_381 : i32
      %convert_element_type3A_383 = arith.extui %lt3A_382 : i1 to i32
      %cond3A_384 = arith.constant 0 : i32
      %cond3A_385 = arith.cmpi ne, %convert_element_type3A_383, %cond3A_384 : i32
      scf.if %cond3A_385 {
        %add3A_386 = arith.constant 3 : i32
        %add3A_387 = arith.addi %add3A_371, %add3A_386 : i32
        %eq3A_388 = arith.constant 0 : i32
        %eq3A_389 = arith.cmpi eq, %arg0, %eq3A_388 : i32
        %convert_element_type3A_390 = arith.extui %eq3A_389 : i1 to i32
        %cond3A_391 = arith.constant 0 : i32
        %cond3A_392 = arith.cmpi ne, %convert_element_type3A_390, %cond3A_391 : i32
        scf.if %cond3A_392 {
          %dma_start3A = arith.constant 0 : i32
          %dma_start3A_398 = tpu.memref_slice %arg7[%add3A_387, %dma_start3A] : memref<25x80xi32, #tpu.memory_space<vmem>> -> memref<1x80xi32, #tpu.memory_space<vmem>>
          %dma_start3A_399 = tpu.memref_squeeze %dma_start3A_398 : memref<1x80xi32, #tpu.memory_space<vmem>> -> memref<80xi32, #tpu.memory_space<vmem>>
          %dma_start3A_400 = arith.constant 0 : i32
          %dma_start3A_401 = arith.constant 0 : i32
          %dma_start3A_402 = tpu.memref_slice %arg2[%dma_start3A_400, %dma_start3A_401] : memref<10000x128xf32, #tpu.memory_space<hbm>> -> memref<10000x128xf32, #tpu.memory_space<hbm>>
          tpu.enqueue_indirect_dma source(%dma_start3A_402 : memref<10000x128xf32, #tpu.memory_space<hbm>>) target(%arg11 : memref<80x128xf32, #tpu.memory_space<vmem>>) offsets(%dma_start3A_399 : memref<80xi32, #tpu.memory_space<vmem>>) semaphore(%arg16 : memref<!tpu.dma_semaphore, #tpu.memory_space<semaphore_mem>>)
        } else {
        }
        %eq3A_393 = arith.constant 1 : i32
        %eq3A_394 = arith.cmpi eq, %arg0, %eq3A_393 : i32
        %convert_element_type3A_395 = arith.extui %eq3A_394 : i1 to i32
        %cond3A_396 = arith.constant 0 : i32
        %cond3A_397 = arith.cmpi ne, %convert_element_type3A_395, %cond3A_396 : i32
        scf.if %cond3A_397 {
          %dma_start3A = arith.constant 0 : i32
          %dma_start3A_398 = tpu.memref_slice %arg7[%add3A_387, %dma_start3A] : memref<25x80xi32, #tpu.memory_space<vmem>> -> memref<1x80xi32, #tpu.memory_space<vmem>>
          %dma_start3A_399 = tpu.memref_squeeze %dma_start3A_398 : memref<1x80xi32, #tpu.memory_space<vmem>> -> memref<80xi32, #tpu.memory_space<vmem>>
          %dma_start3A_400 = arith.constant 0 : i32
          %dma_start3A_401 = arith.constant 0 : i32
          %dma_start3A_402 = tpu.memref_slice %arg3[%dma_start3A_400, %dma_start3A_401] : memref<10000x128xf32, #tpu.memory_space<hbm>> -> memref<10000x128xf32, #tpu.memory_space<hbm>>
          tpu.enqueue_indirect_dma source(%dma_start3A_402 : memref<10000x128xf32, #tpu.memory_space<hbm>>) target(%arg11 : memref<80x128xf32, #tpu.memory_space<vmem>>) offsets(%dma_start3A_399 : memref<80xi32, #tpu.memory_space<vmem>>) semaphore(%arg16 : memref<!tpu.dma_semaphore, #tpu.memory_space<semaphore_mem>>)
        } else {
        }
      } else {
      }
    }
    %scan3A_262 = arith.constant 8 : i32
    %dma_wait3A_263 = arith.constant 0 : i32
    %dma_wait3A_264 = arith.constant 0 : i32
    %dma_wait3A_265 = tpu.memref_slice %arg7[%dma_wait3A_263, %dma_wait3A_264] : memref<25x80xi32, #tpu.memory_space<vmem>> -> memref<1x80xi32, #tpu.memory_space<vmem>>
    %dma_wait3A_266 = tpu.memref_squeeze %dma_wait3A_265 : memref<1x80xi32, #tpu.memory_space<vmem>> -> memref<80xi32, #tpu.memory_space<vmem>>
    %dma_wait3A_267 = arith.constant 0 : i32
    %dma_wait3A_268 = arith.constant 0 : i32
    %dma_wait3A_269 = tpu.memref_slice %arg2[%dma_wait3A_267, %dma_wait3A_268] : memref<10000x128xf32, #tpu.memory_space<hbm>> -> memref<10000x128xf32, #tpu.memory_space<hbm>>
    tpu.wait_indirect_dma semaphore(%arg14 : memref<!tpu.dma_semaphore, #tpu.memory_space<semaphore_mem>>) src(%dma_wait3A_269 : memref<10000x128xf32, #tpu.memory_space<hbm>>) dst(%arg9 : memref<80x128xf32, #tpu.memory_space<vmem>>)
    %run_scoped3A_270 = arith.constant 24 : i32
    "tpu.region"() ({
      %run_scoped3A_332 = tpu.sem_alloc : memref<!tpu.dma_semaphore, #tpu.memory_space<semaphore_mem>>
      %dma_start3A = arith.constant 0 : i32
      %dma_start3A_333 = tpu.memref_slice %arg8[%run_scoped3A_270, %dma_start3A] : memref<25x80xi32, #tpu.memory_space<vmem>> -> memref<1x80xi32, #tpu.memory_space<vmem>>
      %dma_start3A_334 = tpu.memref_squeeze %dma_start3A_333 : memref<1x80xi32, #tpu.memory_space<vmem>> -> memref<80xi32, #tpu.memory_space<vmem>>
      %dma_start3A_335 = arith.constant 0 : i32
      %dma_start3A_336 = arith.constant 0 : i32
      %dma_start3A_337 = tpu.memref_slice %arg13[%dma_start3A_335, %dma_start3A_336] : memref<10112x128xf32, #tpu.memory_space<vmem_shared>> -> memref<10112x128xf32, #tpu.memory_space<vmem_shared>>
      tpu.enqueue_indirect_dma source(%arg9 : memref<80x128xf32, #tpu.memory_space<vmem>>) target(%dma_start3A_337 : memref<10112x128xf32, #tpu.memory_space<vmem_shared>>) offsets(%dma_start3A_334 : memref<80xi32, #tpu.memory_space<vmem>>) semaphore(%run_scoped3A_332 : memref<!tpu.dma_semaphore, #tpu.memory_space<semaphore_mem>>) {add = true}
      %dma_wait3A_338 = arith.constant 0 : i32
      %dma_wait3A_339 = tpu.memref_slice %arg8[%run_scoped3A_270, %dma_wait3A_338] : memref<25x80xi32, #tpu.memory_space<vmem>> -> memref<1x80xi32, #tpu.memory_space<vmem>>
      %dma_wait3A_340 = tpu.memref_squeeze %dma_wait3A_339 : memref<1x80xi32, #tpu.memory_space<vmem>> -> memref<80xi32, #tpu.memory_space<vmem>>
      %dma_wait3A_341 = arith.constant 0 : i32
      %dma_wait3A_342 = arith.constant 0 : i32
      %dma_wait3A_343 = tpu.memref_slice %arg13[%dma_wait3A_341, %dma_wait3A_342] : memref<10112x128xf32, #tpu.memory_space<vmem_shared>> -> memref<10112x128xf32, #tpu.memory_space<vmem_shared>>
      tpu.wait_indirect_dma semaphore(%run_scoped3A_332 : memref<!tpu.dma_semaphore, #tpu.memory_space<semaphore_mem>>) src(%arg9 : memref<80x128xf32, #tpu.memory_space<vmem>>) dst(%dma_wait3A_343 : memref<10112x128xf32, #tpu.memory_space<vmem_shared>>)
      tpu.yield
    }) : () -> ()
    %run_scoped3A_271 = arith.constant 0 : i32
    %run_scoped3A_272 = arith.constant 4 : i32
    "tpu.region"() ({
      %run_scoped3A_332 = tpu.sem_alloc : memref<!tpu.dma_semaphore, #tpu.memory_space<semaphore_mem>>
      %dma_start3A = arith.constant 0 : i32
      %dma_start3A_333 = arith.constant 0 : i32
      %dma_start3A_334 = tpu.memref_slice %arg4[%run_scoped3A_271, %arg1, %run_scoped3A_272, %dma_start3A, %dma_start3A_333] : memref<2x16x5x25x80xi32, #tpu.memory_space<hbm>> -> memref<1x1x1x25x80xi32, #tpu.memory_space<hbm>>
      %dma_start3A_335 = tpu.memref_squeeze %dma_start3A_334 : memref<1x1x1x25x80xi32, #tpu.memory_space<hbm>> -> memref<25x80xi32, #tpu.memory_space<hbm>>
      %dma_start3A_336 = arith.constant 0 : i32
      %dma_start3A_337 = arith.constant 0 : i32
      %dma_start3A_338 = tpu.memref_slice %arg4[%run_scoped3A_271, %arg1, %run_scoped3A_272, %dma_start3A_336, %dma_start3A_337] : memref<2x16x5x25x80xi32, #tpu.memory_space<hbm>> -> memref<1x1x1x25x80xi32, #tpu.memory_space<hbm>>
      %dma_start3A_339 = tpu.memref_squeeze %dma_start3A_338 : memref<1x1x1x25x80xi32, #tpu.memory_space<hbm>> -> memref<25x80xi32, #tpu.memory_space<hbm>>
      tpu.enqueue_dma source(%dma_start3A_339 : memref<25x80xi32, #tpu.memory_space<hbm>>) target(%arg7 : memref<25x80xi32, #tpu.memory_space<vmem>>) target_semaphore(%run_scoped3A_332 : memref<!tpu.dma_semaphore, #tpu.memory_space<semaphore_mem>>)
      %dma_wait3A_340 = arith.constant 0 : i32
      %dma_wait3A_341 = arith.constant 0 : i32
      %dma_wait3A_342 = tpu.memref_slice %arg4[%run_scoped3A_271, %arg1, %run_scoped3A_272, %dma_wait3A_340, %dma_wait3A_341] : memref<2x16x5x25x80xi32, #tpu.memory_space<hbm>> -> memref<1x1x1x25x80xi32, #tpu.memory_space<hbm>>
      %dma_wait3A_343 = tpu.memref_squeeze %dma_wait3A_342 : memref<1x1x1x25x80xi32, #tpu.memory_space<hbm>> -> memref<25x80xi32, #tpu.memory_space<hbm>>
      %dma_wait3A_344 = arith.constant 0 : i32
      %dma_wait3A_345 = arith.constant 0 : i32
      %dma_wait3A_346 = tpu.memref_slice %arg4[%run_scoped3A_271, %arg1, %run_scoped3A_272, %dma_wait3A_344, %dma_wait3A_345] : memref<2x16x5x25x80xi32, #tpu.memory_space<hbm>> -> memref<1x1x1x25x80xi32, #tpu.memory_space<hbm>>
      %dma_wait3A_347 = tpu.memref_squeeze %dma_wait3A_346 : memref<1x1x1x25x80xi32, #tpu.memory_space<hbm>> -> memref<25x80xi32, #tpu.memory_space<hbm>>
      tpu.wait_dma2 semaphore(%run_scoped3A_332 : memref<!tpu.dma_semaphore, #tpu.memory_space<semaphore_mem>>) src(%dma_wait3A_347 : memref<25x80xi32, #tpu.memory_space<hbm>>) dst(%arg7 : memref<25x80xi32, #tpu.memory_space<vmem>>)
      tpu.yield
    }) : () -> ()
    %run_scoped3A_273 = arith.constant 1 : i32
    %run_scoped3A_274 = arith.constant 4 : i32
    "tpu.region"() ({
      %run_scoped3A_332 = tpu.sem_alloc : memref<!tpu.dma_semaphore, #tpu.memory_space<semaphore_mem>>
      %dma_start3A = arith.constant 0 : i32
      %dma_start3A_333 = arith.constant 0 : i32
      %dma_start3A_334 = tpu.memref_slice %arg4[%run_scoped3A_273, %arg1, %run_scoped3A_274, %dma_start3A, %dma_start3A_333] : memref<2x16x5x25x80xi32, #tpu.memory_space<hbm>> -> memref<1x1x1x25x80xi32, #tpu.memory_space<hbm>>
      %dma_start3A_335 = tpu.memref_squeeze %dma_start3A_334 : memref<1x1x1x25x80xi32, #tpu.memory_space<hbm>> -> memref<25x80xi32, #tpu.memory_space<hbm>>
      %dma_start3A_336 = arith.constant 0 : i32
      %dma_start3A_337 = arith.constant 0 : i32
      %dma_start3A_338 = tpu.memref_slice %arg4[%run_scoped3A_273, %arg1, %run_scoped3A_274, %dma_start3A_336, %dma_start3A_337] : memref<2x16x5x25x80xi32, #tpu.memory_space<hbm>> -> memref<1x1x1x25x80xi32, #tpu.memory_space<hbm>>
      %dma_start3A_339 = tpu.memref_squeeze %dma_start3A_338 : memref<1x1x1x25x80xi32, #tpu.memory_space<hbm>> -> memref<25x80xi32, #tpu.memory_space<hbm>>
      tpu.enqueue_dma source(%dma_start3A_339 : memref<25x80xi32, #tpu.memory_space<hbm>>) target(%arg8 : memref<25x80xi32, #tpu.memory_space<vmem>>) target_semaphore(%run_scoped3A_332 : memref<!tpu.dma_semaphore, #tpu.memory_space<semaphore_mem>>)
      %dma_wait3A_340 = arith.constant 0 : i32
      %dma_wait3A_341 = arith.constant 0 : i32
      %dma_wait3A_342 = tpu.memref_slice %arg4[%run_scoped3A_273, %arg1, %run_scoped3A_274, %dma_wait3A_340, %dma_wait3A_341] : memref<2x16x5x25x80xi32, #tpu.memory_space<hbm>> -> memref<1x1x1x25x80xi32, #tpu.memory_space<hbm>>
      %dma_wait3A_343 = tpu.memref_squeeze %dma_wait3A_342 : memref<1x1x1x25x80xi32, #tpu.memory_space<hbm>> -> memref<25x80xi32, #tpu.memory_space<hbm>>
      %dma_wait3A_344 = arith.constant 0 : i32
      %dma_wait3A_345 = arith.constant 0 : i32
      %dma_wait3A_346 = tpu.memref_slice %arg4[%run_scoped3A_273, %arg1, %run_scoped3A_274, %dma_wait3A_344, %dma_wait3A_345] : memref<2x16x5x25x80xi32, #tpu.memory_space<hbm>> -> memref<1x1x1x25x80xi32, #tpu.memory_space<hbm>>
      %dma_wait3A_347 = tpu.memref_squeeze %dma_wait3A_346 : memref<1x1x1x25x80xi32, #tpu.memory_space<hbm>> -> memref<25x80xi32, #tpu.memory_space<hbm>>
      tpu.wait_dma2 semaphore(%run_scoped3A_332 : memref<!tpu.dma_semaphore, #tpu.memory_space<semaphore_mem>>) src(%dma_wait3A_347 : memref<25x80xi32, #tpu.memory_space<hbm>>) dst(%arg8 : memref<25x80xi32, #tpu.memory_space<vmem>>)
      tpu.yield
    }) : () -> ()
    %eq3A_275 = arith.constant 0 : i32
    %eq3A_276 = arith.cmpi eq, %arg0, %eq3A_275 : i32
    %convert_element_type3A_277 = arith.extui %eq3A_276 : i1 to i32
    %cond3A_278 = arith.constant 0 : i32
    %cond3A_279 = arith.cmpi ne, %convert_element_type3A_277, %cond3A_278 : i32
    scf.if %cond3A_279 {
      %dma_start3A = arith.constant 0 : i32
      %dma_start3A_332 = arith.constant 0 : i32
      %dma_start3A_333 = tpu.memref_slice %arg7[%dma_start3A, %dma_start3A_332] : memref<25x80xi32, #tpu.memory_space<vmem>> -> memref<1x80xi32, #tpu.memory_space<vmem>>
      %dma_start3A_334 = tpu.memref_squeeze %dma_start3A_333 : memref<1x80xi32, #tpu.memory_space<vmem>> -> memref<80xi32, #tpu.memory_space<vmem>>
      %dma_start3A_335 = arith.constant 0 : i32
      %dma_start3A_336 = arith.constant 0 : i32
      %dma_start3A_337 = tpu.memref_slice %arg2[%dma_start3A_335, %dma_start3A_336] : memref<10000x128xf32, #tpu.memory_space<hbm>> -> memref<10000x128xf32, #tpu.memory_space<hbm>>
      tpu.enqueue_indirect_dma source(%dma_start3A_337 : memref<10000x128xf32, #tpu.memory_space<hbm>>) target(%arg9 : memref<80x128xf32, #tpu.memory_space<vmem>>) offsets(%dma_start3A_334 : memref<80xi32, #tpu.memory_space<vmem>>) semaphore(%arg14 : memref<!tpu.dma_semaphore, #tpu.memory_space<semaphore_mem>>)
    } else {
    }
    %eq3A_280 = arith.constant 1 : i32
    %eq3A_281 = arith.cmpi eq, %arg0, %eq3A_280 : i32
    %convert_element_type3A_282 = arith.extui %eq3A_281 : i1 to i32
    %cond3A_283 = arith.constant 0 : i32
    %cond3A_284 = arith.cmpi ne, %convert_element_type3A_282, %cond3A_283 : i32
    scf.if %cond3A_284 {
      %dma_start3A = arith.constant 0 : i32
      %dma_start3A_332 = arith.constant 0 : i32
      %dma_start3A_333 = tpu.memref_slice %arg7[%dma_start3A, %dma_start3A_332] : memref<25x80xi32, #tpu.memory_space<vmem>> -> memref<1x80xi32, #tpu.memory_space<vmem>>
      %dma_start3A_334 = tpu.memref_squeeze %dma_start3A_333 : memref<1x80xi32, #tpu.memory_space<vmem>> -> memref<80xi32, #tpu.memory_space<vmem>>
      %dma_start3A_335 = arith.constant 0 : i32
      %dma_start3A_336 = arith.constant 0 : i32
      %dma_start3A_337 = tpu.memref_slice %arg3[%dma_start3A_335, %dma_start3A_336] : memref<10000x128xf32, #tpu.memory_space<hbm>> -> memref<10000x128xf32, #tpu.memory_space<hbm>>
      tpu.enqueue_indirect_dma source(%dma_start3A_337 : memref<10000x128xf32, #tpu.memory_space<hbm>>) target(%arg9 : memref<80x128xf32, #tpu.memory_space<vmem>>) offsets(%dma_start3A_334 : memref<80xi32, #tpu.memory_space<vmem>>) semaphore(%arg14 : memref<!tpu.dma_semaphore, #tpu.memory_space<semaphore_mem>>)
    } else {
    }
    %eq3A_285 = arith.constant 0 : i32
    %eq3A_286 = arith.cmpi eq, %arg0, %eq3A_285 : i32
    %convert_element_type3A_287 = arith.extui %eq3A_286 : i1 to i32
    %cond3A_288 = arith.constant 0 : i32
    %cond3A_289 = arith.cmpi ne, %convert_element_type3A_287, %cond3A_288 : i32
    scf.if %cond3A_289 {
      %dma_start3A = arith.constant 1 : i32
      %dma_start3A_332 = arith.constant 0 : i32
      %dma_start3A_333 = tpu.memref_slice %arg7[%dma_start3A, %dma_start3A_332] : memref<25x80xi32, #tpu.memory_space<vmem>> -> memref<1x80xi32, #tpu.memory_space<vmem>>
      %dma_start3A_334 = tpu.memref_squeeze %dma_start3A_333 : memref<1x80xi32, #tpu.memory_space<vmem>> -> memref<80xi32, #tpu.memory_space<vmem>>
      %dma_start3A_335 = arith.constant 0 : i32
      %dma_start3A_336 = arith.constant 0 : i32
      %dma_start3A_337 = tpu.memref_slice %arg2[%dma_start3A_335, %dma_start3A_336] : memref<10000x128xf32, #tpu.memory_space<hbm>> -> memref<10000x128xf32, #tpu.memory_space<hbm>>
      tpu.enqueue_indirect_dma source(%dma_start3A_337 : memref<10000x128xf32, #tpu.memory_space<hbm>>) target(%arg10 : memref<80x128xf32, #tpu.memory_space<vmem>>) offsets(%dma_start3A_334 : memref<80xi32, #tpu.memory_space<vmem>>) semaphore(%arg15 : memref<!tpu.dma_semaphore, #tpu.memory_space<semaphore_mem>>)
    } else {
    }
    %eq3A_290 = arith.constant 1 : i32
    %eq3A_291 = arith.cmpi eq, %arg0, %eq3A_290 : i32
    %convert_element_type3A_292 = arith.extui %eq3A_291 : i1 to i32
    %cond3A_293 = arith.constant 0 : i32
    %cond3A_294 = arith.cmpi ne, %convert_element_type3A_292, %cond3A_293 : i32
    scf.if %cond3A_294 {
      %dma_start3A = arith.constant 1 : i32
      %dma_start3A_332 = arith.constant 0 : i32
      %dma_start3A_333 = tpu.memref_slice %arg7[%dma_start3A, %dma_start3A_332] : memref<25x80xi32, #tpu.memory_space<vmem>> -> memref<1x80xi32, #tpu.memory_space<vmem>>
      %dma_start3A_334 = tpu.memref_squeeze %dma_start3A_333 : memref<1x80xi32, #tpu.memory_space<vmem>> -> memref<80xi32, #tpu.memory_space<vmem>>
      %dma_start3A_335 = arith.constant 0 : i32
      %dma_start3A_336 = arith.constant 0 : i32
      %dma_start3A_337 = tpu.memref_slice %arg3[%dma_start3A_335, %dma_start3A_336] : memref<10000x128xf32, #tpu.memory_space<hbm>> -> memref<10000x128xf32, #tpu.memory_space<hbm>>
      tpu.enqueue_indirect_dma source(%dma_start3A_337 : memref<10000x128xf32, #tpu.memory_space<hbm>>) target(%arg10 : memref<80x128xf32, #tpu.memory_space<vmem>>) offsets(%dma_start3A_334 : memref<80xi32, #tpu.memory_space<vmem>>) semaphore(%arg15 : memref<!tpu.dma_semaphore, #tpu.memory_space<semaphore_mem>>)
    } else {
    }
    %eq3A_295 = arith.constant 0 : i32
    %eq3A_296 = arith.cmpi eq, %arg0, %eq3A_295 : i32
    %convert_element_type3A_297 = arith.extui %eq3A_296 : i1 to i32
    %cond3A_298 = arith.constant 0 : i32
    %cond3A_299 = arith.cmpi ne, %convert_element_type3A_297, %cond3A_298 : i32
    scf.if %cond3A_299 {
      %dma_start3A = arith.constant 2 : i32
      %dma_start3A_332 = arith.constant 0 : i32
      %dma_start3A_333 = tpu.memref_slice %arg7[%dma_start3A, %dma_start3A_332] : memref<25x80xi32, #tpu.memory_space<vmem>> -> memref<1x80xi32, #tpu.memory_space<vmem>>
      %dma_start3A_334 = tpu.memref_squeeze %dma_start3A_333 : memref<1x80xi32, #tpu.memory_space<vmem>> -> memref<80xi32, #tpu.memory_space<vmem>>
      %dma_start3A_335 = arith.constant 0 : i32
      %dma_start3A_336 = arith.constant 0 : i32
      %dma_start3A_337 = tpu.memref_slice %arg2[%dma_start3A_335, %dma_start3A_336] : memref<10000x128xf32, #tpu.memory_space<hbm>> -> memref<10000x128xf32, #tpu.memory_space<hbm>>
      tpu.enqueue_indirect_dma source(%dma_start3A_337 : memref<10000x128xf32, #tpu.memory_space<hbm>>) target(%arg11 : memref<80x128xf32, #tpu.memory_space<vmem>>) offsets(%dma_start3A_334 : memref<80xi32, #tpu.memory_space<vmem>>) semaphore(%arg16 : memref<!tpu.dma_semaphore, #tpu.memory_space<semaphore_mem>>)
    } else {
    }
    %eq3A_300 = arith.constant 1 : i32
    %eq3A_301 = arith.cmpi eq, %arg0, %eq3A_300 : i32
    %convert_element_type3A_302 = arith.extui %eq3A_301 : i1 to i32
    %cond3A_303 = arith.constant 0 : i32
    %cond3A_304 = arith.cmpi ne, %convert_element_type3A_302, %cond3A_303 : i32
    scf.if %cond3A_304 {
      %dma_start3A = arith.constant 2 : i32
      %dma_start3A_332 = arith.constant 0 : i32
      %dma_start3A_333 = tpu.memref_slice %arg7[%dma_start3A, %dma_start3A_332] : memref<25x80xi32, #tpu.memory_space<vmem>> -> memref<1x80xi32, #tpu.memory_space<vmem>>
      %dma_start3A_334 = tpu.memref_squeeze %dma_start3A_333 : memref<1x80xi32, #tpu.memory_space<vmem>> -> memref<80xi32, #tpu.memory_space<vmem>>
      %dma_start3A_335 = arith.constant 0 : i32
      %dma_start3A_336 = arith.constant 0 : i32
      %dma_start3A_337 = tpu.memref_slice %arg3[%dma_start3A_335, %dma_start3A_336] : memref<10000x128xf32, #tpu.memory_space<hbm>> -> memref<10000x128xf32, #tpu.memory_space<hbm>>
      tpu.enqueue_indirect_dma source(%dma_start3A_337 : memref<10000x128xf32, #tpu.memory_space<hbm>>) target(%arg11 : memref<80x128xf32, #tpu.memory_space<vmem>>) offsets(%dma_start3A_334 : memref<80xi32, #tpu.memory_space<vmem>>) semaphore(%arg16 : memref<!tpu.dma_semaphore, #tpu.memory_space<semaphore_mem>>)
    } else {
    }
    %scan3A_305 = arith.constant 0 : i32
    %scan3A_306 = arith.constant 0 : i32
    %scan3A_307 = arith.constant 8 : i32
    %scan3A_308 = arith.addi %scan3A_306, %scan3A_307 : i32
    %scan3A_309 = arith.constant 1 : i32
    scf.for %scan3A_332 = %scan3A_306 to %scan3A_308 step %scan3A_309  : i32 {
      %mul3A_333 = arith.constant 3 : i32
      %mul3A_334 = arith.muli %mul3A_333, %scan3A_332 : i32
      %add3A_335 = arith.constant 0 : i32
      %add3A_336 = arith.addi %mul3A_334, %add3A_335 : i32
      %dma_wait3A_337 = arith.constant 0 : i32
      %dma_wait3A_338 = arith.constant 0 : i32
      %dma_wait3A_339 = tpu.memref_slice %arg7[%dma_wait3A_337, %dma_wait3A_338] : memref<25x80xi32, #tpu.memory_space<vmem>> -> memref<1x80xi32, #tpu.memory_space<vmem>>
      %dma_wait3A_340 = tpu.memref_squeeze %dma_wait3A_339 : memref<1x80xi32, #tpu.memory_space<vmem>> -> memref<80xi32, #tpu.memory_space<vmem>>
      %dma_wait3A_341 = arith.constant 0 : i32
      %dma_wait3A_342 = arith.constant 0 : i32
      %dma_wait3A_343 = tpu.memref_slice %arg2[%dma_wait3A_341, %dma_wait3A_342] : memref<10000x128xf32, #tpu.memory_space<hbm>> -> memref<10000x128xf32, #tpu.memory_space<hbm>>
      tpu.wait_indirect_dma semaphore(%arg14 : memref<!tpu.dma_semaphore, #tpu.memory_space<semaphore_mem>>) src(%dma_wait3A_343 : memref<10000x128xf32, #tpu.memory_space<hbm>>) dst(%arg9 : memref<80x128xf32, #tpu.memory_space<vmem>>)
      "tpu.region"() ({
        %run_scoped3A_386 = tpu.sem_alloc : memref<!tpu.dma_semaphore, #tpu.memory_space<semaphore_mem>>
        %dma_start3A = arith.constant 0 : i32
        %dma_start3A_387 = tpu.memref_slice %arg8[%add3A_336, %dma_start3A] : memref<25x80xi32, #tpu.memory_space<vmem>> -> memref<1x80xi32, #tpu.memory_space<vmem>>
        %dma_start3A_388 = tpu.memref_squeeze %dma_start3A_387 : memref<1x80xi32, #tpu.memory_space<vmem>> -> memref<80xi32, #tpu.memory_space<vmem>>
        %dma_start3A_389 = arith.constant 0 : i32
        %dma_start3A_390 = arith.constant 0 : i32
        %dma_start3A_391 = tpu.memref_slice %arg13[%dma_start3A_389, %dma_start3A_390] : memref<10112x128xf32, #tpu.memory_space<vmem_shared>> -> memref<10112x128xf32, #tpu.memory_space<vmem_shared>>
        tpu.enqueue_indirect_dma source(%arg9 : memref<80x128xf32, #tpu.memory_space<vmem>>) target(%dma_start3A_391 : memref<10112x128xf32, #tpu.memory_space<vmem_shared>>) offsets(%dma_start3A_388 : memref<80xi32, #tpu.memory_space<vmem>>) semaphore(%run_scoped3A_386 : memref<!tpu.dma_semaphore, #tpu.memory_space<semaphore_mem>>) {add = true}
        %dma_wait3A_392 = arith.constant 0 : i32
        %dma_wait3A_393 = tpu.memref_slice %arg8[%add3A_336, %dma_wait3A_392] : memref<25x80xi32, #tpu.memory_space<vmem>> -> memref<1x80xi32, #tpu.memory_space<vmem>>
        %dma_wait3A_394 = tpu.memref_squeeze %dma_wait3A_393 : memref<1x80xi32, #tpu.memory_space<vmem>> -> memref<80xi32, #tpu.memory_space<vmem>>
        %dma_wait3A_395 = arith.constant 0 : i32
        %dma_wait3A_396 = arith.constant 0 : i32
        %dma_wait3A_397 = tpu.memref_slice %arg13[%dma_wait3A_395, %dma_wait3A_396] : memref<10112x128xf32, #tpu.memory_space<vmem_shared>> -> memref<10112x128xf32, #tpu.memory_space<vmem_shared>>
        tpu.wait_indirect_dma semaphore(%run_scoped3A_386 : memref<!tpu.dma_semaphore, #tpu.memory_space<semaphore_mem>>) src(%arg9 : memref<80x128xf32, #tpu.memory_space<vmem>>) dst(%dma_wait3A_397 : memref<10112x128xf32, #tpu.memory_space<vmem_shared>>)
        tpu.yield
      }) : () -> ()
      %add3A_344 = arith.constant 3 : i32
      %add3A_345 = arith.addi %add3A_336, %add3A_344 : i32
      %lt3A = arith.constant 25 : i32
      %lt3A_346 = arith.cmpi slt, %add3A_345, %lt3A : i32
      %convert_element_type3A_347 = arith.extui %lt3A_346 : i1 to i32
      %cond3A_348 = arith.constant 0 : i32
      %cond3A_349 = arith.cmpi ne, %convert_element_type3A_347, %cond3A_348 : i32
      scf.if %cond3A_349 {
        %add3A_386 = arith.constant 3 : i32
        %add3A_387 = arith.addi %add3A_336, %add3A_386 : i32
        %eq3A_388 = arith.constant 0 : i32
        %eq3A_389 = arith.cmpi eq, %arg0, %eq3A_388 : i32
        %convert_element_type3A_390 = arith.extui %eq3A_389 : i1 to i32
        %cond3A_391 = arith.constant 0 : i32
        %cond3A_392 = arith.cmpi ne, %convert_element_type3A_390, %cond3A_391 : i32
        scf.if %cond3A_392 {
          %dma_start3A = arith.constant 0 : i32
          %dma_start3A_398 = tpu.memref_slice %arg7[%add3A_387, %dma_start3A] : memref<25x80xi32, #tpu.memory_space<vmem>> -> memref<1x80xi32, #tpu.memory_space<vmem>>
          %dma_start3A_399 = tpu.memref_squeeze %dma_start3A_398 : memref<1x80xi32, #tpu.memory_space<vmem>> -> memref<80xi32, #tpu.memory_space<vmem>>
          %dma_start3A_400 = arith.constant 0 : i32
          %dma_start3A_401 = arith.constant 0 : i32
          %dma_start3A_402 = tpu.memref_slice %arg2[%dma_start3A_400, %dma_start3A_401] : memref<10000x128xf32, #tpu.memory_space<hbm>> -> memref<10000x128xf32, #tpu.memory_space<hbm>>
          tpu.enqueue_indirect_dma source(%dma_start3A_402 : memref<10000x128xf32, #tpu.memory_space<hbm>>) target(%arg9 : memref<80x128xf32, #tpu.memory_space<vmem>>) offsets(%dma_start3A_399 : memref<80xi32, #tpu.memory_space<vmem>>) semaphore(%arg14 : memref<!tpu.dma_semaphore, #tpu.memory_space<semaphore_mem>>)
        } else {
        }
        %eq3A_393 = arith.constant 1 : i32
        %eq3A_394 = arith.cmpi eq, %arg0, %eq3A_393 : i32
        %convert_element_type3A_395 = arith.extui %eq3A_394 : i1 to i32
        %cond3A_396 = arith.constant 0 : i32
        %cond3A_397 = arith.cmpi ne, %convert_element_type3A_395, %cond3A_396 : i32
        scf.if %cond3A_397 {
          %dma_start3A = arith.constant 0 : i32
          %dma_start3A_398 = tpu.memref_slice %arg7[%add3A_387, %dma_start3A] : memref<25x80xi32, #tpu.memory_space<vmem>> -> memref<1x80xi32, #tpu.memory_space<vmem>>
          %dma_start3A_399 = tpu.memref_squeeze %dma_start3A_398 : memref<1x80xi32, #tpu.memory_space<vmem>> -> memref<80xi32, #tpu.memory_space<vmem>>
          %dma_start3A_400 = arith.constant 0 : i32
          %dma_start3A_401 = arith.constant 0 : i32
          %dma_start3A_402 = tpu.memref_slice %arg3[%dma_start3A_400, %dma_start3A_401] : memref<10000x128xf32, #tpu.memory_space<hbm>> -> memref<10000x128xf32, #tpu.memory_space<hbm>>
          tpu.enqueue_indirect_dma source(%dma_start3A_402 : memref<10000x128xf32, #tpu.memory_space<hbm>>) target(%arg9 : memref<80x128xf32, #tpu.memory_space<vmem>>) offsets(%dma_start3A_399 : memref<80xi32, #tpu.memory_space<vmem>>) semaphore(%arg14 : memref<!tpu.dma_semaphore, #tpu.memory_space<semaphore_mem>>)
        } else {
        }
      } else {
      }
      %mul3A_350 = arith.constant 3 : i32
      %mul3A_351 = arith.muli %mul3A_350, %scan3A_332 : i32
      %add3A_352 = arith.constant 1 : i32
      %add3A_353 = arith.addi %mul3A_351, %add3A_352 : i32
      %dma_wait3A_354 = arith.constant 0 : i32
      %dma_wait3A_355 = arith.constant 0 : i32
      %dma_wait3A_356 = tpu.memref_slice %arg7[%dma_wait3A_354, %dma_wait3A_355] : memref<25x80xi32, #tpu.memory_space<vmem>> -> memref<1x80xi32, #tpu.memory_space<vmem>>
      %dma_wait3A_357 = tpu.memref_squeeze %dma_wait3A_356 : memref<1x80xi32, #tpu.memory_space<vmem>> -> memref<80xi32, #tpu.memory_space<vmem>>
      %dma_wait3A_358 = arith.constant 0 : i32
      %dma_wait3A_359 = arith.constant 0 : i32
      %dma_wait3A_360 = tpu.memref_slice %arg2[%dma_wait3A_358, %dma_wait3A_359] : memref<10000x128xf32, #tpu.memory_space<hbm>> -> memref<10000x128xf32, #tpu.memory_space<hbm>>
      tpu.wait_indirect_dma semaphore(%arg15 : memref<!tpu.dma_semaphore, #tpu.memory_space<semaphore_mem>>) src(%dma_wait3A_360 : memref<10000x128xf32, #tpu.memory_space<hbm>>) dst(%arg10 : memref<80x128xf32, #tpu.memory_space<vmem>>)
      "tpu.region"() ({
        %run_scoped3A_386 = tpu.sem_alloc : memref<!tpu.dma_semaphore, #tpu.memory_space<semaphore_mem>>
        %dma_start3A = arith.constant 0 : i32
        %dma_start3A_387 = tpu.memref_slice %arg8[%add3A_353, %dma_start3A] : memref<25x80xi32, #tpu.memory_space<vmem>> -> memref<1x80xi32, #tpu.memory_space<vmem>>
        %dma_start3A_388 = tpu.memref_squeeze %dma_start3A_387 : memref<1x80xi32, #tpu.memory_space<vmem>> -> memref<80xi32, #tpu.memory_space<vmem>>
        %dma_start3A_389 = arith.constant 0 : i32
        %dma_start3A_390 = arith.constant 0 : i32
        %dma_start3A_391 = tpu.memref_slice %arg13[%dma_start3A_389, %dma_start3A_390] : memref<10112x128xf32, #tpu.memory_space<vmem_shared>> -> memref<10112x128xf32, #tpu.memory_space<vmem_shared>>
        tpu.enqueue_indirect_dma source(%arg10 : memref<80x128xf32, #tpu.memory_space<vmem>>) target(%dma_start3A_391 : memref<10112x128xf32, #tpu.memory_space<vmem_shared>>) offsets(%dma_start3A_388 : memref<80xi32, #tpu.memory_space<vmem>>) semaphore(%run_scoped3A_386 : memref<!tpu.dma_semaphore, #tpu.memory_space<semaphore_mem>>) {add = true}
        %dma_wait3A_392 = arith.constant 0 : i32
        %dma_wait3A_393 = tpu.memref_slice %arg8[%add3A_353, %dma_wait3A_392] : memref<25x80xi32, #tpu.memory_space<vmem>> -> memref<1x80xi32, #tpu.memory_space<vmem>>
        %dma_wait3A_394 = tpu.memref_squeeze %dma_wait3A_393 : memref<1x80xi32, #tpu.memory_space<vmem>> -> memref<80xi32, #tpu.memory_space<vmem>>
        %dma_wait3A_395 = arith.constant 0 : i32
        %dma_wait3A_396 = arith.constant 0 : i32
        %dma_wait3A_397 = tpu.memref_slice %arg13[%dma_wait3A_395, %dma_wait3A_396] : memref<10112x128xf32, #tpu.memory_space<vmem_shared>> -> memref<10112x128xf32, #tpu.memory_space<vmem_shared>>
        tpu.wait_indirect_dma semaphore(%run_scoped3A_386 : memref<!tpu.dma_semaphore, #tpu.memory_space<semaphore_mem>>) src(%arg10 : memref<80x128xf32, #tpu.memory_space<vmem>>) dst(%dma_wait3A_397 : memref<10112x128xf32, #tpu.memory_space<vmem_shared>>)
        tpu.yield
      }) : () -> ()
      %add3A_361 = arith.constant 3 : i32
      %add3A_362 = arith.addi %add3A_353, %add3A_361 : i32
      %lt3A_363 = arith.constant 25 : i32
      %lt3A_364 = arith.cmpi slt, %add3A_362, %lt3A_363 : i32
      %convert_element_type3A_365 = arith.extui %lt3A_364 : i1 to i32
      %cond3A_366 = arith.constant 0 : i32
      %cond3A_367 = arith.cmpi ne, %convert_element_type3A_365, %cond3A_366 : i32
      scf.if %cond3A_367 {
        %add3A_386 = arith.constant 3 : i32
        %add3A_387 = arith.addi %add3A_353, %add3A_386 : i32
        %eq3A_388 = arith.constant 0 : i32
        %eq3A_389 = arith.cmpi eq, %arg0, %eq3A_388 : i32
        %convert_element_type3A_390 = arith.extui %eq3A_389 : i1 to i32
        %cond3A_391 = arith.constant 0 : i32
        %cond3A_392 = arith.cmpi ne, %convert_element_type3A_390, %cond3A_391 : i32
        scf.if %cond3A_392 {
          %dma_start3A = arith.constant 0 : i32
          %dma_start3A_398 = tpu.memref_slice %arg7[%add3A_387, %dma_start3A] : memref<25x80xi32, #tpu.memory_space<vmem>> -> memref<1x80xi32, #tpu.memory_space<vmem>>
          %dma_start3A_399 = tpu.memref_squeeze %dma_start3A_398 : memref<1x80xi32, #tpu.memory_space<vmem>> -> memref<80xi32, #tpu.memory_space<vmem>>
          %dma_start3A_400 = arith.constant 0 : i32
          %dma_start3A_401 = arith.constant 0 : i32
          %dma_start3A_402 = tpu.memref_slice %arg2[%dma_start3A_400, %dma_start3A_401] : memref<10000x128xf32, #tpu.memory_space<hbm>> -> memref<10000x128xf32, #tpu.memory_space<hbm>>
          tpu.enqueue_indirect_dma source(%dma_start3A_402 : memref<10000x128xf32, #tpu.memory_space<hbm>>) target(%arg10 : memref<80x128xf32, #tpu.memory_space<vmem>>) offsets(%dma_start3A_399 : memref<80xi32, #tpu.memory_space<vmem>>) semaphore(%arg15 : memref<!tpu.dma_semaphore, #tpu.memory_space<semaphore_mem>>)
        } else {
        }
        %eq3A_393 = arith.constant 1 : i32
        %eq3A_394 = arith.cmpi eq, %arg0, %eq3A_393 : i32
        %convert_element_type3A_395 = arith.extui %eq3A_394 : i1 to i32
        %cond3A_396 = arith.constant 0 : i32
        %cond3A_397 = arith.cmpi ne, %convert_element_type3A_395, %cond3A_396 : i32
        scf.if %cond3A_397 {
          %dma_start3A = arith.constant 0 : i32
          %dma_start3A_398 = tpu.memref_slice %arg7[%add3A_387, %dma_start3A] : memref<25x80xi32, #tpu.memory_space<vmem>> -> memref<1x80xi32, #tpu.memory_space<vmem>>
          %dma_start3A_399 = tpu.memref_squeeze %dma_start3A_398 : memref<1x80xi32, #tpu.memory_space<vmem>> -> memref<80xi32, #tpu.memory_space<vmem>>
          %dma_start3A_400 = arith.constant 0 : i32
          %dma_start3A_401 = arith.constant 0 : i32
          %dma_start3A_402 = tpu.memref_slice %arg3[%dma_start3A_400, %dma_start3A_401] : memref<10000x128xf32, #tpu.memory_space<hbm>> -> memref<10000x128xf32, #tpu.memory_space<hbm>>
          tpu.enqueue_indirect_dma source(%dma_start3A_402 : memref<10000x128xf32, #tpu.memory_space<hbm>>) target(%arg10 : memref<80x128xf32, #tpu.memory_space<vmem>>) offsets(%dma_start3A_399 : memref<80xi32, #tpu.memory_space<vmem>>) semaphore(%arg15 : memref<!tpu.dma_semaphore, #tpu.memory_space<semaphore_mem>>)
        } else {
        }
      } else {
      }
      %mul3A_368 = arith.constant 3 : i32
      %mul3A_369 = arith.muli %mul3A_368, %scan3A_332 : i32
      %add3A_370 = arith.constant 2 : i32
      %add3A_371 = arith.addi %mul3A_369, %add3A_370 : i32
      %dma_wait3A_372 = arith.constant 0 : i32
      %dma_wait3A_373 = arith.constant 0 : i32
      %dma_wait3A_374 = tpu.memref_slice %arg7[%dma_wait3A_372, %dma_wait3A_373] : memref<25x80xi32, #tpu.memory_space<vmem>> -> memref<1x80xi32, #tpu.memory_space<vmem>>
      %dma_wait3A_375 = tpu.memref_squeeze %dma_wait3A_374 : memref<1x80xi32, #tpu.memory_space<vmem>> -> memref<80xi32, #tpu.memory_space<vmem>>
      %dma_wait3A_376 = arith.constant 0 : i32
      %dma_wait3A_377 = arith.constant 0 : i32
      %dma_wait3A_378 = tpu.memref_slice %arg2[%dma_wait3A_376, %dma_wait3A_377] : memref<10000x128xf32, #tpu.memory_space<hbm>> -> memref<10000x128xf32, #tpu.memory_space<hbm>>
      tpu.wait_indirect_dma semaphore(%arg16 : memref<!tpu.dma_semaphore, #tpu.memory_space<semaphore_mem>>) src(%dma_wait3A_378 : memref<10000x128xf32, #tpu.memory_space<hbm>>) dst(%arg11 : memref<80x128xf32, #tpu.memory_space<vmem>>)
      "tpu.region"() ({
        %run_scoped3A_386 = tpu.sem_alloc : memref<!tpu.dma_semaphore, #tpu.memory_space<semaphore_mem>>
        %dma_start3A = arith.constant 0 : i32
        %dma_start3A_387 = tpu.memref_slice %arg8[%add3A_371, %dma_start3A] : memref<25x80xi32, #tpu.memory_space<vmem>> -> memref<1x80xi32, #tpu.memory_space<vmem>>
        %dma_start3A_388 = tpu.memref_squeeze %dma_start3A_387 : memref<1x80xi32, #tpu.memory_space<vmem>> -> memref<80xi32, #tpu.memory_space<vmem>>
        %dma_start3A_389 = arith.constant 0 : i32
        %dma_start3A_390 = arith.constant 0 : i32
        %dma_start3A_391 = tpu.memref_slice %arg13[%dma_start3A_389, %dma_start3A_390] : memref<10112x128xf32, #tpu.memory_space<vmem_shared>> -> memref<10112x128xf32, #tpu.memory_space<vmem_shared>>
        tpu.enqueue_indirect_dma source(%arg11 : memref<80x128xf32, #tpu.memory_space<vmem>>) target(%dma_start3A_391 : memref<10112x128xf32, #tpu.memory_space<vmem_shared>>) offsets(%dma_start3A_388 : memref<80xi32, #tpu.memory_space<vmem>>) semaphore(%run_scoped3A_386 : memref<!tpu.dma_semaphore, #tpu.memory_space<semaphore_mem>>) {add = true}
        %dma_wait3A_392 = arith.constant 0 : i32
        %dma_wait3A_393 = tpu.memref_slice %arg8[%add3A_371, %dma_wait3A_392] : memref<25x80xi32, #tpu.memory_space<vmem>> -> memref<1x80xi32, #tpu.memory_space<vmem>>
        %dma_wait3A_394 = tpu.memref_squeeze %dma_wait3A_393 : memref<1x80xi32, #tpu.memory_space<vmem>> -> memref<80xi32, #tpu.memory_space<vmem>>
        %dma_wait3A_395 = arith.constant 0 : i32
        %dma_wait3A_396 = arith.constant 0 : i32
        %dma_wait3A_397 = tpu.memref_slice %arg13[%dma_wait3A_395, %dma_wait3A_396] : memref<10112x128xf32, #tpu.memory_space<vmem_shared>> -> memref<10112x128xf32, #tpu.memory_space<vmem_shared>>
        tpu.wait_indirect_dma semaphore(%run_scoped3A_386 : memref<!tpu.dma_semaphore, #tpu.memory_space<semaphore_mem>>) src(%arg11 : memref<80x128xf32, #tpu.memory_space<vmem>>) dst(%dma_wait3A_397 : memref<10112x128xf32, #tpu.memory_space<vmem_shared>>)
        tpu.yield
      }) : () -> ()
      %add3A_379 = arith.constant 3 : i32
      %add3A_380 = arith.addi %add3A_371, %add3A_379 : i32
      %lt3A_381 = arith.constant 25 : i32
      %lt3A_382 = arith.cmpi slt, %add3A_380, %lt3A_381 : i32
      %convert_element_type3A_383 = arith.extui %lt3A_382 : i1 to i32
      %cond3A_384 = arith.constant 0 : i32
      %cond3A_385 = arith.cmpi ne, %convert_element_type3A_383, %cond3A_384 : i32
      scf.if %cond3A_385 {
        %add3A_386 = arith.constant 3 : i32
        %add3A_387 = arith.addi %add3A_371, %add3A_386 : i32
        %eq3A_388 = arith.constant 0 : i32
        %eq3A_389 = arith.cmpi eq, %arg0, %eq3A_388 : i32
        %convert_element_type3A_390 = arith.extui %eq3A_389 : i1 to i32
        %cond3A_391 = arith.constant 0 : i32
        %cond3A_392 = arith.cmpi ne, %convert_element_type3A_390, %cond3A_391 : i32
        scf.if %cond3A_392 {
          %dma_start3A = arith.constant 0 : i32
          %dma_start3A_398 = tpu.memref_slice %arg7[%add3A_387, %dma_start3A] : memref<25x80xi32, #tpu.memory_space<vmem>> -> memref<1x80xi32, #tpu.memory_space<vmem>>
          %dma_start3A_399 = tpu.memref_squeeze %dma_start3A_398 : memref<1x80xi32, #tpu.memory_space<vmem>> -> memref<80xi32, #tpu.memory_space<vmem>>
          %dma_start3A_400 = arith.constant 0 : i32
          %dma_start3A_401 = arith.constant 0 : i32
          %dma_start3A_402 = tpu.memref_slice %arg2[%dma_start3A_400, %dma_start3A_401] : memref<10000x128xf32, #tpu.memory_space<hbm>> -> memref<10000x128xf32, #tpu.memory_space<hbm>>
          tpu.enqueue_indirect_dma source(%dma_start3A_402 : memref<10000x128xf32, #tpu.memory_space<hbm>>) target(%arg11 : memref<80x128xf32, #tpu.memory_space<vmem>>) offsets(%dma_start3A_399 : memref<80xi32, #tpu.memory_space<vmem>>) semaphore(%arg16 : memref<!tpu.dma_semaphore, #tpu.memory_space<semaphore_mem>>)
        } else {
        }
        %eq3A_393 = arith.constant 1 : i32
        %eq3A_394 = arith.cmpi eq, %arg0, %eq3A_393 : i32
        %convert_element_type3A_395 = arith.extui %eq3A_394 : i1 to i32
        %cond3A_396 = arith.constant 0 : i32
        %cond3A_397 = arith.cmpi ne, %convert_element_type3A_395, %cond3A_396 : i32
        scf.if %cond3A_397 {
          %dma_start3A = arith.constant 0 : i32
          %dma_start3A_398 = tpu.memref_slice %arg7[%add3A_387, %dma_start3A] : memref<25x80xi32, #tpu.memory_space<vmem>> -> memref<1x80xi32, #tpu.memory_space<vmem>>
          %dma_start3A_399 = tpu.memref_squeeze %dma_start3A_398 : memref<1x80xi32, #tpu.memory_space<vmem>> -> memref<80xi32, #tpu.memory_space<vmem>>
          %dma_start3A_400 = arith.constant 0 : i32
          %dma_start3A_401 = arith.constant 0 : i32
          %dma_start3A_402 = tpu.memref_slice %arg3[%dma_start3A_400, %dma_start3A_401] : memref<10000x128xf32, #tpu.memory_space<hbm>> -> memref<10000x128xf32, #tpu.memory_space<hbm>>
          tpu.enqueue_indirect_dma source(%dma_start3A_402 : memref<10000x128xf32, #tpu.memory_space<hbm>>) target(%arg11 : memref<80x128xf32, #tpu.memory_space<vmem>>) offsets(%dma_start3A_399 : memref<80xi32, #tpu.memory_space<vmem>>) semaphore(%arg16 : memref<!tpu.dma_semaphore, #tpu.memory_space<semaphore_mem>>)
        } else {
        }
      } else {
      }
    }
    %scan3A_310 = arith.constant 8 : i32
    %dma_wait3A_311 = arith.constant 0 : i32
    %dma_wait3A_312 = arith.constant 0 : i32
    %dma_wait3A_313 = tpu.memref_slice %arg7[%dma_wait3A_311, %dma_wait3A_312] : memref<25x80xi32, #tpu.memory_space<vmem>> -> memref<1x80xi32, #tpu.memory_space<vmem>>
    %dma_wait3A_314 = tpu.memref_squeeze %dma_wait3A_313 : memref<1x80xi32, #tpu.memory_space<vmem>> -> memref<80xi32, #tpu.memory_space<vmem>>
    %dma_wait3A_315 = arith.constant 0 : i32
    %dma_wait3A_316 = arith.constant 0 : i32
    %dma_wait3A_317 = tpu.memref_slice %arg2[%dma_wait3A_315, %dma_wait3A_316] : memref<10000x128xf32, #tpu.memory_space<hbm>> -> memref<10000x128xf32, #tpu.memory_space<hbm>>
    tpu.wait_indirect_dma semaphore(%arg14 : memref<!tpu.dma_semaphore, #tpu.memory_space<semaphore_mem>>) src(%dma_wait3A_317 : memref<10000x128xf32, #tpu.memory_space<hbm>>) dst(%arg9 : memref<80x128xf32, #tpu.memory_space<vmem>>)
    %run_scoped3A_318 = arith.constant 24 : i32
    "tpu.region"() ({
      %run_scoped3A_332 = tpu.sem_alloc : memref<!tpu.dma_semaphore, #tpu.memory_space<semaphore_mem>>
      %dma_start3A = arith.constant 0 : i32
      %dma_start3A_333 = tpu.memref_slice %arg8[%run_scoped3A_318, %dma_start3A] : memref<25x80xi32, #tpu.memory_space<vmem>> -> memref<1x80xi32, #tpu.memory_space<vmem>>
      %dma_start3A_334 = tpu.memref_squeeze %dma_start3A_333 : memref<1x80xi32, #tpu.memory_space<vmem>> -> memref<80xi32, #tpu.memory_space<vmem>>
      %dma_start3A_335 = arith.constant 0 : i32
      %dma_start3A_336 = arith.constant 0 : i32
      %dma_start3A_337 = tpu.memref_slice %arg13[%dma_start3A_335, %dma_start3A_336] : memref<10112x128xf32, #tpu.memory_space<vmem_shared>> -> memref<10112x128xf32, #tpu.memory_space<vmem_shared>>
      tpu.enqueue_indirect_dma source(%arg9 : memref<80x128xf32, #tpu.memory_space<vmem>>) target(%dma_start3A_337 : memref<10112x128xf32, #tpu.memory_space<vmem_shared>>) offsets(%dma_start3A_334 : memref<80xi32, #tpu.memory_space<vmem>>) semaphore(%run_scoped3A_332 : memref<!tpu.dma_semaphore, #tpu.memory_space<semaphore_mem>>) {add = true}
      %dma_wait3A_338 = arith.constant 0 : i32
      %dma_wait3A_339 = tpu.memref_slice %arg8[%run_scoped3A_318, %dma_wait3A_338] : memref<25x80xi32, #tpu.memory_space<vmem>> -> memref<1x80xi32, #tpu.memory_space<vmem>>
      %dma_wait3A_340 = tpu.memref_squeeze %dma_wait3A_339 : memref<1x80xi32, #tpu.memory_space<vmem>> -> memref<80xi32, #tpu.memory_space<vmem>>
      %dma_wait3A_341 = arith.constant 0 : i32
      %dma_wait3A_342 = arith.constant 0 : i32
      %dma_wait3A_343 = tpu.memref_slice %arg13[%dma_wait3A_341, %dma_wait3A_342] : memref<10112x128xf32, #tpu.memory_space<vmem_shared>> -> memref<10112x128xf32, #tpu.memory_space<vmem_shared>>
      tpu.wait_indirect_dma semaphore(%run_scoped3A_332 : memref<!tpu.dma_semaphore, #tpu.memory_space<semaphore_mem>>) src(%arg9 : memref<80x128xf32, #tpu.memory_space<vmem>>) dst(%dma_wait3A_343 : memref<10112x128xf32, #tpu.memory_space<vmem_shared>>)
      tpu.yield
    }) : () -> ()
    %barrier3A_319 = arith.constant 0 : index
    tpu.barrier barrier_id(%barrier3A_319)
    %mul3A_320 = arith.constant 632 : i32
    %mul3A_321 = arith.muli %arg1, %mul3A_320 : i32
    %eq3A_322 = arith.constant 0 : i32
    %eq3A_323 = arith.cmpi eq, %arg0, %eq3A_322 : i32
    %convert_element_type3A_324 = arith.extui %eq3A_323 : i1 to i32
    %cond3A_325 = arith.constant 0 : i32
    %cond3A_326 = arith.cmpi ne, %convert_element_type3A_324, %cond3A_325 : i32
    scf.if %cond3A_326 {
      "tpu.region"() ({
        %run_scoped3A_332 = tpu.sem_alloc : memref<!tpu.dma_semaphore, #tpu.memory_space<semaphore_mem>>
        %dma_start3A = arith.constant 0 : i32
        %dma_start3A_333 = tpu.memref_slice %arg5[%mul3A_321, %dma_start3A] : memref<10112x128xf32, #tpu.memory_space<hbm>> -> memref<632x128xf32, #tpu.memory_space<hbm>>
        %dma_start3A_334 = arith.constant 0 : i32
        %dma_start3A_335 = tpu.memref_slice %arg13[%mul3A_321, %dma_start3A_334] : memref<10112x128xf32, #tpu.memory_space<vmem_shared>> -> memref<632x128xf32, #tpu.memory_space<vmem_shared>>
        tpu.enqueue_dma source(%dma_start3A_335 : memref<632x128xf32, #tpu.memory_space<vmem_shared>>) target(%dma_start3A_333 : memref<632x128xf32, #tpu.memory_space<hbm>>) target_semaphore(%run_scoped3A_332 : memref<!tpu.dma_semaphore, #tpu.memory_space<semaphore_mem>>)
        %dma_wait3A_336 = arith.constant 0 : i32
        %dma_wait3A_337 = tpu.memref_slice %arg5[%mul3A_321, %dma_wait3A_336] : memref<10112x128xf32, #tpu.memory_space<hbm>> -> memref<632x128xf32, #tpu.memory_space<hbm>>
        %dma_wait3A_338 = arith.constant 0 : i32
        %dma_wait3A_339 = tpu.memref_slice %arg13[%mul3A_321, %dma_wait3A_338] : memref<10112x128xf32, #tpu.memory_space<vmem_shared>> -> memref<632x128xf32, #tpu.memory_space<vmem_shared>>
        tpu.wait_dma2 semaphore(%run_scoped3A_332 : memref<!tpu.dma_semaphore, #tpu.memory_space<semaphore_mem>>) src(%dma_wait3A_339 : memref<632x128xf32, #tpu.memory_space<vmem_shared>>) dst(%dma_wait3A_337 : memref<632x128xf32, #tpu.memory_space<hbm>>)
        tpu.yield
      }) : () -> ()
    } else {
    }
    %eq3A_327 = arith.constant 1 : i32
    %eq3A_328 = arith.cmpi eq, %arg0, %eq3A_327 : i32
    %convert_element_type3A_329 = arith.extui %eq3A_328 : i1 to i32
    %cond3A_330 = arith.constant 0 : i32
    %cond3A_331 = arith.cmpi ne, %convert_element_type3A_329, %cond3A_330 : i32
    scf.if %cond3A_331 {
      "tpu.region"() ({
        %run_scoped3A_332 = tpu.sem_alloc : memref<!tpu.dma_semaphore, #tpu.memory_space<semaphore_mem>>
        %dma_start3A = arith.constant 0 : i32
        %dma_start3A_333 = tpu.memref_slice %arg6[%mul3A_321, %dma_start3A] : memref<10112x128xf32, #tpu.memory_space<hbm>> -> memref<632x128xf32, #tpu.memory_space<hbm>>
        %dma_start3A_334 = arith.constant 0 : i32
        %dma_start3A_335 = tpu.memref_slice %arg13[%mul3A_321, %dma_start3A_334] : memref<10112x128xf32, #tpu.memory_space<vmem_shared>> -> memref<632x128xf32, #tpu.memory_space<vmem_shared>>
        tpu.enqueue_dma source(%dma_start3A_335 : memref<632x128xf32, #tpu.memory_space<vmem_shared>>) target(%dma_start3A_333 : memref<632x128xf32, #tpu.memory_space<hbm>>) target_semaphore(%run_scoped3A_332 : memref<!tpu.dma_semaphore, #tpu.memory_space<semaphore_mem>>)
        %dma_wait3A_336 = arith.constant 0 : i32
        %dma_wait3A_337 = tpu.memref_slice %arg6[%mul3A_321, %dma_wait3A_336] : memref<10112x128xf32, #tpu.memory_space<hbm>> -> memref<632x128xf32, #tpu.memory_space<hbm>>
        %dma_wait3A_338 = arith.constant 0 : i32
        %dma_wait3A_339 = tpu.memref_slice %arg13[%mul3A_321, %dma_wait3A_338] : memref<10112x128xf32, #tpu.memory_space<vmem_shared>> -> memref<632x128xf32, #tpu.memory_space<vmem_shared>>
        tpu.wait_dma2 semaphore(%run_scoped3A_332 : memref<!tpu.dma_semaphore, #tpu.memory_space<semaphore_mem>>) src(%dma_wait3A_339 : memref<632x128xf32, #tpu.memory_space<vmem_shared>>) dst(%dma_wait3A_337 : memref<632x128xf32, #tpu.memory_space<hbm>>)
        tpu.yield
      }) : () -> ()
    } else {
    }
    return
  }
}

module attributes {stable_mosaic.version = 14 : i64} {
  func.func @_tc_post_body(%arg0: i32, %arg1: memref<1000x256xf32, #tpu.memory_space<vmem>>, %arg2: memref<1000x256xbf16, #tpu.memory_space<vmem>>, %arg3: memref<1000x256xbf16, #tpu.memory_space<vmem>>, %arg4: memref<1000x128xf32, #tpu.memory_space<vmem>>, %arg5: memref<1000x128xf32, #tpu.memory_space<vmem>>, %arg6: memref<256x256xf32, #tpu.memory_space<vmem>>, %arg7: memref<256x256xf32, #tpu.memory_space<vmem>>, %arg8: memref<1000x256xf32, #tpu.memory_space<vmem>>) attributes {dimension_semantics = [#tpu.dimension_semantics<arbitrary>], iteration_bounds = array<i64: 10>, scalar_prefetch = 0 : i64, scratch_operands = 0 : i64, tpu.core_type = #tpu.core_type<tc>, window_params = [{transform_indices = @transform_0, window_bounds = array<i64: 1000, 256>}, {transform_indices = @transform_1, window_bounds = array<i64: 1000, 256>}, {transform_indices = @transform_2, window_bounds = array<i64: 1000, 256>}, {transform_indices = @transform_3, window_bounds = array<i64: 1000, 128>}, {transform_indices = @transform_4, window_bounds = array<i64: 1000, 128>}, {pipeline_mode = #tpu.pipeline_mode<synchronous>, transform_indices = @transform_5, window_bounds = array<i64: 256, 256>}, {transform_indices = @transform_6, window_bounds = array<i64: 256, 256>}, {transform_indices = @transform_7, window_bounds = array<i64: 1000, 256>}]} {
    %get3A = arith.constant 0 : index
    %get3A_0 = arith.constant 0 : index
    %get3A_1 = vector.load %arg1[%get3A, %get3A_0] : memref<1000x256xf32, #tpu.memory_space<vmem>>, vector<1000x256xf32>
    %get3A_2 = arith.constant 0 : index
    %get3A_3 = arith.constant 0 : index
    %get3A_4 = vector.load %arg4[%get3A_2, %get3A_3] : memref<1000x128xf32, #tpu.memory_space<vmem>>, vector<1000x128xf32>
    %get3A_5 = arith.constant 0 : index
    %get3A_6 = arith.constant 0 : index
    %get3A_7 = vector.load %arg6[%get3A_5, %get3A_6] : memref<256x256xf32, #tpu.memory_space<vmem>>, vector<128x256xf32>
    %dot_general3A = arith.constant dense<0.000000e+00> : vector<1000x256xf32>
    %dot_general3A_8 = tpu.matmul %get3A_4, %get3A_7, %dot_general3A {dimension_numbers = #tpu.dot_dimension_numbers<[1], [0], [0], [1], [0, 0, 1, 1], [], []>, transpose_lhs_hint = false} : vector<1000x128xf32>, vector<128x256xf32>, vector<1000x256xf32> -> vector<1000x256xf32>
    %get3A_9 = arith.constant 0 : index
    %get3A_10 = arith.constant 0 : index
    %get3A_11 = vector.load %arg5[%get3A_9, %get3A_10] : memref<1000x128xf32, #tpu.memory_space<vmem>>, vector<1000x128xf32>
    %get3A_12 = arith.constant 128 : index
    %get3A_13 = arith.constant 0 : index
    %get3A_14 = vector.load %arg6[%get3A_12, %get3A_13] : memref<256x256xf32, #tpu.memory_space<vmem>>, vector<128x256xf32>
    %dot_general3A_15 = arith.constant dense<0.000000e+00> : vector<1000x256xf32>
    %dot_general3A_16 = tpu.matmul %get3A_11, %get3A_14, %dot_general3A_15 {dimension_numbers = #tpu.dot_dimension_numbers<[1], [0], [0], [1], [0, 0, 1, 1], [], []>, transpose_lhs_hint = false} : vector<1000x128xf32>, vector<128x256xf32>, vector<1000x256xf32> -> vector<1000x256xf32>
    %add3A = arith.addf %dot_general3A_8, %dot_general3A_16 : vector<1000x256xf32>
    %get3A_17 = arith.constant 0 : index
    %get3A_18 = arith.constant 0 : index
    %get3A_19 = vector.load %arg2[%get3A_17, %get3A_18] : memref<1000x256xbf16, #tpu.memory_space<vmem>>, vector<1000x256xbf16>
    %convert_element_type3A = arith.extf %get3A_19 : vector<1000x256xbf16> to vector<1000x256xf32>
    %add3A_20 = arith.addf %convert_element_type3A, %add3A : vector<1000x256xf32>
    %get3A_21 = arith.constant 0 : index
    %get3A_22 = arith.constant 0 : index
    %get3A_23 = vector.load %arg7[%get3A_21, %get3A_22] : memref<256x256xf32, #tpu.memory_space<vmem>>, vector<256x256xf32>
    %dot_general3A_24 = arith.constant dense<0.000000e+00> : vector<1000x256xf32>
    %dot_general3A_25 = tpu.matmul %add3A_20, %get3A_23, %dot_general3A_24 {dimension_numbers = #tpu.dot_dimension_numbers<[1], [0], [0], [1], [0, 0, 1, 1], [], []>, transpose_lhs_hint = false} : vector<1000x256xf32>, vector<256x256xf32>, vector<1000x256xf32> -> vector<1000x256xf32>
    %get3A_26 = arith.constant 0 : index
    %get3A_27 = arith.constant 0 : index
    %get3A_28 = vector.load %arg3[%get3A_26, %get3A_27] : memref<1000x256xbf16, #tpu.memory_space<vmem>>, vector<1000x256xbf16>
    %convert_element_type3A_29 = arith.extf %get3A_28 : vector<1000x256xbf16> to vector<1000x256xf32>
    %add3A_30 = arith.addf %dot_general3A_25, %convert_element_type3A_29 : vector<1000x256xf32>
    %logistic3A = arith.negf %add3A_30 : vector<1000x256xf32>
    %logistic3A_31 = math.exp %logistic3A : vector<1000x256xf32>
    %logistic3A_32 = arith.constant 1.000000e+00 : f32
    %logistic3A_33 = vector.broadcast %logistic3A_32 : f32 to vector<1000x256xf32>
    %logistic3A_34 = arith.addf %logistic3A_33, %logistic3A_31 : vector<1000x256xf32>
    %logistic3A_35 = arith.divf %logistic3A_33, %logistic3A_34 : vector<1000x256xf32>
    %tanh3A = math.tanh %add3A_20 : vector<1000x256xf32>
    %mul3A = arith.mulf %tanh3A, %logistic3A_35 : vector<1000x256xf32>
    %sub3A = arith.constant 1.000000e+00 : f32
    %sub3A_36 = vector.broadcast %sub3A : f32 to vector<1000x256xf32>
    %sub3A_37 = arith.subf %sub3A_36, %logistic3A_35 : vector<1000x256xf32>
    %mul3A_38 = arith.mulf %get3A_1, %sub3A_37 : vector<1000x256xf32>
    %add3A_39 = arith.addf %mul3A, %mul3A_38 : vector<1000x256xf32>
    %swap3A = arith.constant 0 : index
    %swap3A_40 = arith.constant 0 : index
    %swap3A_41 = vector.load %arg8[%swap3A, %swap3A_40] : memref<1000x256xf32, #tpu.memory_space<vmem>>, vector<1000x256xf32>
    tpu.vector_store %arg8[%swap3A, %swap3A_40], %add3A_39 {strides = array<i32>} : memref<1000x256xf32, #tpu.memory_space<vmem>>, vector<1000x256xf32>,
    return
  }
  func.func @transform_0(%arg0: i32) -> (i32, i32) {
    %c0_i32 = arith.constant 0 : i32
    %c0_i32_0 = arith.constant 0 : i32
    return %arg0, %c0_i32 : i32, i32
  }
  func.func @transform_1(%arg0: i32) -> (i32, i32) {
    %c0_i32 = arith.constant 0 : i32
    %c0_i32_0 = arith.constant 0 : i32
    return %arg0, %c0_i32 : i32, i32
  }
  func.func @transform_2(%arg0: i32) -> (i32, i32) {
    %c0_i32 = arith.constant 0 : i32
    %c0_i32_0 = arith.constant 0 : i32
    return %arg0, %c0_i32 : i32, i32
  }
  func.func @transform_3(%arg0: i32) -> (i32, i32) {
    %c0_i32 = arith.constant 0 : i32
    %c0_i32_0 = arith.constant 0 : i32
    return %arg0, %c0_i32 : i32, i32
  }
  func.func @transform_4(%arg0: i32) -> (i32, i32) {
    %c0_i32 = arith.constant 0 : i32
    %c0_i32_0 = arith.constant 0 : i32
    return %arg0, %c0_i32 : i32, i32
  }
  func.func @transform_5(%arg0: i32) -> (i32, i32) {
    %c0_i32 = arith.constant 0 : i32
    %c0_i32_0 = arith.constant 0 : i32
    %c0_i32_1 = arith.constant 0 : i32
    return %c0_i32, %c0_i32_0 : i32, i32
  }
  func.func @transform_6(%arg0: i32) -> (i32, i32) {
    %c0_i32 = arith.constant 0 : i32
    %c0_i32_0 = arith.constant 0 : i32
    %c0_i32_1 = arith.constant 0 : i32
    return %c0_i32, %c0_i32_0 : i32, i32
  }
  func.func @transform_7(%arg0: i32) -> (i32, i32) {
    %c0_i32 = arith.constant 0 : i32
    %c0_i32_0 = arith.constant 0 : i32
    return %arg0, %c0_i32 : i32, i32
  }
}

module attributes {stable_mosaic.version = 14 : i64} {
  func.func @_tc_pre_body(%arg0: i32, %arg1: memref<1000x256xf32, #tpu.memory_space<vmem>>, %arg2: memref<256x256xf32, #tpu.memory_space<vmem>>, %arg3: memref<256x256xf32, #tpu.memory_space<vmem>>, %arg4: memref<2x256xf32, #tpu.memory_space<vmem>>, %arg5: memref<1000x256xbf16, #tpu.memory_space<vmem>>, %arg6: memref<1000x256xbf16, #tpu.memory_space<vmem>>) attributes {dimension_semantics = [#tpu.dimension_semantics<arbitrary>], iteration_bounds = array<i64: 10>, scalar_prefetch = 0 : i64, scratch_operands = 0 : i64, tpu.core_type = #tpu.core_type<tc>, window_params = [{transform_indices = @transform_0, window_bounds = array<i64: 1000, 256>}, {pipeline_mode = #tpu.pipeline_mode<synchronous>, transform_indices = @transform_1, window_bounds = array<i64: 256, 256>}, {transform_indices = @transform_2, window_bounds = array<i64: 256, 256>}, {pipeline_mode = #tpu.pipeline_mode<synchronous>, transform_indices = @transform_3, window_bounds = array<i64: 2, 256>}, {transform_indices = @transform_4, window_bounds = array<i64: 1000, 256>}, {transform_indices = @transform_5, window_bounds = array<i64: 1000, 256>}]} {
    %get3A = arith.constant 0 : index
    %get3A_0 = arith.constant 0 : index
    %get3A_1 = vector.load %arg1[%get3A, %get3A_0] : memref<1000x256xf32, #tpu.memory_space<vmem>>, vector<1000x256xf32>
    %get3A_2 = arith.constant 0 : index
    %get3A_3 = arith.constant 0 : index
    %get3A_4 = vector.load %arg2[%get3A_2, %get3A_3] : memref<256x256xf32, #tpu.memory_space<vmem>>, vector<256x256xf32>
    %dot_general3A = arith.constant dense<0.000000e+00> : vector<1000x256xf32>
    %dot_general3A_5 = tpu.matmul %get3A_1, %get3A_4, %dot_general3A {dimension_numbers = #tpu.dot_dimension_numbers<[1], [0], [0], [1], [0, 0, 1, 1], [], []>, transpose_lhs_hint = false} : vector<1000x256xf32>, vector<256x256xf32>, vector<1000x256xf32> -> vector<1000x256xf32>
    %get3A_6 = arith.constant 0 : index
    %get3A_7 = arith.constant 0 : index
    %get3A_8 = vector.load %arg4[%get3A_6, %get3A_7] : memref<2x256xf32, #tpu.memory_space<vmem>>, vector<1x256xf32>
    %add3A = vector.broadcast %get3A_8 : vector<1x256xf32> to vector<1000x256xf32>
    %add3A_9 = arith.addf %dot_general3A_5, %add3A : vector<1000x256xf32>
    %get3A_10 = arith.constant 0 : index
    %get3A_11 = arith.constant 0 : index
    %get3A_12 = vector.load %arg3[%get3A_10, %get3A_11] : memref<256x256xf32, #tpu.memory_space<vmem>>, vector<256x256xf32>
    %dot_general3A_13 = arith.constant dense<0.000000e+00> : vector<1000x256xf32>
    %dot_general3A_14 = tpu.matmul %get3A_1, %get3A_12, %dot_general3A_13 {dimension_numbers = #tpu.dot_dimension_numbers<[1], [0], [0], [1], [0, 0, 1, 1], [], []>, transpose_lhs_hint = false} : vector<1000x256xf32>, vector<256x256xf32>, vector<1000x256xf32> -> vector<1000x256xf32>
    %get3A_15 = arith.constant 1 : index
    %get3A_16 = arith.constant 0 : index
    %get3A_17 = vector.load %arg4[%get3A_15, %get3A_16] : memref<2x256xf32, #tpu.memory_space<vmem>>, vector<1x256xf32>
    %add3A_18 = vector.broadcast %get3A_17 : vector<1x256xf32> to vector<1000x256xf32>
    %add3A_19 = arith.addf %dot_general3A_14, %add3A_18 : vector<1000x256xf32>
    %convert_element_type3A = arith.truncf %add3A_9 : vector<1000x256xf32> to vector<1000x256xbf16>
    %swap3A = arith.constant 0 : index
    %swap3A_20 = arith.constant 0 : index
    %swap3A_21 = vector.load %arg5[%swap3A, %swap3A_20] : memref<1000x256xbf16, #tpu.memory_space<vmem>>, vector<1000x256xbf16>
    tpu.vector_store %arg5[%swap3A, %swap3A_20], %convert_element_type3A {strides = array<i32>} : memref<1000x256xbf16, #tpu.memory_space<vmem>>, vector<1000x256xbf16>,
    %convert_element_type3A_22 = arith.truncf %add3A_19 : vector<1000x256xf32> to vector<1000x256xbf16>
    %swap3A_23 = arith.constant 0 : index
    %swap3A_24 = arith.constant 0 : index
    %swap3A_25 = vector.load %arg6[%swap3A_23, %swap3A_24] : memref<1000x256xbf16, #tpu.memory_space<vmem>>, vector<1000x256xbf16>
    tpu.vector_store %arg6[%swap3A_23, %swap3A_24], %convert_element_type3A_22 {strides = array<i32>} : memref<1000x256xbf16, #tpu.memory_space<vmem>>, vector<1000x256xbf16>,
    return
  }
  func.func @transform_0(%arg0: i32) -> (i32, i32) {
    %c0_i32 = arith.constant 0 : i32
    %c0_i32_0 = arith.constant 0 : i32
    return %arg0, %c0_i32 : i32, i32
  }
  func.func @transform_1(%arg0: i32) -> (i32, i32) {
    %c0_i32 = arith.constant 0 : i32
    %c0_i32_0 = arith.constant 0 : i32
    %c0_i32_1 = arith.constant 0 : i32
    return %c0_i32, %c0_i32_0 : i32, i32
  }
  func.func @transform_2(%arg0: i32) -> (i32, i32) {
    %c1_i32 = arith.constant 1 : i32
    %c0_i32 = arith.constant 0 : i32
    %c0_i32_0 = arith.constant 0 : i32
    return %c1_i32, %c0_i32 : i32, i32
  }
  func.func @transform_3(%arg0: i32) -> (i32, i32) {
    %c0_i32 = arith.constant 0 : i32
    %c0_i32_0 = arith.constant 0 : i32
    %c0_i32_1 = arith.constant 0 : i32
    return %c0_i32, %c0_i32_0 : i32, i32
  }
  func.func @transform_4(%arg0: i32) -> (i32, i32) {
    %c0_i32 = arith.constant 0 : i32
    %c0_i32_0 = arith.constant 0 : i32
    return %arg0, %c0_i32 : i32, i32
  }
  func.func @transform_5(%arg0: i32) -> (i32, i32) {
    %c0_i32 = arith.constant 0 : i32
    %c0_i32_0 = arith.constant 0 : i32
    return %arg0, %c0_i32 : i32, i32
  }
}

</mosaic_0001>

<sc_bundles>
// kernel: kernel.5.cloned.1.call-start
scs
__scs_entry_jumppad:
0x0: {  	(pc) =	sbr.rel $0x88, $3  }
0x1: {  	(tag) =	ssettag $0x0;
	lr =	simm.s32 $0x1  }
0x2: {  	[smem:$0x3F99] =	sst lr;
	_ =	strace $0xD0000000  }
0x3: {  	_ = 	snop  }
0x4: {  	_ = 	snop  }
0x5: {  	_ = 	snop  }
0x6: {  	_ = 	snop  }
0x7: {  	_ = 	snop  }
__scs_overlays_trampoline_lowered:
0x8: {  	[smem:$0x3FA8] =	sst s0  }
0x9: {  	[smem:$0x3FA9] =	sst s1  }
0xa: {  	[smem:$0x3FAA] =	sst s2  }
0xb: {  	[smem:$0x3FAB] =	sst s3  }
0xc: {  	[smem:$0x3FAC] =	sst s4  }
0xd: {  	[smem:$0x3FAD] =	sst s5  }
0xe: {  	[smem:$0x3FAE] =	sst s6  }
0xf: {  	[smem:$0x3FAF] =	sst s7  }
0x10: {  	[smem:$0x3FB0] =	sst s8  }
0x11: {  	[smem:$0x3FB1] =	sst s9;
	s0 =	simm.s32 @!p0 $0x0  }
0x12: {  	s1 =	sld [smem:$0x3F97];
	s0 =	simm.s32 @p0 $0x1  }
0x13: {  	[smem:$0x3FB2] =	sst s0;
	s0 =	simm.s32 @!p1 $0x0  }
0x14: {  	s2 =	sld [smem:$0x3F96];
	s0 =	simm.s32 @p1 $0x1  }
0x15: {  	[smem:$0x3FB3] =	sst s0;
	s0 =	simm.s32 @!p2 $0x0  }
0x16: {  	s3 =	sld [smem:$0x3FDB];
	s0 =	simm.s32 @p2 $0x1  }
0x17: {  	s4 =	simm.s32 $0x1BF5;
	[smem:$0x3FB5] =	sst s0  }
0x18: {  	s0 =	sld [smem:$0x3F98];
	_ =	swait.ge [sflag:s4], $0x0  }
0x19: {  	s7 =	sld [smem:$0x3F99]  }
0x1a: {  	s8 =	sadd.s32 $0xFFFFE003, lr  }
0x1b: {  	s9 =	sadd.s32 $0xFFFFFEF7, lr;
	s5 =	simm.s32 $0xFFFFFFFF;
	p2 =	slt.u32 s8, $0xFFFFF086  }
0x1c: {  	p1 =	slt.u32 s9, $0xF7A;
	s5 =	simm.s32 @!p2 $0x0  }
0x1d: {  	s5 =	simm.s32 @p1 $0x1;
	p0 =	seq.s32 s7, s2  }
0x1e: {  	s7 =	smul.u32 @!p0 $0xF7A, s2;
	p2 =	seq.s32 @!p0 s5, $0x0  }
0x1f: {  	s9 =	smul.u32 $0xF7A, s1;
	s8 =	simm.s32 @!p0 $0x1BF5;
	p2 =	por !p2, p0  }
0x20: {  	[sflag:s8] =	ssyncset.s32 @!p0 $0xFFFFF086;
	s6 =	sadd.s32 @!p0 s3, s7;
	s7 =	simm.s32 @!p0 $0x108  }
0x21: {  	s3 =	sadd.s32 s3, s9;
	s6 =	sadd.s32 @!p0 $0x88, s6;
	s7 =	simm.s32 @p2 $0x1082  }
0x22: {  	[simem:s7], [sflag:s8] =	dma.local @!p0 [hbm:s6], $0xF7A  }
0x23: {  	s9 =	sor.u32 $0xD0000000, s2;
	s6 =	simm.s32 $0x108;
	_ =	swait.ge @!p0 [sflag:s8], $0x0  }
0x24: {  	s3 =	sadd.s32 $0x88, s3;
	s6 =	simm.s32 @!p1 $0x1082;
	[sflag:s4] =	ssyncset.s32 $0xFFFFF086  }
0x25: {  	[simem:s6], [sflag:s4] =	dma.local [hbm:s3], $0xF7A  }
0x26: {  	[smem:$0x3F99] =	sst s1;
	(tag) =	ssettag s2;
	_ =	strace s9  }
0x27: {  	s1 =	sld [smem:$0x3FA9]  }
0x28: {  	s2 =	sld [smem:$0x3FAA]  }
0x29: {  	s4 =	sld [smem:$0x3FAC]  }
0x2a: {  	p0 =	seq.s32 s5, $0x0;
	s5 =	sld [smem:$0x3FAD]  }
0x2b: {  	s6 =	sld [smem:$0x3FAE]  }
0x2c: {  	s7 =	sld [smem:$0x3FAF]  }
0x2d: {  	s3 =	simm.s32 $0x108;
	s8 =	sld [smem:$0x3FB0]  }
0x2e: {  	s3 =	simm.s32 @!p0 $0x1082;
	s9 =	sld [smem:$0x3FB1]  }
0x2f: {  	lr =	sadd.s32 s0, s3;
	s0 =	sld [smem:$0x3FA8]  }
0x30: {  	s3 =	sld [smem:$0x3FAB]  }
0x31: {  	[smem:$0x3FB4] =	sst s10  }
0x32: {  	s10 =	sld [smem:$0x3FB2];
	_ =	sdelay $0x3  }
0x33: {  	p0 =	seq.s32 s10, $0x1;
	s10 =	sld [smem:$0x3FB4];
	_ =	sdelay $0x3  }
0x34: {  	[smem:$0x3FB4] =	sst s10  }
0x35: {  	s10 =	sld [smem:$0x3FB3];
	_ =	sdelay $0x3  }
0x36: {  	p1 =	seq.s32 s10, $0x1;
	s10 =	sld [smem:$0x3FB4];
	_ =	sdelay $0x3  }
0x37: {  	[smem:$0x3FB4] =	sst s10  }
0x38: {  	s10 =	sld [smem:$0x3FB5]  }
0x39: {  	_ = 	snop;
	(pc) =	sbr.ind lr, $3  }
0x3a: {  	_ = 	snop  }
0x3b: {  	_ = 	snop  }
0x3c: {  	p2 =	seq.s32 s10, $0x1;
	s10 =	sld [smem:$0x3FB4]  }
0x3d: {  	_ =	shalt  }
0x3e: {  	_ =	shalt  }
0x3f: {  	_ =	shalt  }
0x40: {  	_ =	shalt  }
0x41: {  	_ =	shalt  }
0x42: {  	_ =	shalt  }
0x43: {  	_ =	shalt  }
0x44: {  	_ =	shalt  }
0x45: {  	_ =	shalt  }
0x46: {  	_ =	shalt  }
0x47: {  	_ =	shalt  }
0x48: {  	_ =	shalt  }
0x49: {  	_ =	shalt  }
0x4a: {  	_ =	shalt  }
0x4b: {  	_ =	shalt  }
0x4c: {  	_ =	shalt  }
0x4d: {  	_ =	shalt  }
0x4e: {  	_ =	shalt  }
0x4f: {  	_ =	shalt  }
0x50: {  	_ =	shalt  }
0x51: {  	_ =	shalt  }
0x52: {  	_ =	shalt  }
0x53: {  	_ =	shalt  }
0x54: {  	_ =	shalt  }
0x55: {  	_ =	shalt  }
0x56: {  	_ =	shalt  }
0x57: {  	_ =	shalt  }
0x58: {  	_ =	shalt  }
0x59: {  	_ =	shalt  }
0x5a: {  	_ =	shalt  }
0x5b: {  	_ =	shalt  }
0x5c: {  	_ =	shalt  }
0x5d: {  	_ =	shalt  }
0x5e: {  	_ =	shalt  }
0x5f: {  	_ =	shalt  }
0x60: {  	_ =	shalt  }
0x61: {  	_ =	shalt  }
0x62: {  	_ =	shalt  }
0x63: {  	_ =	shalt  }
0x64: {  	_ =	shalt  }
0x65: {  	_ =	shalt  }
0x66: {  	_ =	shalt  }
0x67: {  	_ =	shalt  }
0x68: {  	_ =	shalt  }
0x69: {  	_ =	shalt  }
0x6a: {  	_ =	shalt  }
0x6b: {  	_ =	shalt  }
0x6c: {  	_ =	shalt  }
0x6d: {  	_ =	shalt  }
0x6e: {  	_ =	shalt  }
0x6f: {  	_ =	shalt  }
0x70: {  	_ =	shalt  }
0x71: {  	_ =	shalt  }
0x72: {  	_ =	shalt  }
0x73: {  	_ =	shalt  }
0x74: {  	_ =	shalt  }
0x75: {  	_ =	shalt  }
0x76: {  	_ =	shalt  }
0x77: {  	_ =	shalt  }
0x78: {  	_ =	shalt  }
0x79: {  	_ =	shalt  }
0x7a: {  	_ =	shalt  }
0x7b: {  	_ =	shalt  }
0x7c: {  	_ =	shalt  }
0x7d: {  	_ =	shalt  }
0x7e: {  	_ =	shalt  }
0x7f: {  	_ =	shalt  }
0x80: {  	_ =	shalt  }
0x81: {  	_ =	shalt  }
0x82: {  	_ =	shalt  }
0x83: {  	_ =	shalt  }
0x84: {  	_ =	shalt  }
0x85: {  	_ =	shalt  }
0x86: {  	_ =	shalt  }
0x87: {  	_ =	shalt  }
.Lfunc_end0:
.L_simem_size_0:
called_computation_lowered:
.L_overlay_start_0:
0x88: {  	s2 =	sld [smem:$0x3FD9]  }
0x89: {  	s3 =	sld [smem:$0x3FFE];
	_ =	sdelay $0x1  }
0x8a: {  	s1 =	srdreg.scid  }
0x8b: {  	s0 =	sand.u32 $0x1, s1  }
0x8c: {  	s17 =	sshll.u32 s0, $0xA;
	s2 =	sadd.s32 s3, s2  }
0x8d: {  	s2 =	sadd.s32 s2, s17  }
0x8e: {  	[smem:$0x3FC0] =	sst s2  }
0x8f: {  	_ = 	snop  }
0x90: {  	s2 =	sld [smem:$0x3FD0];
	(tm) =	ssettm $0x1  }
0x91: {  	s18 =	sld [smem:$0x3FFB];
	_ =	sdelay $0x3  }
0x92: {  	_ =	strace s18  }
0x93: {  	s3 =	sld [smem:$0x3FFC];
	_ =	sdelay $0x3  }
0x94: {  	_ =	strace s3  }
0x95: {  	s3 =	sld [smem:$0x3FFD];
	_ =	sdelay $0x3  }
0x96: {  	_ =	strace s3  }
0x97: {  	_ =	strace $0x8FFFFFFF  }
0x98: {  	s19 =	sld [smem:$0x3FDB];
	_ =	sdelay $0x1  }
0x99: {  	s4 =	simm.s32 $_scs_section_size  }
0x9a: {  	s5 =	simm.s32 $_size__tile_overlayer_lowered;
	s6 =	simm.s32 $_tile_overlayer_lowered  }
0x9b: {  	s22 =	simm.s32 $0x1BFF;
	s21 =	sshll.u32 s6, $0x1;
	s3 =	sadd.s32 s4, s19  }
0x9c: {  	s7 =	simm.s32 $0x0;
	s20 =	sshll.u32 s5, $0x1;
	s5 =	sadd.s32 s21, s3  }
0x9d: {  	[timem:s7], [sflag:s22] =	dma.local [hbm:s5], s20  }
0x9e: {  	_ =	swait.ge [sflag:s22], s20  }
0x9f: {  	s4 =	ssub.s32 $0x0, s20;
	[sflag:s22] =	ssyncset.done $0x0  }
0xa0: {  	[sflag:s22] =	ssyncadd.s32 s4;
	_ =	sdelay $0x1  }
0xa1: {  	s23 =	simm.s32 $0x1B8B  }
0xa2: {  	_ =	swait.ge [sflag:s23], $0x1  }
0xa3: {  	[sflag:s23] =	ssyncset.done $0x0  }
0xa4: {  	s25 =	simm.s32 $0x1B8E;
	s24 =	sld [smem:$0x3FFE];
	[sflag:s23] =	ssyncadd.s32 $0xFFFFFFFF  }
0xa5: {  	s26 =	simm.s32 $execute0_lowered;
	[smem:$0x3FD2] =	sst s25  }
0xa6: {  	s5 =	sshll.u32 s26, $0x1;
	_ =	strace $0x80000046;
	[dreg:$0x1] =	wrdreg $0xFFFFFFFF  }
0xa7: {  	s28 =	simm.s32 $_size_execute0_lowered;
	s3 =	sadd.s32 s3, s5;
	[dreg:$0x0] =	wrdreg $0x0  }
0xa8: {  	s5 =	sshll.u32 s28, $0x1;
	[dreg:$0x2] =	wrdreg s3  }
0xa9: {  	[dreg:$0x3] =	wrdreg s5  }
0xaa: {  	[dreg:$0x4] =	wrdreg $0xC0  }
0xab: {  	_ =	task [dreg:s7], $0x5FFFF  }
0xac: {  	[dreg:$0x1] =	wrdreg $0xFFFFFFFF  }
0xad: {  	[dreg:$0x0] =	wrdreg $0x60  }
0xae: {  	[dreg:$0x2] =	wrdreg s24  }
0xaf: {  	[dreg:$0x3] =	wrdreg s2  }
0xb0: {  	[dreg:$0x4] =	wrdreg $0xA8000  }
0xb1: {  	[dreg:$0x5] =	wrdreg $0x9  }
0xb2: {  	_ =	task.clear_ibuf [dreg:s7], $0x6FFFF;
	_ =	strace $0x90000046  }
0xb3: {  	s29 =	simm.s32 $0x9;
	_ =	strace $0x80000048  }
0xb4: {  	_ =	swait.ge [sflag:s29], $0x1  }
0xb5: {  	[sflag:s29] =	ssyncadd.s32 $0xFFFFFFFF  }
0xb6: {  	_ =	strace $0x90000048  }
0xb7: {  	_ =	sfence  }
0xb8: {  	s30 =	sld [smem:$0x0];
	_ =	sdelay $0x2  }
0xb9: {  	s31 =	sshll.u32 s1, $0xD;
	s1 =	sshrl.u32 s1, $0x2  }
0xba: {  	s3 =	sand.u32 $0x4000, s31;
	s1 =	sadd.s32 s1, s30  }
0xbb: {  	s0 =	sor.u32 s3, s0;
	s1 =	sshll.u32 s1, $0x11  }
0xbc: {  	s0 =	sor.u32 s1, s0  }
0xbd: {  	s0 =	sadd.s32 $0x8F2B, s0  }
0xbe: {  	[sflag:s0] =	ssyncadd.remote.s32 $0x1  }
0xbf: {  	_ =	sfence.sel $0xFFFF  }
0xc0: {  	[dreg:$0x0] =	wrdreg $0xFFFFFFFF;
	(pc) =	sbr.abs _section_cstart, $3  }
0xc1: {  	[dreg:$0x1] =	wrdreg $0xFFFFFFFF  }
0xc2: {  	_ =	task.clear_ibuf [dreg:s7], $0x2FFFF;
	_ =	strace $0x9FFFFFFF  }
0xc3: {  	(tm) =	ssettm $0x7FFFFFFF  }
tec
execute0_lowered:
.L_overlay_start_1:
0x0: {  	(tag) =	ssettag $0x1  }
0x1: {  	s0 =	rddreg [dreg:$0x0];
	s11 =	stileid.u32  }
0x2: {  	s1 =	rddreg [dreg:$0x1];
	s5 =	smul.u32 $0x5000, s11  }
0x3: {  	s2 =	rddreg [dreg:$0x2]  }
0x4: {  	s3 =	simm.s32 $0x0;
	s8 =	smul.u32 $0x4F000, s11;
	s7 =	sshrl.u32 s5, $0x3  }
0x5: {  	[smem:$0x7FF] =	sst s3;
	s9 =	sadd.s32 s7, s0  }
0x6: {  	_ =	strace $0x80000047;
	s8 =	sshrl.u32 s8, $0x2;
	s17 =	sadd.s32 $0x51600, s9  }
0x7: {  	s7 =	sadd.s32 s8, s2;
	s18 =	sadd.s32 $0x5B600, s9;
	[dreg:$0x4] =	wrdreg s17  }
0x8: {  	s6 =	srdreg.scid;
	s19 =	sadd.s32 $0x1000, s7;
	[dreg:$0x5] =	wrdreg s18  }
0x9: {  	s28 =	simm.s32 $0x1B00;
	s20 =	sadd.s32 $0x2000, s7;
	[dreg:$0x6] =	wrdreg s19  }
0xa: {  	s29 =	simm.s32 $0x1B80;
	s21 =	sadd.s32 $0x3000, s7;
	[dreg:$0x7] =	wrdreg s20  }
0xb: {  	s30 =	simm.s32 $0x1C00;
	s22 =	sadd.s32 $0x4000, s7;
	[dreg:$0x8] =	wrdreg s21  }
0xc: {  	s4 =	sadd.s32 $0x2A400, s0;
	s23 =	sadd.s32 $0x5000, s7;
	[dreg:$0x9] =	wrdreg s22  }
0xd: {  	s6 =	sand.u32 $0x1, s6;
	s24 =	sadd.s32 $0x6000, s7;
	[dreg:$0xa] =	wrdreg s23  }
0xe: {  	s11 =	smul.u32 $0x2780, s11;
	s25 =	sadd.s32 $0x51800, s9;
	[dreg:$0xb] =	wrdreg s24  }
0xf: {  	s16 =	ssub.s32 $0x2, s6;
	s26 =	sadd.s32 $0x5B800, s9;
	[dreg:$0xc] =	wrdreg s25  }
0x10: {  	p0 =	seq.s32 s6, $0x0;
	s8 =	sadd.s32 $0x51A00, s9;
	[dreg:$0xd] =	wrdreg s26  }
0x11: {  	s5 =	sadd.s32 $0x3200, s0;
	s12 =	sadd.s32 $0x5BA00, s9;
	[dreg:$0xe] =	wrdreg s8  }
0x12: {  	s10 =	sshrl.u32 s16, $0x1;
	s13 =	sadd.s32 $0x51C00, s9;
	[dreg:$0xf] =	wrdreg s12  }
0x13: {  	s0 =	sadd.s32 $0x65600, s0;
	s14 =	sadd.s32 $0x5BC00, s9;
	[dreg:$0x10] =	wrdreg s13  }
0x14: {  	s10 =	ssub.s32 s16, s10;
	s15 =	sadd.s32 $0x51E00, s9;
	[dreg:$0x11] =	wrdreg s14  }
0x15: {  	s0 =	smov.u32 @p0 s1;
	s16 =	sadd.s32 $0x5BE00, s9;
	[dreg:$0x12] =	wrdreg s15  }
0x16: {  	s31 =	simm.s32 $0x0;
	s0 =	sadd.s32 s0, s11;
	[dreg:$0x14] =	wrdreg s16  }
0x17: {  	s9 =	sadd.s32 $0x10000, s7;
	s17 =	smax.u32 s10, $0x1;
	[dreg:$0x13] =	wrdreg s0  }
0x18: {  	s23 =	smov.u32 s5;
	s18 =	sadd.s32 $0x7000, s7;
	[dreg:$0x15] =	wrdreg s17  }
0x19: {  	s19 =	sadd.s32 $0x8000, s7;
	s20 =	sadd.s32 $0x9000, s7;
	[dreg:$0x16] =	wrdreg s18  }
0x1a: {  	s21 =	sadd.s32 $0xA000, s7;
	s22 =	sadd.s32 $0xB000, s7;
	[dreg:$0x17] =	wrdreg s19  }
0x1b: {  	s24 =	sadd.s32 $0xC000, s7;
	s25 =	sadd.s32 $0xD000, s7;
	[dreg:$0x18] =	wrdreg s20  }
0x1c: {  	s26 =	sadd.s32 $0xE000, s7;
	s8 =	sadd.s32 $0xF000, s7;
	[dreg:$0x19] =	wrdreg s21  }
0x1d: {  	s10 =	sadd.s32 $0x11000, s7;
	s11 =	sadd.s32 $0x12000, s7;
	[dreg:$0x1a] =	wrdreg s22  }
0x1e: {  	s12 =	sadd.s32 $0x13000, s7;
	s13 =	simm.s32 $0x4;
	[dreg:$0x1b] =	wrdreg s24  }
0x1f: {  	s14 =	simm.s32 $0x1000;
	s15 =	simm.s32 $0x50;
	[dreg:$0x1c] =	wrdreg s25  }
0x20: {  	s16 =	simm.s32 $0x2000;
	s23 =	smov.u32 @p0 s4;
	[dreg:$0x1d] =	wrdreg s26  }
0x21: {  	s17 =	simm.s32 $0x80;
	s18 =	simm.s32 $0x4800;
	s19 =	simm.s32 $0x100  }
0x22: {  	s20 =	simm.s32 $0x7000;
	s21 =	simm.s32 $0x9800;
	s22 =	simm.s32 $0x1  }
0x23: {  	v0 =	vimm.f32 $0.0e+00;
	s24 =	simm.s32 $0x2;
	s25 =	simm.s32 $0x3;
	s26 =	simm.s32 $0x1A80  }
.LBB2_1:
0x24: {  	s0 =	rddreg [dreg:$0x4]  }
0x25: {  	[tilespmem:s3], [sflag:$0x4] =	stream.linear.gather [hbm4b:s0+s3], $0xC80, $0x38;
	[tilespmem:$0x1E400] =	vst v63  }
0x26: {  	_ =	swait.ge [sflag:s13], $0xC80  }
0x27: {  	[sflag:s13] =	ssyncset.done $0x0  }
0x28: {  	s6 =	rddreg [dreg:$0x5];
	[sflag:s13] =	ssyncadd.s32 $0xFFFFF380  }
0x29: {  	[tilespmem:s14], [sflag:$0x4] =	stream.linear.gather [hbm4b:s6+s3], $0xC80, $0x38;
	[tilespmem:$0x1E400] =	vst v63  }
0x2a: {  	_ =	swait.ge [sflag:s13], $0xC80  }
0x2b: {  	[sflag:s13] =	ssyncset.done $0x0  }
0x2c: {  	[sflag:s13] =	ssyncadd.s32 $0xFFFFF380  }
0x2d: {  	[tilespmem:s16], [sflag:$0x1] =	stream.indirect.gather [hbm4b:s23+s15], $0x80, s3, s15, $0xb8;
	[tilespmem:$0x1E400] =	vst v63  }
0x2e: {  	_ = 	snop  }
0x2f: {  	[tilespmem:s18], [sflag:$0x2] =	stream.indirect.gather [hbm4b:s23+s15], $0x80, s17, s15, $0xb8;
	[tilespmem:$0x1E400] =	vst v63  }
0x30: {  	s1 =	simm.s32 $0x200;
	s0 =	simm.s32 $0x0  }
0x31: {  	[tilespmem:s20], [sflag:$0x3] =	stream.indirect.gather [hbm4b:s23+s15], $0x80, s19, s15, $0xb8;
	[tilespmem:$0x1E400] =	vst v63  }
.LBB2_2:
0x32: {  	p1 =	sne.s32 s1, $0x3E00;
	[tilespmem:s0+$0x9870] =	vst v0  }
0x33: {  	[tilespmem:s0+$0x9800] =	vst v0  }
0x34: {  	[tilespmem:s0+$0x9810] =	vst v0  }
.Ltmp0:
0x35: {  	[tilespmem:s0+$0x9820] =	vst v0;
	(pc) =	sbr.rel @p1 .LBB2_2-.Ltmp0, $4  }
0x36: {  	[tilespmem:s0+$0x9830] =	vst v0  }
0x37: {  	[tilespmem:s0+$0x9840] =	vst v0  }
0x38: {  	[tilespmem:s0+$0x9850] =	vst v0  }
0x39: {  	[tilespmem:s0+$0x9860] =	vst v0;
	s0 =	sshra.s32 s1, $0x2;
	s1 =	sadd.s32 $0x200, s1  }
0x3a: {  	[tilespmem:s0+$0x9870] =	vst v0  }
0x3b: {  	[tilespmem:s0+$0x9800] =	vst v0  }
0x3c: {  	[tilespmem:s0+$0x9810] =	vst v0  }
0x3d: {  	[tilespmem:s0+$0x9820] =	vst v0  }
0x3e: {  	[tilespmem:s0+$0x9830] =	vst v0  }
0x3f: {  	[tilespmem:s0+$0x9840] =	vst v0  }
0x40: {  	[tilespmem:s0+$0x9850] =	vst v0  }
0x41: {  	[tilespmem:s0+$0x9860] =	vst v0  }
0x42: {  	[spmem:s7] =	stream.linear.scatter [tilespmem:s21], [sflag:$0x4], $0x1000, $0x38;
	[tilespmem:$0x1E400] =	vst v63  }
0x43: {  	_ =	swait.ge [sflag:s13], $0x1000  }
0x44: {  	[sflag:s13] =	ssyncset.done $0x0  }
0x45: {  	s6 =	rddreg [dreg:$0x6];
	[sflag:s13] =	ssyncadd.s32 $0xFFFFF000  }
0x46: {  	[spmem:s6] =	stream.linear.scatter [tilespmem:s21], [sflag:$0x4], $0x1000, $0x38;
	[tilespmem:$0x1E400] =	vst v63  }
0x47: {  	_ =	swait.ge [sflag:s13], $0x1000  }
0x48: {  	[sflag:s13] =	ssyncset.done $0x0  }
0x49: {  	s1 =	rddreg [dreg:$0x7];
	[sflag:s13] =	ssyncadd.s32 $0xFFFFF000  }
0x4a: {  	[spmem:s1] =	stream.linear.scatter [tilespmem:s21], [sflag:$0x4], $0x1000, $0x38;
	[tilespmem:$0x1E400] =	vst v63  }
0x4b: {  	_ =	swait.ge [sflag:s13], $0x1000  }
0x4c: {  	[sflag:s13] =	ssyncset.done $0x0  }
0x4d: {  	s6 =	rddreg [dreg:$0x8];
	[sflag:s13] =	ssyncadd.s32 $0xFFFFF000  }
0x4e: {  	[spmem:s6] =	stream.linear.scatter [tilespmem:s21], [sflag:$0x4], $0x1000, $0x38;
	[tilespmem:$0x1E400] =	vst v63  }
0x4f: {  	_ =	swait.ge [sflag:s13], $0x1000  }
0x50: {  	[sflag:s13] =	ssyncset.done $0x0  }
0x51: {  	s1 =	rddreg [dreg:$0x9];
	[sflag:s13] =	ssyncadd.s32 $0xFFFFF000  }
0x52: {  	[spmem:s1] =	stream.linear.scatter [tilespmem:s21], [sflag:$0x4], $0x1000, $0x38;
	[tilespmem:$0x1E400] =	vst v63  }
0x53: {  	_ =	swait.ge [sflag:s13], $0x1000  }
0x54: {  	[sflag:s13] =	ssyncset.done $0x0  }
0x55: {  	s6 =	rddreg [dreg:$0xa];
	[sflag:s13] =	ssyncadd.s32 $0xFFFFF000  }
0x56: {  	[spmem:s6] =	stream.linear.scatter [tilespmem:s21], [sflag:$0x4], $0x1000, $0x38;
	[tilespmem:$0x1E400] =	vst v63  }
0x57: {  	_ =	swait.ge [sflag:s13], $0x1000  }
0x58: {  	[sflag:s13] =	ssyncset.done $0x0  }
0x59: {  	s1 =	rddreg [dreg:$0xb];
	[sflag:s13] =	ssyncadd.s32 $0xFFFFF000  }
0x5a: {  	[spmem:s1] =	stream.linear.scatter [tilespmem:s21], [sflag:$0x4], $0x1000, $0x38;
	[tilespmem:$0x1E400] =	vst v63  }
0x5b: {  	_ =	swait.ge [sflag:s13], $0x1000  }
0x5c: {  	[sflag:s13] =	ssyncset.done $0x0  }
0x5d: {  	s6 =	rddreg [dreg:$0x16];
	[sflag:s13] =	ssyncadd.s32 $0xFFFFF000  }
0x5e: {  	[spmem:s6] =	stream.linear.scatter [tilespmem:s21], [sflag:$0x4], $0x1000, $0x38;
	[tilespmem:$0x1E400] =	vst v63  }
0x5f: {  	_ =	swait.ge [sflag:s13], $0x1000  }
0x60: {  	[sflag:s13] =	ssyncset.done $0x0  }
0x61: {  	s1 =	rddreg [dreg:$0x17];
	[sflag:s13] =	ssyncadd.s32 $0xFFFFF000  }
0x62: {  	[spmem:s1] =	stream.linear.scatter [tilespmem:s21], [sflag:$0x4], $0x1000, $0x38;
	[tilespmem:$0x1E400] =	vst v63  }
0x63: {  	_ =	swait.ge [sflag:s13], $0x1000  }
0x64: {  	[sflag:s13] =	ssyncset.done $0x0  }
0x65: {  	s6 =	rddreg [dreg:$0x18];
	[sflag:s13] =	ssyncadd.s32 $0xFFFFF000  }
0x66: {  	[spmem:s6] =	stream.linear.scatter [tilespmem:s21], [sflag:$0x4], $0x1000, $0x38;
	[tilespmem:$0x1E400] =	vst v63  }
0x67: {  	_ =	swait.ge [sflag:s13], $0x1000  }
0x68: {  	[sflag:s13] =	ssyncset.done $0x0  }
0x69: {  	s1 =	rddreg [dreg:$0x19];
	[sflag:s13] =	ssyncadd.s32 $0xFFFFF000  }
0x6a: {  	[spmem:s1] =	stream.linear.scatter [tilespmem:s21], [sflag:$0x4], $0x1000, $0x38;
	[tilespmem:$0x1E400] =	vst v63  }
0x6b: {  	_ =	swait.ge [sflag:s13], $0x1000  }
0x6c: {  	[sflag:s13] =	ssyncset.done $0x0  }
0x6d: {  	s6 =	rddreg [dreg:$0x1a];
	[sflag:s13] =	ssyncadd.s32 $0xFFFFF000  }
0x6e: {  	[spmem:s6] =	stream.linear.scatter [tilespmem:s21], [sflag:$0x4], $0x1000, $0x38;
	[tilespmem:$0x1E400] =	vst v63  }
0x6f: {  	_ =	swait.ge [sflag:s13], $0x1000  }
0x70: {  	[sflag:s13] =	ssyncset.done $0x0  }
0x71: {  	s1 =	rddreg [dreg:$0x1b];
	[sflag:s13] =	ssyncadd.s32 $0xFFFFF000  }
0x72: {  	[spmem:s1] =	stream.linear.scatter [tilespmem:s21], [sflag:$0x4], $0x1000, $0x38;
	[tilespmem:$0x1E400] =	vst v63  }
0x73: {  	_ =	swait.ge [sflag:s13], $0x1000  }
0x74: {  	[sflag:s13] =	ssyncset.done $0x0  }
0x75: {  	s6 =	rddreg [dreg:$0x1c];
	[sflag:s13] =	ssyncadd.s32 $0xFFFFF000  }
0x76: {  	[spmem:s6] =	stream.linear.scatter [tilespmem:s21], [sflag:$0x4], $0x1000, $0x38;
	[tilespmem:$0x1E400] =	vst v63  }
0x77: {  	_ =	swait.ge [sflag:s13], $0x1000  }
0x78: {  	[sflag:s13] =	ssyncset.done $0x0  }
0x79: {  	s1 =	rddreg [dreg:$0x1d];
	[sflag:s13] =	ssyncadd.s32 $0xFFFFF000  }
0x7a: {  	[spmem:s1] =	stream.linear.scatter [tilespmem:s21], [sflag:$0x4], $0x1000, $0x38;
	[tilespmem:$0x1E400] =	vst v63  }
0x7b: {  	_ =	swait.ge [sflag:s13], $0x1000  }
0x7c: {  	[sflag:s13] =	ssyncset.done $0x0  }
0x7d: {  	[sflag:s13] =	ssyncadd.s32 $0xFFFFF000  }
0x7e: {  	[spmem:s8] =	stream.linear.scatter [tilespmem:s21], [sflag:$0x4], $0x1000, $0x38;
	[tilespmem:$0x1E400] =	vst v63  }
0x7f: {  	_ =	swait.ge [sflag:s13], $0x1000  }
0x80: {  	[sflag:s13] =	ssyncset.done $0x0  }
0x81: {  	[sflag:s13] =	ssyncadd.s32 $0xFFFFF000  }
0x82: {  	[spmem:s9] =	stream.linear.scatter [tilespmem:s21], [sflag:$0x4], $0x1000, $0x38;
	[tilespmem:$0x1E400] =	vst v63  }
0x83: {  	_ =	swait.ge [sflag:s13], $0x1000  }
0x84: {  	[sflag:s13] =	ssyncset.done $0x0  }
0x85: {  	[sflag:s13] =	ssyncadd.s32 $0xFFFFF000  }
0x86: {  	[spmem:s10] =	stream.linear.scatter [tilespmem:s21], [sflag:$0x4], $0x1000, $0x38;
	[tilespmem:$0x1E400] =	vst v63  }
0x87: {  	_ =	swait.ge [sflag:s13], $0x1000  }
0x88: {  	[sflag:s13] =	ssyncset.done $0x0  }
0x89: {  	[sflag:s13] =	ssyncadd.s32 $0xFFFFF000  }
0x8a: {  	[spmem:s11] =	stream.linear.scatter [tilespmem:s21], [sflag:$0x4], $0x1000, $0x38;
	[tilespmem:$0x1E400] =	vst v63  }
0x8b: {  	_ =	swait.ge [sflag:s13], $0x1000  }
0x8c: {  	[sflag:s13] =	ssyncset.done $0x0  }
0x8d: {  	[sflag:s13] =	ssyncadd.s32 $0xFFFFF000  }
0x8e: {  	[spmem:s12] =	stream.linear.scatter [tilespmem:s21], [sflag:$0x4], $0xC00, $0x38;
	[tilespmem:$0x1E400] =	vst v63  }
0x8f: {  	_ =	swait.ge [sflag:s13], $0xC00  }
0x90: {  	[sflag:s13] =	ssyncset.done $0x0  }
0x91: {  	[sflag:s13] =	ssyncadd.s32 $0xFFFFF400  }
0x92: {  	[bflag:$0x0] =	sbarrier.arrive $0xFFFF  }
0x93: {  	_ =	swait.ge [sflag:s22], $0x2800  }
0x94: {  	[sflag:s22] =	ssyncset.done $0x0  }
0x95: {  	s6 =	simm.s32 $0x1000;
	[sflag:s22] =	ssyncadd.s32 $0xFFFFD800  }
0x96: {  	[spmem:s2] =	stream.indirect.scatter.add.f32 [tilespmem:s16], [sflag:$0x4], $0x80, s6, s15, $0xb8;
	[tilespmem:$0x1E400] =	vst v63  }
0x97: {  	_ =	swait.ge [sflag:s13], $0x2800  }
0x98: {  	[sflag:s13] =	ssyncset.done $0x0  }
0x99: {  	s1 =	simm.s32 $0x180;
	[sflag:s13] =	ssyncadd.s32 $0xFFFFD800  }
0x9a: {  	[tilespmem:s16], [sflag:$0x1] =	stream.indirect.gather [hbm4b:s23+s15], $0x80, s1, s15, $0xb8;
	[tilespmem:$0x1E400] =	vst v63  }
0x9b: {  	_ =	swait.ge [sflag:s24], $0x2800  }
0x9c: {  	[sflag:s24] =	ssyncset.done $0x0  }
0x9d: {  	s6 =	simm.s32 $0x1080;
	[sflag:s24] =	ssyncadd.s32 $0xFFFFD800  }
0x9e: {  	[spmem:s2] =	stream.indirect.scatter.add.f32 [tilespmem:s18], [sflag:$0x4], $0x80, s6, s15, $0xb8;
	[tilespmem:$0x1E400] =	vst v63  }
0x9f: {  	_ =	swait.ge [sflag:s13], $0x2800  }
0xa0: {  	[sflag:s13] =	ssyncset.done $0x0  }
0xa1: {  	s1 =	simm.s32 $0x200;
	[sflag:s13] =	ssyncadd.s32 $0xFFFFD800  }
0xa2: {  	[tilespmem:s18], [sflag:$0x2] =	stream.indirect.gather [hbm4b:s23+s15], $0x80, s1, s15, $0xb8;
	[tilespmem:$0x1E400] =	vst v63  }
0xa3: {  	_ =	swait.ge [sflag:s25], $0x2800  }
0xa4: {  	[sflag:s25] =	ssyncset.done $0x0  }
0xa5: {  	s6 =	simm.s32 $0x1100;
	[sflag:s25] =	ssyncadd.s32 $0xFFFFD800  }
0xa6: {  	[spmem:s2] =	stream.indirect.scatter.add.f32 [tilespmem:s20], [sflag:$0x4], $0x80, s6, s15, $0xb8;
	[tilespmem:$0x1E400] =	vst v63  }
0xa7: {  	_ =	swait.ge [sflag:s13], $0x2800  }
0xa8: {  	[sflag:s13] =	ssyncset.done $0x0  }
0xa9: {  	s0 =	simm.s32 $0x600;
	s1 =	simm.s32 $0x280;
	[sflag:s13] =	ssyncadd.s32 $0xFFFFD800  }
.LBB2_4:
0xaa: {  	[tilespmem:s20], [sflag:$0x3] =	stream.indirect.gather [hbm4b:s23+s15], $0x80, s1, s15, $0xb8;
	[tilespmem:$0x1E400] =	vst v63  }
0xab: {  	s1 =	smov.u32 s0  }
0xac: {  	p1 =	sne.s32 s0, $0x2400;
	s0 =	sadd.s32 $0x600, s0;
	_ =	swait.ge [sflag:s22], $0x2800  }
0xad: {  	s1 =	sshra.s32 s1, $0x2;
	[sflag:s22] =	ssyncset.done $0x0  }
0xae: {  	s6 =	sadd.s32 $0x1000, s1;
	[sflag:s22] =	ssyncadd.s32 $0xFFFFD800  }
0xaf: {  	[spmem:s2] =	stream.indirect.scatter.add.f32 [tilespmem:s16], [sflag:$0x4], $0x80, s6, s15, $0xb8;
	[tilespmem:$0x1E400] =	vst v63  }
0xb0: {  	_ =	swait.ge [sflag:s13], $0x2800  }
0xb1: {  	[sflag:s13] =	ssyncset.done $0x0  }
0xb2: {  	s6 =	sadd.s32 $0x180, s1;
	[sflag:s13] =	ssyncadd.s32 $0xFFFFD800  }
0xb3: {  	[tilespmem:s16], [sflag:$0x1] =	stream.indirect.gather [hbm4b:s23+s15], $0x80, s6, s15, $0xb8;
	[tilespmem:$0x1E400] =	vst v63  }
0xb4: {  	_ =	swait.ge [sflag:s24], $0x2800  }
0xb5: {  	[sflag:s24] =	ssyncset.done $0x0  }
0xb6: {  	s6 =	sadd.s32 $0x1080, s1;
	[sflag:s24] =	ssyncadd.s32 $0xFFFFD800  }
0xb7: {  	[spmem:s2] =	stream.indirect.scatter.add.f32 [tilespmem:s18], [sflag:$0x4], $0x80, s6, s15, $0xb8;
	[tilespmem:$0x1E400] =	vst v63  }
0xb8: {  	_ =	swait.ge [sflag:s13], $0x2800  }
0xb9: {  	[sflag:s13] =	ssyncset.done $0x0  }
0xba: {  	s6 =	sadd.s32 $0x200, s1;
	[sflag:s13] =	ssyncadd.s32 $0xFFFFD800  }
0xbb: {  	[tilespmem:s18], [sflag:$0x2] =	stream.indirect.gather [hbm4b:s23+s15], $0x80, s6, s15, $0xb8;
	[tilespmem:$0x1E400] =	vst v63  }
0xbc: {  	_ =	swait.ge [sflag:s25], $0x2800  }
0xbd: {  	[sflag:s25] =	ssyncset.done $0x0  }
.Ltmp1:
0xbe: {  	s6 =	sadd.s32 $0x1100, s1;
	[sflag:s25] =	ssyncadd.s32 $0xFFFFD800;
	(pc) =	sbr.rel @p1 .LBB2_4-.Ltmp1, $4  }
0xbf: {  	[spmem:s2] =	stream.indirect.scatter.add.f32 [tilespmem:s20], [sflag:$0x4], $0x80, s6, s15, $0xb8;
	[tilespmem:$0x1E400] =	vst v63  }
0xc0: {  	_ =	swait.ge [sflag:s13], $0x2800  }
0xc1: {  	[sflag:s13] =	ssyncset.done $0x0  }
0xc2: {  	s1 =	sadd.s32 $0x280, s1;
	[sflag:s13] =	ssyncadd.s32 $0xFFFFD800  }
0xc3: {  	[tilespmem:s20], [sflag:$0x3] =	stream.indirect.gather [hbm4b:s23+s15], $0x80, s1, s15, $0xb8;
	[tilespmem:$0x1E400] =	vst v63  }
0xc4: {  	_ =	swait.ge [sflag:s22], $0x2800  }
0xc5: {  	[sflag:s22] =	ssyncset.done $0x0  }
0xc6: {  	[sflag:s22] =	ssyncadd.s32 $0xFFFFD800  }
0xc7: {  	[spmem:s2] =	stream.indirect.scatter.add.f32 [tilespmem:s16], [sflag:$0x4], $0x80, s26, s15, $0xb8;
	[tilespmem:$0x1E400] =	vst v63  }
0xc8: {  	_ =	swait.ge [sflag:s13], $0x2800  }
0xc9: {  	s0 =	simm.s32 @p0 $0x50;
	[sflag:s13] =	ssyncset.done $0x0  }
0xca: {  	s1 =	simm.s32 @p0 $0xC00;
	s6 =	simm.s32 @p0 $0x2000;
	[sflag:s13] =	ssyncadd.s32 $0xFFFFD800  }
0xcb: {  	[tilespmem:s6], [sflag:$0x1] =	stream.indirect.gather @p0 [hbm4b:s4+s0], $0x80, s1, s0, $0xb8;
	[tilespmem:$0x1E400] =	vst v63  }
0xcc: {  	s0 =	simm.s32 @!p0 $0x50;
	s1 =	simm.s32 @!p0 $0xC00;
	s6 =	simm.s32 @!p0 $0x2000  }
0xcd: {  	[tilespmem:s6], [sflag:$0x1] =	stream.indirect.gather @!p0 [hbm4b:s5+s0], $0x80, s1, s0, $0xb8;
	[tilespmem:$0x1E400] =	vst v63  }
0xce: {  	_ =	swait.ge [sflag:s24], $0x2800  }
0xcf: {  	[sflag:s24] =	ssyncset.done $0x0  }
0xd0: {  	[sflag:s24] =	ssyncadd.s32 $0xFFFFD800  }
0xd1: {  	[spmem:s2] =	stream.indirect.scatter.add.f32 [tilespmem:s18], [sflag:$0x4], $0x80, s28, s15, $0xb8;
	[tilespmem:$0x1E400] =	vst v63  }
0xd2: {  	_ =	swait.ge [sflag:s13], $0x2800  }
0xd3: {  	[sflag:s13] =	ssyncset.done $0x0  }
0xd4: {  	[sflag:s13] =	ssyncadd.s32 $0xFFFFD800  }
0xd5: {  	_ =	swait.ge [sflag:s25], $0x2800  }
0xd6: {  	[sflag:s25] =	ssyncset.done $0x0  }
0xd7: {  	[sflag:s25] =	ssyncadd.s32 $0xFFFFD800  }
0xd8: {  	[spmem:s2] =	stream.indirect.scatter.add.f32 [tilespmem:s20], [sflag:$0x4], $0x80, s29, s15, $0xb8;
	[tilespmem:$0x1E400] =	vst v63  }
0xd9: {  	_ =	swait.ge [sflag:s13], $0x2800  }
0xda: {  	[sflag:s13] =	ssyncset.done $0x0  }
0xdb: {  	[sflag:s13] =	ssyncadd.s32 $0xFFFFD800  }
0xdc: {  	_ =	swait.ge [sflag:s22], $0x2800  }
0xdd: {  	[sflag:s22] =	ssyncset.done $0x0  }
0xde: {  	[sflag:s22] =	ssyncadd.s32 $0xFFFFD800  }
0xdf: {  	[spmem:s2] =	stream.indirect.scatter.add.f32 [tilespmem:s16], [sflag:$0x4], $0x80, s30, s15, $0xb8;
	[tilespmem:$0x1E400] =	vst v63  }
0xe0: {  	_ =	swait.ge [sflag:s13], $0x2800  }
0xe1: {  	[sflag:s13] =	ssyncset.done $0x0  }
0xe2: {  	s0 =	simm.s32 $0x0;
	s6 =	rddreg [dreg:$0xc];
	[sflag:s13] =	ssyncadd.s32 $0xFFFFD800  }
0xe3: {  	[tilespmem:s0], [sflag:$0x4] =	stream.linear.gather [hbm4b:s6+s0], $0xC80, $0x38;
	[tilespmem:$0x1E400] =	vst v63  }
0xe4: {  	_ =	swait.ge [sflag:s13], $0xC80  }
0xe5: {  	[sflag:s13] =	ssyncset.done $0x0  }
0xe6: {  	s6 =	rddreg [dreg:$0xd];
	[sflag:s13] =	ssyncadd.s32 $0xFFFFF380  }
0xe7: {  	[tilespmem:s14], [sflag:$0x4] =	stream.linear.gather [hbm4b:s6+s0], $0xC80, $0x38;
	[tilespmem:$0x1E400] =	vst v63  }
0xe8: {  	_ =	swait.ge [sflag:s13], $0xC80  }
0xe9: {  	[sflag:s13] =	ssyncset.done $0x0  }
0xea: {  	[sflag:s13] =	ssyncadd.s32 $0xFFFFF380  }
0xeb: {  	[tilespmem:s16], [sflag:$0x1] =	stream.indirect.gather [hbm4b:s23+s15], $0x80, s0, s15, $0xb8;
	[tilespmem:$0x1E400] =	vst v63  }
0xec: {  	_ = 	snop  }
0xed: {  	[tilespmem:s18], [sflag:$0x2] =	stream.indirect.gather [hbm4b:s23+s15], $0x80, s17, s15, $0xb8;
	[tilespmem:$0x1E400] =	vst v63  }
0xee: {  	_ = 	snop  }
0xef: {  	[tilespmem:s20], [sflag:$0x3] =	stream.indirect.gather [hbm4b:s23+s15], $0x80, s19, s15, $0xb8;
	[tilespmem:$0x1E400] =	vst v63  }
0xf0: {  	_ =	swait.ge [sflag:s22], $0x2800  }
0xf1: {  	[sflag:s22] =	ssyncset.done $0x0  }
0xf2: {  	s6 =	simm.s32 $0x1000;
	[sflag:s22] =	ssyncadd.s32 $0xFFFFD800  }
0xf3: {  	[spmem:s2] =	stream.indirect.scatter.add.f32 [tilespmem:s16], [sflag:$0x4], $0x80, s6, s15, $0xb8;
	[tilespmem:$0x1E400] =	vst v63  }
0xf4: {  	_ =	swait.ge [sflag:s13], $0x2800  }
0xf5: {  	[sflag:s13] =	ssyncset.done $0x0  }
0xf6: {  	s1 =	simm.s32 $0x180;
	[sflag:s13] =	ssyncadd.s32 $0xFFFFD800  }
0xf7: {  	[tilespmem:s16], [sflag:$0x1] =	stream.indirect.gather [hbm4b:s23+s15], $0x80, s1, s15, $0xb8;
	[tilespmem:$0x1E400] =	vst v63  }
0xf8: {  	_ =	swait.ge [sflag:s24], $0x2800  }
0xf9: {  	[sflag:s24] =	ssyncset.done $0x0  }
0xfa: {  	s6 =	simm.s32 $0x1080;
	[sflag:s24] =	ssyncadd.s32 $0xFFFFD800  }
0xfb: {  	[spmem:s2] =	stream.indirect.scatter.add.f32 [tilespmem:s18], [sflag:$0x4], $0x80, s6, s15, $0xb8;
	[tilespmem:$0x1E400] =	vst v63  }
0xfc: {  	_ =	swait.ge [sflag:s13], $0x2800  }
0xfd: {  	[sflag:s13] =	ssyncset.done $0x0  }
0xfe: {  	s1 =	simm.s32 $0x200;
	[sflag:s13] =	ssyncadd.s32 $0xFFFFD800  }
0xff: {  	[tilespmem:s18], [sflag:$0x2] =	stream.indirect.gather [hbm4b:s23+s15], $0x80, s1, s15, $0xb8;
	[tilespmem:$0x1E400] =	vst v63  }
0x100: {  	_ =	swait.ge [sflag:s25], $0x2800  }
0x101: {  	[sflag:s25] =	ssyncset.done $0x0  }
0x102: {  	s6 =	simm.s32 $0x1100;
	[sflag:s25] =	ssyncadd.s32 $0xFFFFD800  }
0x103: {  	[spmem:s2] =	stream.indirect.scatter.add.f32 [tilespmem:s20], [sflag:$0x4], $0x80, s6, s15, $0xb8;
	[tilespmem:$0x1E400] =	vst v63  }
0x104: {  	_ =	swait.ge [sflag:s13], $0x2800  }
0x105: {  	[sflag:s13] =	ssyncset.done $0x0  }
0x106: {  	s0 =	simm.s32 $0x600;
	s1 =	simm.s32 $0x280;
	[sflag:s13] =	ssyncadd.s32 $0xFFFFD800  }
.LBB2_6:
0x107: {  	[tilespmem:s20], [sflag:$0x3] =	stream.indirect.gather [hbm4b:s23+s15], $0x80, s1, s15, $0xb8;
	[tilespmem:$0x1E400] =	vst v63  }
0x108: {  	s1 =	smov.u32 s0  }
0x109: {  	p1 =	sne.s32 s0, $0x2400;
	s0 =	sadd.s32 $0x600, s0;
	_ =	swait.ge [sflag:s22], $0x2800  }
0x10a: {  	s1 =	sshra.s32 s1, $0x2;
	[sflag:s22] =	ssyncset.done $0x0  }
0x10b: {  	s6 =	sadd.s32 $0x1000, s1;
	[sflag:s22] =	ssyncadd.s32 $0xFFFFD800  }
0x10c: {  	[spmem:s2] =	stream.indirect.scatter.add.f32 [tilespmem:s16], [sflag:$0x4], $0x80, s6, s15, $0xb8;
	[tilespmem:$0x1E400] =	vst v63  }
0x10d: {  	_ =	swait.ge [sflag:s13], $0x2800  }
0x10e: {  	[sflag:s13] =	ssyncset.done $0x0  }
0x10f: {  	s6 =	sadd.s32 $0x180, s1;
	[sflag:s13] =	ssyncadd.s32 $0xFFFFD800  }
0x110: {  	[tilespmem:s16], [sflag:$0x1] =	stream.indirect.gather [hbm4b:s23+s15], $0x80, s6, s15, $0xb8;
	[tilespmem:$0x1E400] =	vst v63  }
0x111: {  	_ =	swait.ge [sflag:s24], $0x2800  }
0x112: {  	[sflag:s24] =	ssyncset.done $0x0  }
0x113: {  	s6 =	sadd.s32 $0x1080, s1;
	[sflag:s24] =	ssyncadd.s32 $0xFFFFD800  }
0x114: {  	[spmem:s2] =	stream.indirect.scatter.add.f32 [tilespmem:s18], [sflag:$0x4], $0x80, s6, s15, $0xb8;
	[tilespmem:$0x1E400] =	vst v63  }
0x115: {  	_ =	swait.ge [sflag:s13], $0x2800  }
0x116: {  	[sflag:s13] =	ssyncset.done $0x0  }
0x117: {  	s6 =	sadd.s32 $0x200, s1;
	[sflag:s13] =	ssyncadd.s32 $0xFFFFD800  }
0x118: {  	[tilespmem:s18], [sflag:$0x2] =	stream.indirect.gather [hbm4b:s23+s15], $0x80, s6, s15, $0xb8;
	[tilespmem:$0x1E400] =	vst v63  }
0x119: {  	_ =	swait.ge [sflag:s25], $0x2800  }
0x11a: {  	[sflag:s25] =	ssyncset.done $0x0  }
.Ltmp2:
0x11b: {  	s6 =	sadd.s32 $0x1100, s1;
	[sflag:s25] =	ssyncadd.s32 $0xFFFFD800;
	(pc) =	sbr.rel @p1 .LBB2_6-.Ltmp2, $4  }
0x11c: {  	[spmem:s2] =	stream.indirect.scatter.add.f32 [tilespmem:s20], [sflag:$0x4], $0x80, s6, s15, $0xb8;
	[tilespmem:$0x1E400] =	vst v63  }
0x11d: {  	_ =	swait.ge [sflag:s13], $0x2800  }
0x11e: {  	[sflag:s13] =	ssyncset.done $0x0  }
0x11f: {  	s1 =	sadd.s32 $0x280, s1;
	[sflag:s13] =	ssyncadd.s32 $0xFFFFD800  }
0x120: {  	[tilespmem:s20], [sflag:$0x3] =	stream.indirect.gather [hbm4b:s23+s15], $0x80, s1, s15, $0xb8;
	[tilespmem:$0x1E400] =	vst v63  }
0x121: {  	_ =	swait.ge [sflag:s22], $0x2800  }
0x122: {  	[sflag:s22] =	ssyncset.done $0x0  }
0x123: {  	[sflag:s22] =	ssyncadd.s32 $0xFFFFD800  }
0x124: {  	[spmem:s2] =	stream.indirect.scatter.add.f32 [tilespmem:s16], [sflag:$0x4], $0x80, s26, s15, $0xb8;
	[tilespmem:$0x1E400] =	vst v63  }
0x125: {  	_ =	swait.ge [sflag:s13], $0x2800  }
0x126: {  	s0 =	simm.s32 @p0 $0x50;
	[sflag:s13] =	ssyncset.done $0x0  }
0x127: {  	s1 =	simm.s32 @p0 $0xC00;
	s6 =	simm.s32 @p0 $0x2000;
	[sflag:s13] =	ssyncadd.s32 $0xFFFFD800  }
0x128: {  	[tilespmem:s6], [sflag:$0x1] =	stream.indirect.gather @p0 [hbm4b:s4+s0], $0x80, s1, s0, $0xb8;
	[tilespmem:$0x1E400] =	vst v63  }
0x129: {  	s0 =	simm.s32 @!p0 $0x50;
	s1 =	simm.s32 @!p0 $0xC00;
	s6 =	simm.s32 @!p0 $0x2000  }
0x12a: {  	[tilespmem:s6], [sflag:$0x1] =	stream.indirect.gather @!p0 [hbm4b:s5+s0], $0x80, s1, s0, $0xb8;
	[tilespmem:$0x1E400] =	vst v63  }
0x12b: {  	_ =	swait.ge [sflag:s24], $0x2800  }
0x12c: {  	[sflag:s24] =	ssyncset.done $0x0  }
0x12d: {  	[sflag:s24] =	ssyncadd.s32 $0xFFFFD800  }
0x12e: {  	[spmem:s2] =	stream.indirect.scatter.add.f32 [tilespmem:s18], [sflag:$0x4], $0x80, s28, s15, $0xb8;
	[tilespmem:$0x1E400] =	vst v63  }
0x12f: {  	_ =	swait.ge [sflag:s13], $0x2800  }
0x130: {  	[sflag:s13] =	ssyncset.done $0x0  }
0x131: {  	[sflag:s13] =	ssyncadd.s32 $0xFFFFD800  }
0x132: {  	_ =	swait.ge [sflag:s25], $0x2800  }
0x133: {  	[sflag:s25] =	ssyncset.done $0x0  }
0x134: {  	[sflag:s25] =	ssyncadd.s32 $0xFFFFD800  }
0x135: {  	[spmem:s2] =	stream.indirect.scatter.add.f32 [tilespmem:s20], [sflag:$0x4], $0x80, s29, s15, $0xb8;
	[tilespmem:$0x1E400] =	vst v63  }
0x136: {  	_ =	swait.ge [sflag:s13], $0x2800  }
0x137: {  	[sflag:s13] =	ssyncset.done $0x0  }
0x138: {  	[sflag:s13] =	ssyncadd.s32 $0xFFFFD800  }
0x139: {  	_ =	swait.ge [sflag:s22], $0x2800  }
0x13a: {  	[sflag:s22] =	ssyncset.done $0x0  }
0x13b: {  	[sflag:s22] =	ssyncadd.s32 $0xFFFFD800  }
0x13c: {  	[spmem:s2] =	stream.indirect.scatter.add.f32 [tilespmem:s16], [sflag:$0x4], $0x80, s30, s15, $0xb8;
	[tilespmem:$0x1E400] =	vst v63  }
0x13d: {  	_ =	swait.ge [sflag:s13], $0x2800  }
0x13e: {  	[sflag:s13] =	ssyncset.done $0x0  }
0x13f: {  	s0 =	simm.s32 $0x0;
	s6 =	rddreg [dreg:$0xe];
	[sflag:s13] =	ssyncadd.s32 $0xFFFFD800  }
0x140: {  	[tilespmem:s0], [sflag:$0x4] =	stream.linear.gather [hbm4b:s6+s0], $0xC80, $0x38;
	[tilespmem:$0x1E400] =	vst v63  }
0x141: {  	_ =	swait.ge [sflag:s13], $0xC80  }
0x142: {  	[sflag:s13] =	ssyncset.done $0x0  }
0x143: {  	s6 =	rddreg [dreg:$0xf];
	[sflag:s13] =	ssyncadd.s32 $0xFFFFF380  }
0x144: {  	[tilespmem:s14], [sflag:$0x4] =	stream.linear.gather [hbm4b:s6+s0], $0xC80, $0x38;
	[tilespmem:$0x1E400] =	vst v63  }
0x145: {  	_ =	swait.ge [sflag:s13], $0xC80  }
0x146: {  	[sflag:s13] =	ssyncset.done $0x0  }
0x147: {  	[sflag:s13] =	ssyncadd.s32 $0xFFFFF380  }
0x148: {  	[tilespmem:s16], [sflag:$0x1] =	stream.indirect.gather [hbm4b:s23+s15], $0x80, s0, s15, $0xb8;
	[tilespmem:$0x1E400] =	vst v63  }
0x149: {  	_ = 	snop  }
0x14a: {  	[tilespmem:s18], [sflag:$0x2] =	stream.indirect.gather [hbm4b:s23+s15], $0x80, s17, s15, $0xb8;
	[tilespmem:$0x1E400] =	vst v63  }
0x14b: {  	_ = 	snop  }
0x14c: {  	[tilespmem:s20], [sflag:$0x3] =	stream.indirect.gather [hbm4b:s23+s15], $0x80, s19, s15, $0xb8;
	[tilespmem:$0x1E400] =	vst v63  }
0x14d: {  	_ =	swait.ge [sflag:s22], $0x2800  }
0x14e: {  	[sflag:s22] =	ssyncset.done $0x0  }
0x14f: {  	s6 =	simm.s32 $0x1000;
	[sflag:s22] =	ssyncadd.s32 $0xFFFFD800  }
0x150: {  	[spmem:s2] =	stream.indirect.scatter.add.f32 [tilespmem:s16], [sflag:$0x4], $0x80, s6, s15, $0xb8;
	[tilespmem:$0x1E400] =	vst v63  }
0x151: {  	_ =	swait.ge [sflag:s13], $0x2800  }
0x152: {  	[sflag:s13] =	ssyncset.done $0x0  }
0x153: {  	s1 =	simm.s32 $0x180;
	[sflag:s13] =	ssyncadd.s32 $0xFFFFD800  }
0x154: {  	[tilespmem:s16], [sflag:$0x1] =	stream.indirect.gather [hbm4b:s23+s15], $0x80, s1, s15, $0xb8;
	[tilespmem:$0x1E400] =	vst v63  }
0x155: {  	_ =	swait.ge [sflag:s24], $0x2800  }
0x156: {  	[sflag:s24] =	ssyncset.done $0x0  }
0x157: {  	s6 =	simm.s32 $0x1080;
	[sflag:s24] =	ssyncadd.s32 $0xFFFFD800  }
0x158: {  	[spmem:s2] =	stream.indirect.scatter.add.f32 [tilespmem:s18], [sflag:$0x4], $0x80, s6, s15, $0xb8;
	[tilespmem:$0x1E400] =	vst v63  }
0x159: {  	_ =	swait.ge [sflag:s13], $0x2800  }
0x15a: {  	[sflag:s13] =	ssyncset.done $0x0  }
0x15b: {  	s1 =	simm.s32 $0x200;
	[sflag:s13] =	ssyncadd.s32 $0xFFFFD800  }
0x15c: {  	[tilespmem:s18], [sflag:$0x2] =	stream.indirect.gather [hbm4b:s23+s15], $0x80, s1, s15, $0xb8;
	[tilespmem:$0x1E400] =	vst v63  }
0x15d: {  	_ =	swait.ge [sflag:s25], $0x2800  }
0x15e: {  	[sflag:s25] =	ssyncset.done $0x0  }
0x15f: {  	s6 =	simm.s32 $0x1100;
	[sflag:s25] =	ssyncadd.s32 $0xFFFFD800  }
0x160: {  	[spmem:s2] =	stream.indirect.scatter.add.f32 [tilespmem:s20], [sflag:$0x4], $0x80, s6, s15, $0xb8;
	[tilespmem:$0x1E400] =	vst v63  }
0x161: {  	_ =	swait.ge [sflag:s13], $0x2800  }
0x162: {  	[sflag:s13] =	ssyncset.done $0x0  }
0x163: {  	s0 =	simm.s32 $0x600;
	s1 =	simm.s32 $0x280;
	[sflag:s13] =	ssyncadd.s32 $0xFFFFD800  }
.LBB2_8:
0x164: {  	[tilespmem:s20], [sflag:$0x3] =	stream.indirect.gather [hbm4b:s23+s15], $0x80, s1, s15, $0xb8;
	[tilespmem:$0x1E400] =	vst v63  }
0x165: {  	s1 =	smov.u32 s0  }
0x166: {  	p1 =	sne.s32 s0, $0x2400;
	s0 =	sadd.s32 $0x600, s0;
	_ =	swait.ge [sflag:s22], $0x2800  }
0x167: {  	s1 =	sshra.s32 s1, $0x2;
	[sflag:s22] =	ssyncset.done $0x0  }
0x168: {  	s6 =	sadd.s32 $0x1000, s1;
	[sflag:s22] =	ssyncadd.s32 $0xFFFFD800  }
0x169: {  	[spmem:s2] =	stream.indirect.scatter.add.f32 [tilespmem:s16], [sflag:$0x4], $0x80, s6, s15, $0xb8;
	[tilespmem:$0x1E400] =	vst v63  }
0x16a: {  	_ =	swait.ge [sflag:s13], $0x2800  }
0x16b: {  	[sflag:s13] =	ssyncset.done $0x0  }
0x16c: {  	s6 =	sadd.s32 $0x180, s1;
	[sflag:s13] =	ssyncadd.s32 $0xFFFFD800  }
0x16d: {  	[tilespmem:s16], [sflag:$0x1] =	stream.indirect.gather [hbm4b:s23+s15], $0x80, s6, s15, $0xb8;
	[tilespmem:$0x1E400] =	vst v63  }
0x16e: {  	_ =	swait.ge [sflag:s24], $0x2800  }
0x16f: {  	[sflag:s24] =	ssyncset.done $0x0  }
0x170: {  	s6 =	sadd.s32 $0x1080, s1;
	[sflag:s24] =	ssyncadd.s32 $0xFFFFD800  }
0x171: {  	[spmem:s2] =	stream.indirect.scatter.add.f32 [tilespmem:s18], [sflag:$0x4], $0x80, s6, s15, $0xb8;
	[tilespmem:$0x1E400] =	vst v63  }
0x172: {  	_ =	swait.ge [sflag:s13], $0x2800  }
0x173: {  	[sflag:s13] =	ssyncset.done $0x0  }
0x174: {  	s6 =	sadd.s32 $0x200, s1;
	[sflag:s13] =	ssyncadd.s32 $0xFFFFD800  }
0x175: {  	[tilespmem:s18], [sflag:$0x2] =	stream.indirect.gather [hbm4b:s23+s15], $0x80, s6, s15, $0xb8;
	[tilespmem:$0x1E400] =	vst v63  }
0x176: {  	_ =	swait.ge [sflag:s25], $0x2800  }
0x177: {  	[sflag:s25] =	ssyncset.done $0x0  }
.Ltmp3:
0x178: {  	s6 =	sadd.s32 $0x1100, s1;
	[sflag:s25] =	ssyncadd.s32 $0xFFFFD800;
	(pc) =	sbr.rel @p1 .LBB2_8-.Ltmp3, $4  }
0x179: {  	[spmem:s2] =	stream.indirect.scatter.add.f32 [tilespmem:s20], [sflag:$0x4], $0x80, s6, s15, $0xb8;
	[tilespmem:$0x1E400] =	vst v63  }
0x17a: {  	_ =	swait.ge [sflag:s13], $0x2800  }
0x17b: {  	[sflag:s13] =	ssyncset.done $0x0  }
0x17c: {  	s1 =	sadd.s32 $0x280, s1;
	[sflag:s13] =	ssyncadd.s32 $0xFFFFD800  }
0x17d: {  	[tilespmem:s20], [sflag:$0x3] =	stream.indirect.gather [hbm4b:s23+s15], $0x80, s1, s15, $0xb8;
	[tilespmem:$0x1E400] =	vst v63  }
0x17e: {  	_ =	swait.ge [sflag:s22], $0x2800  }
0x17f: {  	[sflag:s22] =	ssyncset.done $0x0  }
0x180: {  	[sflag:s22] =	ssyncadd.s32 $0xFFFFD800  }
0x181: {  	[spmem:s2] =	stream.indirect.scatter.add.f32 [tilespmem:s16], [sflag:$0x4], $0x80, s26, s15, $0xb8;
	[tilespmem:$0x1E400] =	vst v63  }
0x182: {  	_ =	swait.ge [sflag:s13], $0x2800  }
0x183: {  	s0 =	simm.s32 @p0 $0x50;
	[sflag:s13] =	ssyncset.done $0x0  }
0x184: {  	s1 =	simm.s32 @p0 $0xC00;
	s6 =	simm.s32 @p0 $0x2000;
	[sflag:s13] =	ssyncadd.s32 $0xFFFFD800  }
0x185: {  	[tilespmem:s6], [sflag:$0x1] =	stream.indirect.gather @p0 [hbm4b:s4+s0], $0x80, s1, s0, $0xb8;
	[tilespmem:$0x1E400] =	vst v63  }
0x186: {  	s0 =	simm.s32 @!p0 $0x50;
	s1 =	simm.s32 @!p0 $0xC00;
	s6 =	simm.s32 @!p0 $0x2000  }
0x187: {  	[tilespmem:s6], [sflag:$0x1] =	stream.indirect.gather @!p0 [hbm4b:s5+s0], $0x80, s1, s0, $0xb8;
	[tilespmem:$0x1E400] =	vst v63  }
0x188: {  	_ =	swait.ge [sflag:s24], $0x2800  }
0x189: {  	[sflag:s24] =	ssyncset.done $0x0  }
0x18a: {  	[sflag:s24] =	ssyncadd.s32 $0xFFFFD800  }
0x18b: {  	[spmem:s2] =	stream.indirect.scatter.add.f32 [tilespmem:s18], [sflag:$0x4], $0x80, s28, s15, $0xb8;
	[tilespmem:$0x1E400] =	vst v63  }
0x18c: {  	_ =	swait.ge [sflag:s13], $0x2800  }
0x18d: {  	[sflag:s13] =	ssyncset.done $0x0  }
0x18e: {  	[sflag:s13] =	ssyncadd.s32 $0xFFFFD800  }
0x18f: {  	_ =	swait.ge [sflag:s25], $0x2800  }
0x190: {  	[sflag:s25] =	ssyncset.done $0x0  }
0x191: {  	[sflag:s25] =	ssyncadd.s32 $0xFFFFD800  }
0x192: {  	[spmem:s2] =	stream.indirect.scatter.add.f32 [tilespmem:s20], [sflag:$0x4], $0x80, s29, s15, $0xb8;
	[tilespmem:$0x1E400] =	vst v63  }
0x193: {  	_ =	swait.ge [sflag:s13], $0x2800  }
0x194: {  	[sflag:s13] =	ssyncset.done $0x0  }
0x195: {  	[sflag:s13] =	ssyncadd.s32 $0xFFFFD800  }
0x196: {  	_ =	swait.ge [sflag:s22], $0x2800  }
0x197: {  	[sflag:s22] =	ssyncset.done $0x0  }
0x198: {  	[sflag:s22] =	ssyncadd.s32 $0xFFFFD800  }
0x199: {  	[spmem:s2] =	stream.indirect.scatter.add.f32 [tilespmem:s16], [sflag:$0x4], $0x80, s30, s15, $0xb8;
	[tilespmem:$0x1E400] =	vst v63  }
0x19a: {  	_ =	swait.ge [sflag:s13], $0x2800  }
0x19b: {  	[sflag:s13] =	ssyncset.done $0x0  }
0x19c: {  	s0 =	simm.s32 $0x0;
	s6 =	rddreg [dreg:$0x10];
	[sflag:s13] =	ssyncadd.s32 $0xFFFFD800  }
0x19d: {  	[tilespmem:s0], [sflag:$0x4] =	stream.linear.gather [hbm4b:s6+s0], $0xC80, $0x38;
	[tilespmem:$0x1E400] =	vst v63  }
0x19e: {  	_ =	swait.ge [sflag:s13], $0xC80  }
0x19f: {  	[sflag:s13] =	ssyncset.done $0x0  }
0x1a0: {  	s6 =	rddreg [dreg:$0x11];
	[sflag:s13] =	ssyncadd.s32 $0xFFFFF380  }
0x1a1: {  	[tilespmem:s14], [sflag:$0x4] =	stream.linear.gather [hbm4b:s6+s0], $0xC80, $0x38;
	[tilespmem:$0x1E400] =	vst v63  }
0x1a2: {  	_ =	swait.ge [sflag:s13], $0xC80  }
0x1a3: {  	[sflag:s13] =	ssyncset.done $0x0  }
0x1a4: {  	[sflag:s13] =	ssyncadd.s32 $0xFFFFF380  }
0x1a5: {  	[tilespmem:s16], [sflag:$0x1] =	stream.indirect.gather [hbm4b:s23+s15], $0x80, s0, s15, $0xb8;
	[tilespmem:$0x1E400] =	vst v63  }
0x1a6: {  	_ = 	snop  }
0x1a7: {  	[tilespmem:s18], [sflag:$0x2] =	stream.indirect.gather [hbm4b:s23+s15], $0x80, s17, s15, $0xb8;
	[tilespmem:$0x1E400] =	vst v63  }
0x1a8: {  	_ = 	snop  }
0x1a9: {  	[tilespmem:s20], [sflag:$0x3] =	stream.indirect.gather [hbm4b:s23+s15], $0x80, s19, s15, $0xb8;
	[tilespmem:$0x1E400] =	vst v63  }
0x1aa: {  	_ =	swait.ge [sflag:s22], $0x2800  }
0x1ab: {  	[sflag:s22] =	ssyncset.done $0x0  }
0x1ac: {  	s6 =	simm.s32 $0x1000;
	[sflag:s22] =	ssyncadd.s32 $0xFFFFD800  }
0x1ad: {  	[spmem:s2] =	stream.indirect.scatter.add.f32 [tilespmem:s16], [sflag:$0x4], $0x80, s6, s15, $0xb8;
	[tilespmem:$0x1E400] =	vst v63  }
0x1ae: {  	_ =	swait.ge [sflag:s13], $0x2800  }
0x1af: {  	[sflag:s13] =	ssyncset.done $0x0  }
0x1b0: {  	s1 =	simm.s32 $0x180;
	[sflag:s13] =	ssyncadd.s32 $0xFFFFD800  }
0x1b1: {  	[tilespmem:s16], [sflag:$0x1] =	stream.indirect.gather [hbm4b:s23+s15], $0x80, s1, s15, $0xb8;
	[tilespmem:$0x1E400] =	vst v63  }
0x1b2: {  	_ =	swait.ge [sflag:s24], $0x2800  }
0x1b3: {  	[sflag:s24] =	ssyncset.done $0x0  }
0x1b4: {  	s6 =	simm.s32 $0x1080;
	[sflag:s24] =	ssyncadd.s32 $0xFFFFD800  }
0x1b5: {  	[spmem:s2] =	stream.indirect.scatter.add.f32 [tilespmem:s18], [sflag:$0x4], $0x80, s6, s15, $0xb8;
	[tilespmem:$0x1E400] =	vst v63  }
0x1b6: {  	_ =	swait.ge [sflag:s13], $0x2800  }
0x1b7: {  	[sflag:s13] =	ssyncset.done $0x0  }
0x1b8: {  	s1 =	simm.s32 $0x200;
	[sflag:s13] =	ssyncadd.s32 $0xFFFFD800  }
0x1b9: {  	[tilespmem:s18], [sflag:$0x2] =	stream.indirect.gather [hbm4b:s23+s15], $0x80, s1, s15, $0xb8;
	[tilespmem:$0x1E400] =	vst v63  }
0x1ba: {  	_ =	swait.ge [sflag:s25], $0x2800  }
0x1bb: {  	[sflag:s25] =	ssyncset.done $0x0  }
0x1bc: {  	s6 =	simm.s32 $0x1100;
	[sflag:s25] =	ssyncadd.s32 $0xFFFFD800  }
0x1bd: {  	[spmem:s2] =	stream.indirect.scatter.add.f32 [tilespmem:s20], [sflag:$0x4], $0x80, s6, s15, $0xb8;
	[tilespmem:$0x1E400] =	vst v63  }
0x1be: {  	_ =	swait.ge [sflag:s13], $0x2800  }
0x1bf: {  	[sflag:s13] =	ssyncset.done $0x0  }
0x1c0: {  	s0 =	simm.s32 $0x600;
	s1 =	simm.s32 $0x280;
	[sflag:s13] =	ssyncadd.s32 $0xFFFFD800  }
.LBB2_10:
0x1c1: {  	[tilespmem:s20], [sflag:$0x3] =	stream.indirect.gather [hbm4b:s23+s15], $0x80, s1, s15, $0xb8;
	[tilespmem:$0x1E400] =	vst v63  }
0x1c2: {  	s1 =	smov.u32 s0  }
0x1c3: {  	p1 =	sne.s32 s0, $0x2400;
	s0 =	sadd.s32 $0x600, s0;
	_ =	swait.ge [sflag:s22], $0x2800  }
0x1c4: {  	s1 =	sshra.s32 s1, $0x2;
	[sflag:s22] =	ssyncset.done $0x0  }
0x1c5: {  	s6 =	sadd.s32 $0x1000, s1;
	[sflag:s22] =	ssyncadd.s32 $0xFFFFD800  }
0x1c6: {  	[spmem:s2] =	stream.indirect.scatter.add.f32 [tilespmem:s16], [sflag:$0x4], $0x80, s6, s15, $0xb8;
	[tilespmem:$0x1E400] =	vst v63  }
0x1c7: {  	_ =	swait.ge [sflag:s13], $0x2800  }
0x1c8: {  	[sflag:s13] =	ssyncset.done $0x0  }
0x1c9: {  	s6 =	sadd.s32 $0x180, s1;
	[sflag:s13] =	ssyncadd.s32 $0xFFFFD800  }
0x1ca: {  	[tilespmem:s16], [sflag:$0x1] =	stream.indirect.gather [hbm4b:s23+s15], $0x80, s6, s15, $0xb8;
	[tilespmem:$0x1E400] =	vst v63  }
0x1cb: {  	_ =	swait.ge [sflag:s24], $0x2800  }
0x1cc: {  	[sflag:s24] =	ssyncset.done $0x0  }
0x1cd: {  	s6 =	sadd.s32 $0x1080, s1;
	[sflag:s24] =	ssyncadd.s32 $0xFFFFD800  }
0x1ce: {  	[spmem:s2] =	stream.indirect.scatter.add.f32 [tilespmem:s18], [sflag:$0x4], $0x80, s6, s15, $0xb8;
	[tilespmem:$0x1E400] =	vst v63  }
0x1cf: {  	_ =	swait.ge [sflag:s13], $0x2800  }
0x1d0: {  	[sflag:s13] =	ssyncset.done $0x0  }
0x1d1: {  	s6 =	sadd.s32 $0x200, s1;
	[sflag:s13] =	ssyncadd.s32 $0xFFFFD800  }
0x1d2: {  	[tilespmem:s18], [sflag:$0x2] =	stream.indirect.gather [hbm4b:s23+s15], $0x80, s6, s15, $0xb8;
	[tilespmem:$0x1E400] =	vst v63  }
0x1d3: {  	_ =	swait.ge [sflag:s25], $0x2800  }
0x1d4: {  	[sflag:s25] =	ssyncset.done $0x0  }
.Ltmp4:
0x1d5: {  	s6 =	sadd.s32 $0x1100, s1;
	[sflag:s25] =	ssyncadd.s32 $0xFFFFD800;
	(pc) =	sbr.rel @p1 .LBB2_10-.Ltmp4, $4  }
0x1d6: {  	[spmem:s2] =	stream.indirect.scatter.add.f32 [tilespmem:s20], [sflag:$0x4], $0x80, s6, s15, $0xb8;
	[tilespmem:$0x1E400] =	vst v63  }
0x1d7: {  	_ =	swait.ge [sflag:s13], $0x2800  }
0x1d8: {  	[sflag:s13] =	ssyncset.done $0x0  }
0x1d9: {  	s1 =	sadd.s32 $0x280, s1;
	[sflag:s13] =	ssyncadd.s32 $0xFFFFD800  }
0x1da: {  	[tilespmem:s20], [sflag:$0x3] =	stream.indirect.gather [hbm4b:s23+s15], $0x80, s1, s15, $0xb8;
	[tilespmem:$0x1E400] =	vst v63  }
0x1db: {  	_ =	swait.ge [sflag:s22], $0x2800  }
0x1dc: {  	[sflag:s22] =	ssyncset.done $0x0  }
0x1dd: {  	[sflag:s22] =	ssyncadd.s32 $0xFFFFD800  }
0x1de: {  	[spmem:s2] =	stream.indirect.scatter.add.f32 [tilespmem:s16], [sflag:$0x4], $0x80, s26, s15, $0xb8;
	[tilespmem:$0x1E400] =	vst v63  }
0x1df: {  	_ =	swait.ge [sflag:s13], $0x2800  }
0x1e0: {  	s0 =	simm.s32 @p0 $0x50;
	[sflag:s13] =	ssyncset.done $0x0  }
0x1e1: {  	s1 =	simm.s32 @p0 $0xC00;
	s6 =	simm.s32 @p0 $0x2000;
	[sflag:s13] =	ssyncadd.s32 $0xFFFFD800  }
0x1e2: {  	[tilespmem:s6], [sflag:$0x1] =	stream.indirect.gather @p0 [hbm4b:s4+s0], $0x80, s1, s0, $0xb8;
	[tilespmem:$0x1E400] =	vst v63  }
0x1e3: {  	s0 =	simm.s32 @!p0 $0x50;
	s1 =	simm.s32 @!p0 $0xC00;
	s6 =	simm.s32 @!p0 $0x2000  }
0x1e4: {  	[tilespmem:s6], [sflag:$0x1] =	stream.indirect.gather @!p0 [hbm4b:s5+s0], $0x80, s1, s0, $0xb8;
	[tilespmem:$0x1E400] =	vst v63  }
0x1e5: {  	_ =	swait.ge [sflag:s24], $0x2800  }
0x1e6: {  	[sflag:s24] =	ssyncset.done $0x0  }
0x1e7: {  	[sflag:s24] =	ssyncadd.s32 $0xFFFFD800  }
0x1e8: {  	[spmem:s2] =	stream.indirect.scatter.add.f32 [tilespmem:s18], [sflag:$0x4], $0x80, s28, s15, $0xb8;
	[tilespmem:$0x1E400] =	vst v63  }
0x1e9: {  	_ =	swait.ge [sflag:s13], $0x2800  }
0x1ea: {  	[sflag:s13] =	ssyncset.done $0x0  }
0x1eb: {  	[sflag:s13] =	ssyncadd.s32 $0xFFFFD800  }
0x1ec: {  	_ =	swait.ge [sflag:s25], $0x2800  }
0x1ed: {  	[sflag:s25] =	ssyncset.done $0x0  }
0x1ee: {  	[sflag:s25] =	ssyncadd.s32 $0xFFFFD800  }
0x1ef: {  	[spmem:s2] =	stream.indirect.scatter.add.f32 [tilespmem:s20], [sflag:$0x4], $0x80, s29, s15, $0xb8;
	[tilespmem:$0x1E400] =	vst v63  }
0x1f0: {  	_ =	swait.ge [sflag:s13], $0x2800  }
0x1f1: {  	[sflag:s13] =	ssyncset.done $0x0  }
0x1f2: {  	[sflag:s13] =	ssyncadd.s32 $0xFFFFD800  }
0x1f3: {  	_ =	swait.ge [sflag:s22], $0x2800  }
0x1f4: {  	[sflag:s22] =	ssyncset.done $0x0  }
0x1f5: {  	[sflag:s22] =	ssyncadd.s32 $0xFFFFD800  }
0x1f6: {  	[spmem:s2] =	stream.indirect.scatter.add.f32 [tilespmem:s16], [sflag:$0x4], $0x80, s30, s15, $0xb8;
	[tilespmem:$0x1E400] =	vst v63  }
0x1f7: {  	_ =	swait.ge [sflag:s13], $0x2800  }
0x1f8: {  	[sflag:s13] =	ssyncset.done $0x0  }
0x1f9: {  	s0 =	simm.s32 $0x0;
	s6 =	rddreg [dreg:$0x12];
	[sflag:s13] =	ssyncadd.s32 $0xFFFFD800  }
0x1fa: {  	[tilespmem:s0], [sflag:$0x4] =	stream.linear.gather [hbm4b:s6+s0], $0xC80, $0x38;
	[tilespmem:$0x1E400] =	vst v63  }
0x1fb: {  	_ =	swait.ge [sflag:s13], $0xC80  }
0x1fc: {  	[sflag:s13] =	ssyncset.done $0x0  }
0x1fd: {  	s6 =	rddreg [dreg:$0x14];
	[sflag:s13] =	ssyncadd.s32 $0xFFFFF380  }
0x1fe: {  	[tilespmem:s14], [sflag:$0x4] =	stream.linear.gather [hbm4b:s6+s0], $0xC80, $0x38;
	[tilespmem:$0x1E400] =	vst v63  }
0x1ff: {  	_ =	swait.ge [sflag:s13], $0xC80  }
0x200: {  	[sflag:s13] =	ssyncset.done $0x0  }
0x201: {  	[sflag:s13] =	ssyncadd.s32 $0xFFFFF380  }
0x202: {  	[tilespmem:s16], [sflag:$0x1] =	stream.indirect.gather [hbm4b:s23+s15], $0x80, s0, s15, $0xb8;
	[tilespmem:$0x1E400] =	vst v63  }
0x203: {  	_ = 	snop  }
0x204: {  	[tilespmem:s18], [sflag:$0x2] =	stream.indirect.gather [hbm4b:s23+s15], $0x80, s17, s15, $0xb8;
	[tilespmem:$0x1E400] =	vst v63  }
0x205: {  	_ = 	snop  }
0x206: {  	[tilespmem:s20], [sflag:$0x3] =	stream.indirect.gather [hbm4b:s23+s15], $0x80, s19, s15, $0xb8;
	[tilespmem:$0x1E400] =	vst v63  }
0x207: {  	_ =	swait.ge [sflag:s22], $0x2800  }
0x208: {  	[sflag:s22] =	ssyncset.done $0x0  }
0x209: {  	s6 =	simm.s32 $0x1000;
	[sflag:s22] =	ssyncadd.s32 $0xFFFFD800  }
0x20a: {  	[spmem:s2] =	stream.indirect.scatter.add.f32 [tilespmem:s16], [sflag:$0x4], $0x80, s6, s15, $0xb8;
	[tilespmem:$0x1E400] =	vst v63  }
0x20b: {  	_ =	swait.ge [sflag:s13], $0x2800  }
0x20c: {  	[sflag:s13] =	ssyncset.done $0x0  }
0x20d: {  	s1 =	simm.s32 $0x180;
	[sflag:s13] =	ssyncadd.s32 $0xFFFFD800  }
0x20e: {  	[tilespmem:s16], [sflag:$0x1] =	stream.indirect.gather [hbm4b:s23+s15], $0x80, s1, s15, $0xb8;
	[tilespmem:$0x1E400] =	vst v63  }
0x20f: {  	_ =	swait.ge [sflag:s24], $0x2800  }
0x210: {  	[sflag:s24] =	ssyncset.done $0x0  }
0x211: {  	s6 =	simm.s32 $0x1080;
	[sflag:s24] =	ssyncadd.s32 $0xFFFFD800  }
0x212: {  	[spmem:s2] =	stream.indirect.scatter.add.f32 [tilespmem:s18], [sflag:$0x4], $0x80, s6, s15, $0xb8;
	[tilespmem:$0x1E400] =	vst v63  }
0x213: {  	_ =	swait.ge [sflag:s13], $0x2800  }
0x214: {  	[sflag:s13] =	ssyncset.done $0x0  }
0x215: {  	s1 =	simm.s32 $0x200;
	[sflag:s13] =	ssyncadd.s32 $0xFFFFD800  }
0x216: {  	[tilespmem:s18], [sflag:$0x2] =	stream.indirect.gather [hbm4b:s23+s15], $0x80, s1, s15, $0xb8;
	[tilespmem:$0x1E400] =	vst v63  }
0x217: {  	_ =	swait.ge [sflag:s25], $0x2800  }
0x218: {  	[sflag:s25] =	ssyncset.done $0x0  }
0x219: {  	s6 =	simm.s32 $0x1100;
	[sflag:s25] =	ssyncadd.s32 $0xFFFFD800  }
0x21a: {  	[spmem:s2] =	stream.indirect.scatter.add.f32 [tilespmem:s20], [sflag:$0x4], $0x80, s6, s15, $0xb8;
	[tilespmem:$0x1E400] =	vst v63  }
0x21b: {  	_ =	swait.ge [sflag:s13], $0x2800  }
0x21c: {  	[sflag:s13] =	ssyncset.done $0x0  }
0x21d: {  	s0 =	simm.s32 $0x600;
	s1 =	simm.s32 $0x280;
	[sflag:s13] =	ssyncadd.s32 $0xFFFFD800  }
.LBB2_12:
0x21e: {  	[tilespmem:s20], [sflag:$0x3] =	stream.indirect.gather [hbm4b:s23+s15], $0x80, s1, s15, $0xb8;
	[tilespmem:$0x1E400] =	vst v63  }
0x21f: {  	s1 =	smov.u32 s0  }
0x220: {  	p1 =	sne.s32 s0, $0x2400;
	s0 =	sadd.s32 $0x600, s0;
	_ =	swait.ge [sflag:s22], $0x2800  }
0x221: {  	s1 =	sshra.s32 s1, $0x2;
	[sflag:s22] =	ssyncset.done $0x0  }
0x222: {  	s6 =	sadd.s32 $0x1000, s1;
	[sflag:s22] =	ssyncadd.s32 $0xFFFFD800  }
0x223: {  	[spmem:s2] =	stream.indirect.scatter.add.f32 [tilespmem:s16], [sflag:$0x4], $0x80, s6, s15, $0xb8;
	[tilespmem:$0x1E400] =	vst v63  }
0x224: {  	_ =	swait.ge [sflag:s13], $0x2800  }
0x225: {  	[sflag:s13] =	ssyncset.done $0x0  }
0x226: {  	s6 =	sadd.s32 $0x180, s1;
	[sflag:s13] =	ssyncadd.s32 $0xFFFFD800  }
0x227: {  	[tilespmem:s16], [sflag:$0x1] =	stream.indirect.gather [hbm4b:s23+s15], $0x80, s6, s15, $0xb8;
	[tilespmem:$0x1E400] =	vst v63  }
0x228: {  	_ =	swait.ge [sflag:s24], $0x2800  }
0x229: {  	[sflag:s24] =	ssyncset.done $0x0  }
0x22a: {  	s6 =	sadd.s32 $0x1080, s1;
	[sflag:s24] =	ssyncadd.s32 $0xFFFFD800  }
0x22b: {  	[spmem:s2] =	stream.indirect.scatter.add.f32 [tilespmem:s18], [sflag:$0x4], $0x80, s6, s15, $0xb8;
	[tilespmem:$0x1E400] =	vst v63  }
0x22c: {  	_ =	swait.ge [sflag:s13], $0x2800  }
0x22d: {  	[sflag:s13] =	ssyncset.done $0x0  }
0x22e: {  	s6 =	sadd.s32 $0x200, s1;
	[sflag:s13] =	ssyncadd.s32 $0xFFFFD800  }
0x22f: {  	[tilespmem:s18], [sflag:$0x2] =	stream.indirect.gather [hbm4b:s23+s15], $0x80, s6, s15, $0xb8;
	[tilespmem:$0x1E400] =	vst v63  }
0x230: {  	_ =	swait.ge [sflag:s25], $0x2800  }
0x231: {  	[sflag:s25] =	ssyncset.done $0x0  }
.Ltmp5:
0x232: {  	s6 =	sadd.s32 $0x1100, s1;
	[sflag:s25] =	ssyncadd.s32 $0xFFFFD800;
	(pc) =	sbr.rel @p1 .LBB2_12-.Ltmp5, $4  }
0x233: {  	[spmem:s2] =	stream.indirect.scatter.add.f32 [tilespmem:s20], [sflag:$0x4], $0x80, s6, s15, $0xb8;
	[tilespmem:$0x1E400] =	vst v63  }
0x234: {  	_ =	swait.ge [sflag:s13], $0x2800  }
0x235: {  	[sflag:s13] =	ssyncset.done $0x0  }
0x236: {  	s1 =	sadd.s32 $0x280, s1;
	[sflag:s13] =	ssyncadd.s32 $0xFFFFD800  }
0x237: {  	[tilespmem:s20], [sflag:$0x3] =	stream.indirect.gather [hbm4b:s23+s15], $0x80, s1, s15, $0xb8;
	[tilespmem:$0x1E400] =	vst v63  }
0x238: {  	_ =	swait.ge [sflag:s22], $0x2800  }
0x239: {  	[sflag:s22] =	ssyncset.done $0x0  }
0x23a: {  	[sflag:s22] =	ssyncadd.s32 $0xFFFFD800  }
0x23b: {  	[spmem:s2] =	stream.indirect.scatter.add.f32 [tilespmem:s16], [sflag:$0x4], $0x80, s26, s15, $0xb8;
	[tilespmem:$0x1E400] =	vst v63  }
0x23c: {  	_ =	swait.ge [sflag:s13], $0x2800  }
0x23d: {  	s0 =	simm.s32 @p0 $0x50;
	[sflag:s13] =	ssyncset.done $0x0  }
0x23e: {  	s1 =	simm.s32 @p0 $0xC00;
	s6 =	simm.s32 @p0 $0x2000;
	[sflag:s13] =	ssyncadd.s32 $0xFFFFD800  }
0x23f: {  	[tilespmem:s6], [sflag:$0x1] =	stream.indirect.gather @p0 [hbm4b:s4+s0], $0x80, s1, s0, $0xb8;
	[tilespmem:$0x1E400] =	vst v63  }
0x240: {  	s0 =	simm.s32 @!p0 $0x50;
	s1 =	simm.s32 @!p0 $0xC00;
	s6 =	simm.s32 @!p0 $0x2000  }
0x241: {  	[tilespmem:s6], [sflag:$0x1] =	stream.indirect.gather @!p0 [hbm4b:s5+s0], $0x80, s1, s0, $0xb8;
	[tilespmem:$0x1E400] =	vst v63  }
0x242: {  	_ =	swait.ge [sflag:s24], $0x2800  }
0x243: {  	[sflag:s24] =	ssyncset.done $0x0  }
0x244: {  	[sflag:s24] =	ssyncadd.s32 $0xFFFFD800  }
0x245: {  	[spmem:s2] =	stream.indirect.scatter.add.f32 [tilespmem:s18], [sflag:$0x4], $0x80, s28, s15, $0xb8;
	[tilespmem:$0x1E400] =	vst v63  }
0x246: {  	_ =	swait.ge [sflag:s13], $0x2800  }
0x247: {  	[sflag:s13] =	ssyncset.done $0x0  }
0x248: {  	[sflag:s13] =	ssyncadd.s32 $0xFFFFD800  }
0x249: {  	_ =	swait.ge [sflag:s25], $0x2800  }
0x24a: {  	[sflag:s25] =	ssyncset.done $0x0  }
0x24b: {  	[sflag:s25] =	ssyncadd.s32 $0xFFFFD800  }
0x24c: {  	[spmem:s2] =	stream.indirect.scatter.add.f32 [tilespmem:s20], [sflag:$0x4], $0x80, s29, s15, $0xb8;
	[tilespmem:$0x1E400] =	vst v63  }
0x24d: {  	_ =	swait.ge [sflag:s13], $0x2800  }
0x24e: {  	[sflag:s13] =	ssyncset.done $0x0  }
0x24f: {  	[sflag:s13] =	ssyncadd.s32 $0xFFFFD800  }
0x250: {  	_ =	swait.ge [sflag:s22], $0x2800  }
0x251: {  	[sflag:s22] =	ssyncset.done $0x0  }
0x252: {  	[sflag:s22] =	ssyncadd.s32 $0xFFFFD800  }
0x253: {  	[spmem:s2] =	stream.indirect.scatter.add.f32 [tilespmem:s16], [sflag:$0x4], $0x80, s30, s15, $0xb8;
	[tilespmem:$0x1E400] =	vst v63  }
0x254: {  	_ =	swait.ge [sflag:s13], $0x2800  }
0x255: {  	[sflag:s13] =	ssyncset.done $0x0  }
0x256: {  	s1 =	stileid.u32;
	[sflag:s13] =	ssyncadd.s32 $0xFFFFD800  }
0x257: {  	s0 =	sshll.u32 s1, $0x6;
	[bflag:$0x0] =	sbarrier.arrive $0xFFFF  }
0x258: {  	s1 =	sshrl.u32 s7, $0x3;
	s0 =	sor.u32 $0x1C04, s0;
	s6 =	rddreg [dreg:$0x13]  }
0x259: {  	[hbm:s6], [sflag:s0] =	dma.local [spmem:s1], $0x2780  }
0x25a: {  	_ =	swait.ge [sflag:s13], $0x2780  }
0x25b: {  	s31 =	sadd.s32 $0x1, s31;
	s6 =	rddreg [dreg:$0x15]  }
0x25c: {  	p1 =	sne.s32 s31, s6  }
.Ltmp6:
0x25d: {  	_ = 	snop;
	(pc) =	sbr.rel @p1 .LBB2_1-.Ltmp6, $3  }
0x25e: {  	_ =	sdelay $0x1  }
0x25f: {  	[sflag:s13] =	ssyncset.done $0x0  }
0x260: {  	[sflag:s13] =	ssyncadd.s32 $0xFFFFD880  }
0x261: {  	_ =	sfence.sel $0x180000  }
0x262: {  	[bflag:$0x0] =	sbarrier.arrive $0xFFFF  }
0x263: {  	_ =	strace $0x90000047  }
0x264: {  	s0 =	stileid.u32;
	[bflag:$0x2] =	sbarrier.arrive $0xFFFF  }
0x265: {  	p0 =	sne.s32 s0, $0x0;
	s0 =	rddreg [dreg:$0x3]  }
0x266: {  	s0 =	sadd.s32 @!p0 $0x100000, s0  }
0x267: {  	[sflag:s0] =	ssyncadd.tile.s32 @!p0 $0x1;
	_ =	shalt  }
.Lfunc_end2:
_tile_overlayer_lowered:
.L_overlay_start_2:
0x268: {  	(tag) =	ssettag $0x2  }
0x269: {  	s0 =	rddreg [dreg:$0x0];
	s2 =	stileid.u32  }
0x26a: {  	s1 =	rddreg [dreg:$0x1];
	p0 =	sne.s32 s2, $0x0  }
0x26b: {  	s3 =	rddreg [dreg:$0x2];
	[bflag:$0x3] =	sbarrier.arrive $0xFFFF;
	s2 =	simm.s32 @!p0 $0x1C04  }
0x26c: {  	[timem:s3], [sflag:s2] =	dma.local @!p0 [hbm:s0], s1  }
0x26d: {  	s0 =	simm.s32 @!p0 $0x4  }
0x26e: {  	_ =	swait.ge @!p0 [sflag:s0], s1  }
0x26f: {  	s1 =	ssub.s32 @!p0 $0x0, s1;
	[sflag:s0] =	ssyncset.done @!p0 $0x0  }
0x270: {  	[sflag:s0] =	ssyncadd.s32 @!p0 s1  }
0x271: {  	[bflag:$0x3] =	sbarrier.arrive $0xFFFF  }
0x272: {  	_ =	shalt  }

</sc_bundles>
